<compile_context>
chip_gen: v7x
topology: tpu7x:2x2x1
jax: 0.10.2.dev20260603
libtpu: 0.0.44.dev20260713+nightly
codegen_flags: <defaults>
</compile_context>

<pallas_src>
import functools

import jax
import jax.numpy as jnp
from jax import lax
from jax.experimental import pallas as pl
from jax.experimental.pallas import tpu as pltpu
from jax.experimental.pallas import tpu_sc as plsc

TOK = 4096
HS = 1024
E = 8
M = 512
D = 256
TPE = TOK // E
EH = E // 2
HTOK = TOK // 2

NC = 2
NS = 16
NW = NC * NS
RPW = HTOK // NW
WPE = TPE // RPW


@functools.lru_cache(maxsize=None)
def _make_sc_gather():
    mesh = plsc.VectorSubcoreMesh(core_axis_name="c", subcore_axis_name="s")

    @functools.partial(
        pl.kernel,
        out_type=[
            jax.ShapeDtypeStruct((HTOK, HS), jnp.float32),
            jax.ShapeDtypeStruct((HTOK, D), jnp.float32),
            jax.ShapeDtypeStruct((HTOK, D), jnp.float32),
        ],
        mesh=mesh,
        scratch_types=[
            pltpu.VMEM((RPW,), jnp.int32),
            pltpu.VMEM((RPW // 2, HS), jnp.float32),
            pltpu.VMEM((RPW // 2, HS), jnp.float32),
            pltpu.VMEM((RPW, D), jnp.float32),
            pltpu.VMEM((RPW, D), jnp.float32),
            pltpu.SemaphoreType.DMA,
            pltpu.SemaphoreType.DMA,
            pltpu.SemaphoreType.DMA,
            pltpu.SemaphoreType.DMA,
            pltpu.SemaphoreType.DMA,
            pltpu.SemaphoreType.DMA,
            pltpu.SemaphoreType.DMA,
            pltpu.SemaphoreType.DMA,
        ],
    )
    def _sc_gather(ctx_hbm, psr_hbm, atk_hbm, eidx_hbm,
                   xs_hbm, ps_hbm, as_hbm,
                   idx_v, buf_a, buf_b, emb_p, emb_a,
                   sem_a, sem_b, sem_p, sem_k,
                   sem_wa, sem_wb, sem_wp, sem_wk):
        wid = lax.axis_index("s") * NC + lax.axis_index("c")
        e = wid // WPE
        col = (wid % WPE) * RPW
        base = wid * RPW
        half = RPW // 2
        pltpu.sync_copy(eidx_hbm.at[e, pl.ds(col, RPW)], idx_v)
        cp_p = pltpu.async_copy(psr_hbm.at[idx_v], emb_p, sem_p)
        cp_k = pltpu.async_copy(atk_hbm.at[idx_v], emb_a, sem_k)
        cp_a = pltpu.async_copy(ctx_hbm.at[idx_v.at[pl.ds(0, half)]],
                                buf_a, sem_a)
        cp_b = pltpu.async_copy(ctx_hbm.at[idx_v.at[pl.ds(half, half)]],
                                buf_b, sem_b)
        cp_a.wait()
        wa = pltpu.async_copy(buf_a, xs_hbm.at[pl.ds(base, half)], sem_wa)
        cp_b.wait()
        wb = pltpu.async_copy(buf_b, xs_hbm.at[pl.ds(base + half, half)],
                              sem_wb)
        cp_p.wait()
        wp = pltpu.async_copy(emb_p, ps_hbm.at[pl.ds(base, RPW)], sem_wp)
        cp_k.wait()
        wk = pltpu.async_copy(emb_a, as_hbm.at[pl.ds(base, RPW)], sem_wk)
        wa.wait()
        wb.wait()
        wp.wait()
        wk.wait()

    return _sc_gather


@functools.lru_cache(maxsize=None)
def _make_sc_scatter():
    mesh = plsc.VectorSubcoreMesh(core_axis_name="c", subcore_axis_name="s")

    @functools.partial(
        pl.kernel,
        out_type=jax.ShapeDtypeStruct((TOK, 2 * D), jnp.float32),
        mesh=mesh,
        scratch_types=[
            pltpu.VMEM((RPW,), jnp.int32),
            pltpu.VMEM((RPW,), jnp.int32),
            pltpu.VMEM((RPW, 2 * D), jnp.float32),
            pltpu.VMEM((RPW, 2 * D), jnp.float32),
            pltpu.VMEM((1, 16), jnp.float32),
            pltpu.VMEM((1, 16), jnp.float32),
            pltpu.SemaphoreType.DMA,
            pltpu.SemaphoreType.DMA,
            pltpu.SemaphoreType.DMA,
            pltpu.SemaphoreType.DMA,
        ],
    )
    def _sc_scatter(b1_hbm, b2_hbm, eidx_hbm, ent1_hbm, ent2_hbm, out_hbm,
                    idx_a, idx_b, buf_a, buf_b, ent1_v, ent2_v,
                    sem_a, sem_b, sem_la, sem_lb):
        wid = lax.axis_index("s") * NC + lax.axis_index("c")
        eh = wid // WPE
        col = (wid % WPE) * RPW
        base = wid * RPW
        pltpu.sync_copy(ent1_hbm, ent1_v)
        pltpu.sync_copy(ent2_hbm, ent2_v)
        ent = ent1_v[0] + ent2_v[0]
        pltpu.sync_copy(eidx_hbm.at[eh, pl.ds(col, RPW)], idx_a)
        pltpu.sync_copy(eidx_hbm.at[EH + eh, pl.ds(col, RPW)], idx_b)
        cp_la = pltpu.async_copy(b1_hbm.at[pl.ds(base, RPW)], buf_a, sem_la)
        cp_lb = pltpu.async_copy(b2_hbm.at[pl.ds(base, RPW)], buf_b, sem_lb)

        def _add_ent(buf):
            def _row(r, _):
                for j in range(2 * D // 16):
                    buf[r, pl.ds(j * 16, 16)] += ent
                return 0
            lax.fori_loop(0, RPW, _row, 0)

        cp_la.wait()
        _add_ent(buf_a)
        cp_a = pltpu.async_copy(buf_a, out_hbm.at[idx_a], sem_a)
        cp_lb.wait()
        _add_ent(buf_b)
        cp_b = pltpu.async_copy(buf_b, out_hbm.at[idx_b], sem_b)
        cp_a.wait()
        cp_b.wait()

    return _sc_scatter


def _make_expert_body(h):
    def _expert_body(x_ref, opsr_ref, oatk_ref, dW_ref, db_ref, plut_ref,
                     alut_ref, w1_ref, b1_ref, w2_ref, b2_ref,
                     out_ref, ent_ref, acc_ref):
        e = pl.program_id(0)
        xb = x_ref[...].astype(jnp.bfloat16)
        logits = jnp.dot(xb, dW_ref[0].astype(jnp.bfloat16),
                         preferred_element_type=jnp.float32) + db_ref[0]
        m = jnp.max(logits, axis=-1, keepdims=True)
        z = logits - m
        ez = jnp.exp(z)
        s = jnp.sum(ez, axis=-1, keepdims=True)
        spt = ez / s
        pspt = z - jnp.log(s)
        ent_blk = jnp.sum(-pspt * spt) * (1.0 / (TPE * M))

        @pl.when(e == 0)
        def _():
            acc_ref[0] = 0.0

        acc_ref[0] += ent_blk

        sptb = spt.astype(jnp.bfloat16)
        psr = jnp.dot(sptb, plut_ref[0].astype(jnp.bfloat16),
                      preferred_element_type=jnp.float32)
        atk = jnp.dot(sptb, alut_ref[0].astype(jnp.bfloat16),
                      preferred_element_type=jnp.float32)

        hh = jnp.maximum(jnp.dot(xb, w1_ref[...].astype(jnp.bfloat16),
                                 preferred_element_type=jnp.float32)
                         + b1_ref[...], 0.0)
        u = jnp.dot(hh.astype(jnp.bfloat16), w2_ref[...].astype(jnp.bfloat16),
                    preferred_element_type=jnp.float32) + b2_ref[...]
        um = jnp.max(u, axis=-1, keepdims=True)
        ue = jnp.exp(u - um)
        c = ue / jnp.sum(ue, axis=-1, keepdims=True)
        c0 = c[:, 0:1]
        c1 = c[:, 1:2]
        out_ref[:, :D] = opsr_ref[...] * c0 + psr * c1
        out_ref[:, D:] = oatk_ref[...] * c0 + atk * c1

        @pl.when(e == EH - 1)
        def _():
            ent_ref[...] = jnp.full((1, 16), acc_ref[0], jnp.float32)

    return _expert_body


@functools.lru_cache(maxsize=None)
def _make_tc_experts(h):
    idx0 = lambda e: (0, 0)
    idxe = lambda e: (e, 0)
    idxe3 = lambda e: (h * EH + e, 0, 0)
    body = _make_expert_body(h)

    def _call(xs, ops, oat, dec_W, dec_b, psr_lut, atk_lut, w1, b1, w2, b2):
        return pl.pallas_call(
            body,
            grid=(EH,),
            in_specs=[
                pl.BlockSpec((TPE, HS), idxe),
                pl.BlockSpec((TPE, D), idxe),
                pl.BlockSpec((TPE, D), idxe),
                pl.BlockSpec((1, HS, M), idxe3),
                pl.BlockSpec((1, 1, M), idxe3),
                pl.BlockSpec((1, M, D), idxe3),
                pl.BlockSpec((1, M, D), idxe3),
                pl.BlockSpec((HS, 64), idx0),
                pl.BlockSpec((1, 64), idx0),
                pl.BlockSpec((64, 2), idx0),
                pl.BlockSpec((1, 2), idx0),
            ],
            out_specs=[
                pl.BlockSpec((TPE, 2 * D), idxe),
                pl.BlockSpec((1, 16), idx0),
            ],
            out_shape=[
                jax.ShapeDtypeStruct((HTOK, 2 * D), jnp.float32),
                jax.ShapeDtypeStruct((1, 16), jnp.float32),
            ],
            scratch_shapes=[pltpu.SMEM((1,), jnp.float32)],
        )(xs, ops, oat, dec_W, dec_b, psr_lut, atk_lut, w1, b1, w2, b2)

    return _call


def kernel(ctx, expert_idx, dec_W, dec_b, copy_W1, copy_b1, copy_W2, copy_b2,
           psr_lut, atk_lut, ori_psr, ori_atk):
    eidx = expert_idx.astype(jnp.int32)
    db3 = dec_b.reshape(E, 1, M)
    b1r = copy_b1.reshape(1, 64)
    b2r = copy_b2.reshape(1, 2)
    xs1, ops1, oat1 = _make_sc_gather()(ctx, ori_psr, ori_atk, eidx[:EH])
    xs2, ops2, oat2 = _make_sc_gather()(ctx, ori_psr, ori_atk, eidx[EH:])
    b1, ent1 = _make_tc_experts(0)(xs1, ops1, oat1, dec_W, db3, psr_lut,
                                   atk_lut, copy_W1, b1r, copy_W2, b2r)
    b2, ent2 = _make_tc_experts(1)(xs2, ops2, oat2, dec_W, db3, psr_lut,
                                   atk_lut, copy_W1, b1r, copy_W2, b2r)
    return _make_sc_scatter()(b1, b2, eidx, ent1, ent2)

# --- scband reference (transcript-rebuilt; emitter-appended) ---
"""Pipeline reference for scband-alltag-copy-ctx-generator-69801808495260 (READ-ONLY COPY).

The authoritative reference and input builder live on the scoring server;
editing this copy changes nothing except your own understanding.
"""

import jax, jax.numpy as jnp
import numpy as np

TOK = 4096
HS = 1024
E = 8
M = 512
D_EMB = 256

def setup_inputs(seed: int = 0) -> dict:
    key = jax.random.key(seed)
    ks = jax.random.split(key, 16)
    perm = jax.random.permutation(ks[0], TOK)
    expert_idx = perm.reshape(E, TOK // E).astype(jnp.int32)
    return {
        'ctx': jax.random.normal(ks[1], (TOK, HS), dtype=jnp.float32),
        'expert_idx': expert_idx,
        'dec_W': jax.random.normal(ks[2], (E, HS, M), dtype=jnp.float32) * 0.02,
        'dec_b': jax.random.normal(ks[3], (E, M), dtype=jnp.float32) * 0.02,
        'copy_W1': jax.random.normal(ks[4], (HS, 64), dtype=jnp.float32) * 0.02,
        'copy_b1': jax.random.normal(ks[5], (64,), dtype=jnp.float32) * 0.02,
        'copy_W2': jax.random.normal(ks[6], (64, 2), dtype=jnp.float32) * 0.02,
        'copy_b2': jax.random.normal(ks[7], (2,), dtype=jnp.float32) * 0.02,
        'psr_lut': jax.random.normal(ks[8], (E, M, D_EMB), dtype=jnp.float32) * 0.02,
        'atk_lut': jax.random.normal(ks[9], (E, M, D_EMB), dtype=jnp.float32) * 0.02,
        'ori_psr': jax.random.normal(ks[10], (TOK, D_EMB), dtype=jnp.float32),
        'ori_atk': jax.random.normal(ks[11], (TOK, D_EMB), dtype=jnp.float32),
    }

def reference(ctx, expert_idx, dec_W, dec_b, copy_W1, copy_b1, copy_W2, copy_b2, psr_lut, atk_lut, ori_psr, ori_atk):
    t = 1.0  # eval-mode temperature
    # copy classifier (Linear -> ReLU -> Linear -> LogSoftmax)
    h = jnp.maximum(ctx @ copy_W1 + copy_b1, 0.0)
    pcpy = jax.nn.log_softmax(h @ copy_W2 + copy_b2, axis=-1)
    cpy = jax.nn.softmax(pcpy / t, axis=-1)  # relaxed gumbel-softmax (noise-free for determinism)
    obf_psr = ori_psr
    obf_atk = ori_atk
    ent = jnp.float32(0.0)
    n_experts = dec_W.shape[0]
    for e in range(n_experts):
        idx = expert_idx[e]
        x = ctx[idx]  # gather tokens routed to this POS expert
        pspt = jax.nn.log_softmax(x @ dec_W[e] + dec_b[e], axis=-1)
        ent = ent + (-pspt * jnp.exp(pspt)).mean()
        spt = jax.nn.softmax(pspt / t, axis=-1)
        obf_psr = obf_psr.at[idx].set(spt @ psr_lut[e])
        obf_atk = obf_atk.at[idx].set(spt @ atk_lut[e])
    c0 = cpy[:, 0:1]
    c1 = cpy[:, 1:2]
    psr_final = ori_psr * c0 + obf_psr * c1
    atk_final = ori_atk * c0 + obf_atk * c1
    out = jnp.concatenate([psr_final, atk_final], axis=-1) + ent
    return out

if __name__ == "__main__":
    import jax
    _d = setup_inputs()
    print(jax.jit(kernel)(*tuple(_d.values())))

</pallas_src>

<mosaic_0001>
#map = affine_map<(d0, d1) -> (0, 0)>
module attributes {stable_mosaic.version = 14 : i64} {
  func.func @_sc_scatter(%arg0: i32, %arg1: i32, %arg2: memref<2048x512xf32, #tpu.memory_space<hbm>>, %arg3: memref<2048x512xf32, #tpu.memory_space<hbm>>, %arg4: memref<8x512xi32, #tpu.memory_space<hbm>>, %arg5: memref<1x16xf32, #tpu.memory_space<hbm>>, %arg6: memref<1x16xf32, #tpu.memory_space<hbm>>, %arg7: memref<4096x512xf32, #tpu.memory_space<hbm>>, %arg8: memref<64xi32, #tpu.memory_space<vmem>>, %arg9: memref<64xi32, #tpu.memory_space<vmem>>, %arg10: memref<64x512xf32, #tpu.memory_space<vmem>>, %arg11: memref<64x512xf32, #tpu.memory_space<vmem>>, %arg12: memref<1x16xf32, #tpu.memory_space<vmem>>, %arg13: memref<1x16xf32, #tpu.memory_space<vmem>>, %arg14: memref<!tpu.dma_semaphore, #tpu.memory_space<semaphore_mem>>, %arg15: memref<!tpu.dma_semaphore, #tpu.memory_space<semaphore_mem>>, %arg16: memref<!tpu.dma_semaphore, #tpu.memory_space<semaphore_mem>>, %arg17: memref<!tpu.dma_semaphore, #tpu.memory_space<semaphore_mem>>) attributes {dimension_semantics = [#tpu.dimension_semantics<core_parallel>, #tpu.dimension_semantics<subcore_parallel>], iteration_bounds = array<i64: 2, 16>, scalar_prefetch = 0 : i64, scratch_operands = 10 : i64, tpu.core_type = #tpu.core_type<sc_vector_subcore>, window_params = [{transform_indices = #map}, {transform_indices = #map}, {transform_indices = #map}, {transform_indices = #map}, {transform_indices = #map}, {transform_indices = #map}]} {
    %mul3A = arith.constant 2 : i32
    %mul3A_0 = arith.muli %arg1, %mul3A : i32
    %add3A = arith.addi %mul3A_0, %arg0 : i32
    %jit3A = arith.constant 8 : i32
    %div3A = arith.divsi %add3A, %jit3A : i32
    %sign3A = arith.constant 0 : i32
    %sign3A_1 = arith.cmpi sgt, %add3A, %sign3A : i32
    %sign3A_2 = arith.extui %sign3A_1 : i1 to i32
    %sign3A_3 = arith.constant 0 : i32
    %sign3A_4 = arith.cmpi slt, %add3A, %sign3A_3 : i32
    %sign3A_5 = arith.extui %sign3A_4 : i1 to i32
    %sign3A_6 = arith.subi %sign3A_2, %sign3A_5 : i32
    %sign3A_7 = arith.constant 0 : i32
    %sign3A_8 = arith.cmpi sgt, %jit3A, %sign3A_7 : i32
    %sign3A_9 = arith.extui %sign3A_8 : i1 to i32
    %sign3A_10 = arith.constant 0 : i32
    %sign3A_11 = arith.cmpi slt, %jit3A, %sign3A_10 : i32
    %sign3A_12 = arith.extui %sign3A_11 : i1 to i32
    %sign3A_13 = arith.subi %sign3A_9, %sign3A_12 : i32
    %ne3A = arith.cmpi ne, %sign3A_6, %sign3A_13 : i32
    %rem3A = arith.remsi %add3A, %jit3A : i32
    %ne3A_14 = arith.constant 0 : i32
    %ne3A_15 = arith.cmpi ne, %rem3A, %ne3A_14 : i32
    %and3A = arith.andi %ne3A, %ne3A_15 : i1
    %sub3A = arith.constant 1 : i32
    %sub3A_16 = arith.subi %div3A, %sub3A : i32
    %select_n3A = arith.select %and3A, %sub3A_16, %div3A : i32
    %jit3A_17 = arith.constant 8 : i32
    %eq3A = arith.constant 0 : i32
    %eq3A_18 = arith.cmpi eq, %jit3A_17, %eq3A : i32
    %jit3A_19 = arith.constant 1 : i32
    %select_n3A_20 = arith.select %eq3A_18, %jit3A_19, %jit3A_17 : i32
    %rem3A_21 = arith.remsi %add3A, %select_n3A_20 : i32
    %ne3A_22 = arith.constant 0 : i32
    %ne3A_23 = arith.cmpi ne, %rem3A_21, %ne3A_22 : i32
    %lt3A = arith.constant 0 : i32
    %lt3A_24 = arith.cmpi slt, %rem3A_21, %lt3A : i32
    %lt3A_25 = arith.constant 0 : i32
    %lt3A_26 = arith.cmpi slt, %select_n3A_20, %lt3A_25 : i32
    %ne3A_27 = arith.xori %lt3A_24, %lt3A_26 : i1
    %and3A_28 = arith.andi %ne3A_27, %ne3A_23 : i1
    %add3A_29 = arith.addi %rem3A_21, %select_n3A_20 : i32
    %select_n3A_30 = arith.select %and3A_28, %add3A_29, %rem3A_21 : i32
    %mul3A_31 = arith.constant 64 : i32
    %mul3A_32 = arith.muli %select_n3A_30, %mul3A_31 : i32
    %mul3A_33 = arith.constant 64 : i32
    %mul3A_34 = arith.muli %add3A, %mul3A_33 : i32
    "tpu.region"() ({
      %run_scoped3A = tpu.sem_alloc : memref<!tpu.dma_semaphore, #tpu.memory_space<semaphore_mem>>
      tpu.enqueue_dma source(%arg5 : memref<1x16xf32, #tpu.memory_space<hbm>>) target(%arg12 : memref<1x16xf32, #tpu.memory_space<vmem>>) target_semaphore(%run_scoped3A : memref<!tpu.dma_semaphore, #tpu.memory_space<semaphore_mem>>)
      tpu.wait_dma2 semaphore(%run_scoped3A : memref<!tpu.dma_semaphore, #tpu.memory_space<semaphore_mem>>) src(%arg5 : memref<1x16xf32, #tpu.memory_space<hbm>>) dst(%arg12 : memref<1x16xf32, #tpu.memory_space<vmem>>)
      tpu.yield
    }) : () -> ()
    "tpu.region"() ({
      %run_scoped3A = tpu.sem_alloc : memref<!tpu.dma_semaphore, #tpu.memory_space<semaphore_mem>>
      tpu.enqueue_dma source(%arg6 : memref<1x16xf32, #tpu.memory_space<hbm>>) target(%arg13 : memref<1x16xf32, #tpu.memory_space<vmem>>) target_semaphore(%run_scoped3A : memref<!tpu.dma_semaphore, #tpu.memory_space<semaphore_mem>>)
      tpu.wait_dma2 semaphore(%run_scoped3A : memref<!tpu.dma_semaphore, #tpu.memory_space<semaphore_mem>>) src(%arg6 : memref<1x16xf32, #tpu.memory_space<hbm>>) dst(%arg13 : memref<1x16xf32, #tpu.memory_space<vmem>>)
      tpu.yield
    }) : () -> ()
    %get3A = arith.constant 0 : i32
    %get3A_35 = arith.index_cast %get3A : i32 to index
    %get3A_36 = arith.constant 0 : index
    %get3A_37 = tpu.vector_load %arg12[%get3A_35, %get3A_36] {strides = array<i32>} : memref<1x16xf32, #tpu.memory_space<vmem>>, vector<1x16xf32>,
    %get3A_38 = vector.shape_cast %get3A_37 : vector<1x16xf32> to vector<16xf32>
    %get3A_39 = arith.constant 0 : i32
    %get3A_40 = arith.index_cast %get3A_39 : i32 to index
    %get3A_41 = arith.constant 0 : index
    %get3A_42 = tpu.vector_load %arg13[%get3A_40, %get3A_41] {strides = array<i32>} : memref<1x16xf32, #tpu.memory_space<vmem>>, vector<1x16xf32>,
    %get3A_43 = vector.shape_cast %get3A_42 : vector<1x16xf32> to vector<16xf32>
    %add3A_44 = arith.addf %get3A_38, %get3A_43 : vector<16xf32>
    "tpu.region"() ({
      %run_scoped3A = tpu.sem_alloc : memref<!tpu.dma_semaphore, #tpu.memory_space<semaphore_mem>>
      %dma_start3A_86 = tpu.memref_slice %arg4[%select_n3A, %mul3A_32] : memref<8x512xi32, #tpu.memory_space<hbm>> -> memref<1x64xi32, #tpu.memory_space<hbm>>
      %dma_start3A_87 = tpu.memref_squeeze %dma_start3A_86 : memref<1x64xi32, #tpu.memory_space<hbm>> -> memref<64xi32, #tpu.memory_space<hbm>>
      %dma_start3A_88 = tpu.memref_slice %arg4[%select_n3A, %mul3A_32] : memref<8x512xi32, #tpu.memory_space<hbm>> -> memref<1x64xi32, #tpu.memory_space<hbm>>
      %dma_start3A_89 = tpu.memref_squeeze %dma_start3A_88 : memref<1x64xi32, #tpu.memory_space<hbm>> -> memref<64xi32, #tpu.memory_space<hbm>>
      tpu.enqueue_dma source(%dma_start3A_89 : memref<64xi32, #tpu.memory_space<hbm>>) target(%arg8 : memref<64xi32, #tpu.memory_space<vmem>>) target_semaphore(%run_scoped3A : memref<!tpu.dma_semaphore, #tpu.memory_space<semaphore_mem>>)
      %dma_wait3A_90 = tpu.memref_slice %arg4[%select_n3A, %mul3A_32] : memref<8x512xi32, #tpu.memory_space<hbm>> -> memref<1x64xi32, #tpu.memory_space<hbm>>
      %dma_wait3A_91 = tpu.memref_squeeze %dma_wait3A_90 : memref<1x64xi32, #tpu.memory_space<hbm>> -> memref<64xi32, #tpu.memory_space<hbm>>
      %dma_wait3A_92 = tpu.memref_slice %arg4[%select_n3A, %mul3A_32] : memref<8x512xi32, #tpu.memory_space<hbm>> -> memref<1x64xi32, #tpu.memory_space<hbm>>
      %dma_wait3A_93 = tpu.memref_squeeze %dma_wait3A_92 : memref<1x64xi32, #tpu.memory_space<hbm>> -> memref<64xi32, #tpu.memory_space<hbm>>
      tpu.wait_dma2 semaphore(%run_scoped3A : memref<!tpu.dma_semaphore, #tpu.memory_space<semaphore_mem>>) src(%dma_wait3A_93 : memref<64xi32, #tpu.memory_space<hbm>>) dst(%arg8 : memref<64xi32, #tpu.memory_space<vmem>>)
      tpu.yield
    }) : () -> ()
    %add3A_45 = arith.constant 4 : i32
    %add3A_46 = arith.addi %add3A_45, %select_n3A : i32
    "tpu.region"() ({
      %run_scoped3A = tpu.sem_alloc : memref<!tpu.dma_semaphore, #tpu.memory_space<semaphore_mem>>
      %dma_start3A_86 = tpu.memref_slice %arg4[%add3A_46, %mul3A_32] : memref<8x512xi32, #tpu.memory_space<hbm>> -> memref<1x64xi32, #tpu.memory_space<hbm>>
      %dma_start3A_87 = tpu.memref_squeeze %dma_start3A_86 : memref<1x64xi32, #tpu.memory_space<hbm>> -> memref<64xi32, #tpu.memory_space<hbm>>
      %dma_start3A_88 = tpu.memref_slice %arg4[%add3A_46, %mul3A_32] : memref<8x512xi32, #tpu.memory_space<hbm>> -> memref<1x64xi32, #tpu.memory_space<hbm>>
      %dma_start3A_89 = tpu.memref_squeeze %dma_start3A_88 : memref<1x64xi32, #tpu.memory_space<hbm>> -> memref<64xi32, #tpu.memory_space<hbm>>
      tpu.enqueue_dma source(%dma_start3A_89 : memref<64xi32, #tpu.memory_space<hbm>>) target(%arg9 : memref<64xi32, #tpu.memory_space<vmem>>) target_semaphore(%run_scoped3A : memref<!tpu.dma_semaphore, #tpu.memory_space<semaphore_mem>>)
      %dma_wait3A_90 = tpu.memref_slice %arg4[%add3A_46, %mul3A_32] : memref<8x512xi32, #tpu.memory_space<hbm>> -> memref<1x64xi32, #tpu.memory_space<hbm>>
      %dma_wait3A_91 = tpu.memref_squeeze %dma_wait3A_90 : memref<1x64xi32, #tpu.memory_space<hbm>> -> memref<64xi32, #tpu.memory_space<hbm>>
      %dma_wait3A_92 = tpu.memref_slice %arg4[%add3A_46, %mul3A_32] : memref<8x512xi32, #tpu.memory_space<hbm>> -> memref<1x64xi32, #tpu.memory_space<hbm>>
      %dma_wait3A_93 = tpu.memref_squeeze %dma_wait3A_92 : memref<1x64xi32, #tpu.memory_space<hbm>> -> memref<64xi32, #tpu.memory_space<hbm>>
      tpu.wait_dma2 semaphore(%run_scoped3A : memref<!tpu.dma_semaphore, #tpu.memory_space<semaphore_mem>>) src(%dma_wait3A_93 : memref<64xi32, #tpu.memory_space<hbm>>) dst(%arg9 : memref<64xi32, #tpu.memory_space<vmem>>)
      tpu.yield
    }) : () -> ()
    %dma_start3A = arith.constant 0 : i32
    %dma_start3A_47 = tpu.memref_slice %arg2[%mul3A_34, %dma_start3A] : memref<2048x512xf32, #tpu.memory_space<hbm>> -> memref<64x512xf32, #tpu.memory_space<hbm>>
    %dma_start3A_48 = arith.constant 0 : i32
    %dma_start3A_49 = tpu.memref_slice %arg2[%mul3A_34, %dma_start3A_48] : memref<2048x512xf32, #tpu.memory_space<hbm>> -> memref<64x512xf32, #tpu.memory_space<hbm>>
    tpu.enqueue_dma source(%dma_start3A_49 : memref<64x512xf32, #tpu.memory_space<hbm>>) target(%arg10 : memref<64x512xf32, #tpu.memory_space<vmem>>) target_semaphore(%arg16 : memref<!tpu.dma_semaphore, #tpu.memory_space<semaphore_mem>>)
    %dma_start3A_50 = arith.constant 0 : i32
    %dma_start3A_51 = tpu.memref_slice %arg3[%mul3A_34, %dma_start3A_50] : memref<2048x512xf32, #tpu.memory_space<hbm>> -> memref<64x512xf32, #tpu.memory_space<hbm>>
    %dma_start3A_52 = arith.constant 0 : i32
    %dma_start3A_53 = tpu.memref_slice %arg3[%mul3A_34, %dma_start3A_52] : memref<2048x512xf32, #tpu.memory_space<hbm>> -> memref<64x512xf32, #tpu.memory_space<hbm>>
    tpu.enqueue_dma source(%dma_start3A_53 : memref<64x512xf32, #tpu.memory_space<hbm>>) target(%arg11 : memref<64x512xf32, #tpu.memory_space<vmem>>) target_semaphore(%arg17 : memref<!tpu.dma_semaphore, #tpu.memory_space<semaphore_mem>>)
    %dma_wait3A = arith.constant 0 : i32
    %dma_wait3A_54 = tpu.memref_slice %arg2[%mul3A_34, %dma_wait3A] : memref<2048x512xf32, #tpu.memory_space<hbm>> -> memref<64x512xf32, #tpu.memory_space<hbm>>
    %dma_wait3A_55 = arith.constant 0 : i32
    %dma_wait3A_56 = tpu.memref_slice %arg2[%mul3A_34, %dma_wait3A_55] : memref<2048x512xf32, #tpu.memory_space<hbm>> -> memref<64x512xf32, #tpu.memory_space<hbm>>
    tpu.wait_dma2 semaphore(%arg16 : memref<!tpu.dma_semaphore, #tpu.memory_space<semaphore_mem>>) src(%dma_wait3A_56 : memref<64x512xf32, #tpu.memory_space<hbm>>) dst(%arg10 : memref<64x512xf32, #tpu.memory_space<vmem>>)
    %scan3A = arith.constant 0 : i32
    %scan3A_57 = arith.constant 0 : i32
    %scan3A_58 = arith.constant 64 : i32
    %scan3A_59 = arith.addi %scan3A_57, %scan3A_58 : i32
    %scan3A_60 = arith.constant 1 : i32
    %scan3A_61 = scf.for %scan3A_86 = %scan3A_57 to %scan3A_59 step %scan3A_60 iter_args(%scan3A_87 = %scan3A) -> (i32)  : i32 {
      %get3A_88 = arith.index_cast %scan3A_86 : i32 to index
      %get3A_89 = arith.constant 0 : index
      %get3A_90 = tpu.vector_load %arg10[%get3A_88, %get3A_89] {strides = array<i32>} : memref<64x512xf32, #tpu.memory_space<vmem>>, vector<1x16xf32>,
      %get3A_91 = vector.shape_cast %get3A_90 : vector<1x16xf32> to vector<16xf32>
      %add3A_92 = arith.addf %get3A_91, %add3A_44 : vector<16xf32>
      %swap3A = arith.index_cast %scan3A_86 : i32 to index
      %swap3A_93 = arith.constant 0 : index
      %swap3A_94 = tpu.vector_load %arg10[%swap3A, %swap3A_93] {strides = array<i32>} : memref<64x512xf32, #tpu.memory_space<vmem>>, vector<1x16xf32>,
      %swap3A_95 = vector.shape_cast %swap3A_94 : vector<1x16xf32> to vector<16xf32>
      %swap3A_96 = vector.shape_cast %add3A_92 : vector<16xf32> to vector<1x16xf32>
      tpu.vector_store %arg10[%swap3A, %swap3A_93], %swap3A_96 {strides = array<i32>} : memref<64x512xf32, #tpu.memory_space<vmem>>, vector<1x16xf32>,
      %get3A_97 = arith.index_cast %scan3A_86 : i32 to index
      %get3A_98 = arith.constant 16 : index
      %get3A_99 = tpu.vector_load %arg10[%get3A_97, %get3A_98] {strides = array<i32>} : memref<64x512xf32, #tpu.memory_space<vmem>>, vector<1x16xf32>,
      %get3A_100 = vector.shape_cast %get3A_99 : vector<1x16xf32> to vector<16xf32>
      %add3A_101 = arith.addf %get3A_100, %add3A_44 : vector<16xf32>
      %swap3A_102 = arith.index_cast %scan3A_86 : i32 to index
      %swap3A_103 = arith.constant 16 : index
      %swap3A_104 = tpu.vector_load %arg10[%swap3A_102, %swap3A_103] {strides = array<i32>} : memref<64x512xf32, #tpu.memory_space<vmem>>, vector<1x16xf32>,
      %swap3A_105 = vector.shape_cast %swap3A_104 : vector<1x16xf32> to vector<16xf32>
      %swap3A_106 = vector.shape_cast %add3A_101 : vector<16xf32> to vector<1x16xf32>
      tpu.vector_store %arg10[%swap3A_102, %swap3A_103], %swap3A_106 {strides = array<i32>} : memref<64x512xf32, #tpu.memory_space<vmem>>, vector<1x16xf32>,
      %get3A_107 = arith.index_cast %scan3A_86 : i32 to index
      %get3A_108 = arith.constant 32 : index
      %get3A_109 = tpu.vector_load %arg10[%get3A_107, %get3A_108] {strides = array<i32>} : memref<64x512xf32, #tpu.memory_space<vmem>>, vector<1x16xf32>,
      %get3A_110 = vector.shape_cast %get3A_109 : vector<1x16xf32> to vector<16xf32>
      %add3A_111 = arith.addf %get3A_110, %add3A_44 : vector<16xf32>
      %swap3A_112 = arith.index_cast %scan3A_86 : i32 to index
      %swap3A_113 = arith.constant 32 : index
      %swap3A_114 = tpu.vector_load %arg10[%swap3A_112, %swap3A_113] {strides = array<i32>} : memref<64x512xf32, #tpu.memory_space<vmem>>, vector<1x16xf32>,
      %swap3A_115 = vector.shape_cast %swap3A_114 : vector<1x16xf32> to vector<16xf32>
      %swap3A_116 = vector.shape_cast %add3A_111 : vector<16xf32> to vector<1x16xf32>
      tpu.vector_store %arg10[%swap3A_112, %swap3A_113], %swap3A_116 {strides = array<i32>} : memref<64x512xf32, #tpu.memory_space<vmem>>, vector<1x16xf32>,
      %get3A_117 = arith.index_cast %scan3A_86 : i32 to index
      %get3A_118 = arith.constant 48 : index
      %get3A_119 = tpu.vector_load %arg10[%get3A_117, %get3A_118] {strides = array<i32>} : memref<64x512xf32, #tpu.memory_space<vmem>>, vector<1x16xf32>,
      %get3A_120 = vector.shape_cast %get3A_119 : vector<1x16xf32> to vector<16xf32>
      %add3A_121 = arith.addf %get3A_120, %add3A_44 : vector<16xf32>
      %swap3A_122 = arith.index_cast %scan3A_86 : i32 to index
      %swap3A_123 = arith.constant 48 : index
      %swap3A_124 = tpu.vector_load %arg10[%swap3A_122, %swap3A_123] {strides = array<i32>} : memref<64x512xf32, #tpu.memory_space<vmem>>, vector<1x16xf32>,
      %swap3A_125 = vector.shape_cast %swap3A_124 : vector<1x16xf32> to vector<16xf32>
      %swap3A_126 = vector.shape_cast %add3A_121 : vector<16xf32> to vector<1x16xf32>
      tpu.vector_store %arg10[%swap3A_122, %swap3A_123], %swap3A_126 {strides = array<i32>} : memref<64x512xf32, #tpu.memory_space<vmem>>, vector<1x16xf32>,
      %get3A_127 = arith.index_cast %scan3A_86 : i32 to index
      %get3A_128 = arith.constant 64 : index
      %get3A_129 = tpu.vector_load %arg10[%get3A_127, %get3A_128] {strides = array<i32>} : memref<64x512xf32, #tpu.memory_space<vmem>>, vector<1x16xf32>,
      %get3A_130 = vector.shape_cast %get3A_129 : vector<1x16xf32> to vector<16xf32>
      %add3A_131 = arith.addf %get3A_130, %add3A_44 : vector<16xf32>
      %swap3A_132 = arith.index_cast %scan3A_86 : i32 to index
      %swap3A_133 = arith.constant 64 : index
      %swap3A_134 = tpu.vector_load %arg10[%swap3A_132, %swap3A_133] {strides = array<i32>} : memref<64x512xf32, #tpu.memory_space<vmem>>, vector<1x16xf32>,
      %swap3A_135 = vector.shape_cast %swap3A_134 : vector<1x16xf32> to vector<16xf32>
      %swap3A_136 = vector.shape_cast %add3A_131 : vector<16xf32> to vector<1x16xf32>
      tpu.vector_store %arg10[%swap3A_132, %swap3A_133], %swap3A_136 {strides = array<i32>} : memref<64x512xf32, #tpu.memory_space<vmem>>, vector<1x16xf32>,
      %get3A_137 = arith.index_cast %scan3A_86 : i32 to index
      %get3A_138 = arith.constant 80 : index
      %get3A_139 = tpu.vector_load %arg10[%get3A_137, %get3A_138] {strides = array<i32>} : memref<64x512xf32, #tpu.memory_space<vmem>>, vector<1x16xf32>,
      %get3A_140 = vector.shape_cast %get3A_139 : vector<1x16xf32> to vector<16xf32>
      %add3A_141 = arith.addf %get3A_140, %add3A_44 : vector<16xf32>
      %swap3A_142 = arith.index_cast %scan3A_86 : i32 to index
      %swap3A_143 = arith.constant 80 : index
      %swap3A_144 = tpu.vector_load %arg10[%swap3A_142, %swap3A_143] {strides = array<i32>} : memref<64x512xf32, #tpu.memory_space<vmem>>, vector<1x16xf32>,
      %swap3A_145 = vector.shape_cast %swap3A_144 : vector<1x16xf32> to vector<16xf32>
      %swap3A_146 = vector.shape_cast %add3A_141 : vector<16xf32> to vector<1x16xf32>
      tpu.vector_store %arg10[%swap3A_142, %swap3A_143], %swap3A_146 {strides = array<i32>} : memref<64x512xf32, #tpu.memory_space<vmem>>, vector<1x16xf32>,
      %get3A_147 = arith.index_cast %scan3A_86 : i32 to index
      %get3A_148 = arith.constant 96 : index
      %get3A_149 = tpu.vector_load %arg10[%get3A_147, %get3A_148] {strides = array<i32>} : memref<64x512xf32, #tpu.memory_space<vmem>>, vector<1x16xf32>,
      %get3A_150 = vector.shape_cast %get3A_149 : vector<1x16xf32> to vector<16xf32>
      %add3A_151 = arith.addf %get3A_150, %add3A_44 : vector<16xf32>
      %swap3A_152 = arith.index_cast %scan3A_86 : i32 to index
      %swap3A_153 = arith.constant 96 : index
      %swap3A_154 = tpu.vector_load %arg10[%swap3A_152, %swap3A_153] {strides = array<i32>} : memref<64x512xf32, #tpu.memory_space<vmem>>, vector<1x16xf32>,
      %swap3A_155 = vector.shape_cast %swap3A_154 : vector<1x16xf32> to vector<16xf32>
      %swap3A_156 = vector.shape_cast %add3A_151 : vector<16xf32> to vector<1x16xf32>
      tpu.vector_store %arg10[%swap3A_152, %swap3A_153], %swap3A_156 {strides = array<i32>} : memref<64x512xf32, #tpu.memory_space<vmem>>, vector<1x16xf32>,
      %get3A_157 = arith.index_cast %scan3A_86 : i32 to index
      %get3A_158 = arith.constant 112 : index
      %get3A_159 = tpu.vector_load %arg10[%get3A_157, %get3A_158] {strides = array<i32>} : memref<64x512xf32, #tpu.memory_space<vmem>>, vector<1x16xf32>,
      %get3A_160 = vector.shape_cast %get3A_159 : vector<1x16xf32> to vector<16xf32>
      %add3A_161 = arith.addf %get3A_160, %add3A_44 : vector<16xf32>
      %swap3A_162 = arith.index_cast %scan3A_86 : i32 to index
      %swap3A_163 = arith.constant 112 : index
      %swap3A_164 = tpu.vector_load %arg10[%swap3A_162, %swap3A_163] {strides = array<i32>} : memref<64x512xf32, #tpu.memory_space<vmem>>, vector<1x16xf32>,
      %swap3A_165 = vector.shape_cast %swap3A_164 : vector<1x16xf32> to vector<16xf32>
      %swap3A_166 = vector.shape_cast %add3A_161 : vector<16xf32> to vector<1x16xf32>
      tpu.vector_store %arg10[%swap3A_162, %swap3A_163], %swap3A_166 {strides = array<i32>} : memref<64x512xf32, #tpu.memory_space<vmem>>, vector<1x16xf32>,
      %get3A_167 = arith.index_cast %scan3A_86 : i32 to index
      %get3A_168 = arith.constant 128 : index
      %get3A_169 = tpu.vector_load %arg10[%get3A_167, %get3A_168] {strides = array<i32>} : memref<64x512xf32, #tpu.memory_space<vmem>>, vector<1x16xf32>,
      %get3A_170 = vector.shape_cast %get3A_169 : vector<1x16xf32> to vector<16xf32>
      %add3A_171 = arith.addf %get3A_170, %add3A_44 : vector<16xf32>
      %swap3A_172 = arith.index_cast %scan3A_86 : i32 to index
      %swap3A_173 = arith.constant 128 : index
      %swap3A_174 = tpu.vector_load %arg10[%swap3A_172, %swap3A_173] {strides = array<i32>} : memref<64x512xf32, #tpu.memory_space<vmem>>, vector<1x16xf32>,
      %swap3A_175 = vector.shape_cast %swap3A_174 : vector<1x16xf32> to vector<16xf32>
      %swap3A_176 = vector.shape_cast %add3A_171 : vector<16xf32> to vector<1x16xf32>
      tpu.vector_store %arg10[%swap3A_172, %swap3A_173], %swap3A_176 {strides = array<i32>} : memref<64x512xf32, #tpu.memory_space<vmem>>, vector<1x16xf32>,
      %get3A_177 = arith.index_cast %scan3A_86 : i32 to index
      %get3A_178 = arith.constant 144 : index
      %get3A_179 = tpu.vector_load %arg10[%get3A_177, %get3A_178] {strides = array<i32>} : memref<64x512xf32, #tpu.memory_space<vmem>>, vector<1x16xf32>,
      %get3A_180 = vector.shape_cast %get3A_179 : vector<1x16xf32> to vector<16xf32>
      %add3A_181 = arith.addf %get3A_180, %add3A_44 : vector<16xf32>
      %swap3A_182 = arith.index_cast %scan3A_86 : i32 to index
      %swap3A_183 = arith.constant 144 : index
      %swap3A_184 = tpu.vector_load %arg10[%swap3A_182, %swap3A_183] {strides = array<i32>} : memref<64x512xf32, #tpu.memory_space<vmem>>, vector<1x16xf32>,
      %swap3A_185 = vector.shape_cast %swap3A_184 : vector<1x16xf32> to vector<16xf32>
      %swap3A_186 = vector.shape_cast %add3A_181 : vector<16xf32> to vector<1x16xf32>
      tpu.vector_store %arg10[%swap3A_182, %swap3A_183], %swap3A_186 {strides = array<i32>} : memref<64x512xf32, #tpu.memory_space<vmem>>, vector<1x16xf32>,
      %get3A_187 = arith.index_cast %scan3A_86 : i32 to index
      %get3A_188 = arith.constant 160 : index
      %get3A_189 = tpu.vector_load %arg10[%get3A_187, %get3A_188] {strides = array<i32>} : memref<64x512xf32, #tpu.memory_space<vmem>>, vector<1x16xf32>,
      %get3A_190 = vector.shape_cast %get3A_189 : vector<1x16xf32> to vector<16xf32>
      %add3A_191 = arith.addf %get3A_190, %add3A_44 : vector<16xf32>
      %swap3A_192 = arith.index_cast %scan3A_86 : i32 to index
      %swap3A_193 = arith.constant 160 : index
      %swap3A_194 = tpu.vector_load %arg10[%swap3A_192, %swap3A_193] {strides = array<i32>} : memref<64x512xf32, #tpu.memory_space<vmem>>, vector<1x16xf32>,
      %swap3A_195 = vector.shape_cast %swap3A_194 : vector<1x16xf32> to vector<16xf32>
      %swap3A_196 = vector.shape_cast %add3A_191 : vector<16xf32> to vector<1x16xf32>
      tpu.vector_store %arg10[%swap3A_192, %swap3A_193], %swap3A_196 {strides = array<i32>} : memref<64x512xf32, #tpu.memory_space<vmem>>, vector<1x16xf32>,
      %get3A_197 = arith.index_cast %scan3A_86 : i32 to index
      %get3A_198 = arith.constant 176 : index
      %get3A_199 = tpu.vector_load %arg10[%get3A_197, %get3A_198] {strides = array<i32>} : memref<64x512xf32, #tpu.memory_space<vmem>>, vector<1x16xf32>,
      %get3A_200 = vector.shape_cast %get3A_199 : vector<1x16xf32> to vector<16xf32>
      %add3A_201 = arith.addf %get3A_200, %add3A_44 : vector<16xf32>
      %swap3A_202 = arith.index_cast %scan3A_86 : i32 to index
      %swap3A_203 = arith.constant 176 : index
      %swap3A_204 = tpu.vector_load %arg10[%swap3A_202, %swap3A_203] {strides = array<i32>} : memref<64x512xf32, #tpu.memory_space<vmem>>, vector<1x16xf32>,
      %swap3A_205 = vector.shape_cast %swap3A_204 : vector<1x16xf32> to vector<16xf32>
      %swap3A_206 = vector.shape_cast %add3A_201 : vector<16xf32> to vector<1x16xf32>
      tpu.vector_store %arg10[%swap3A_202, %swap3A_203], %swap3A_206 {strides = array<i32>} : memref<64x512xf32, #tpu.memory_space<vmem>>, vector<1x16xf32>,
      %get3A_207 = arith.index_cast %scan3A_86 : i32 to index
      %get3A_208 = arith.constant 192 : index
      %get3A_209 = tpu.vector_load %arg10[%get3A_207, %get3A_208] {strides = array<i32>} : memref<64x512xf32, #tpu.memory_space<vmem>>, vector<1x16xf32>,
      %get3A_210 = vector.shape_cast %get3A_209 : vector<1x16xf32> to vector<16xf32>
      %add3A_211 = arith.addf %get3A_210, %add3A_44 : vector<16xf32>
      %swap3A_212 = arith.index_cast %scan3A_86 : i32 to index
      %swap3A_213 = arith.constant 192 : index
      %swap3A_214 = tpu.vector_load %arg10[%swap3A_212, %swap3A_213] {strides = array<i32>} : memref<64x512xf32, #tpu.memory_space<vmem>>, vector<1x16xf32>,
      %swap3A_215 = vector.shape_cast %swap3A_214 : vector<1x16xf32> to vector<16xf32>
      %swap3A_216 = vector.shape_cast %add3A_211 : vector<16xf32> to vector<1x16xf32>
      tpu.vector_store %arg10[%swap3A_212, %swap3A_213], %swap3A_216 {strides = array<i32>} : memref<64x512xf32, #tpu.memory_space<vmem>>, vector<1x16xf32>,
      %get3A_217 = arith.index_cast %scan3A_86 : i32 to index
      %get3A_218 = arith.constant 208 : index
      %get3A_219 = tpu.vector_load %arg10[%get3A_217, %get3A_218] {strides = array<i32>} : memref<64x512xf32, #tpu.memory_space<vmem>>, vector<1x16xf32>,
      %get3A_220 = vector.shape_cast %get3A_219 : vector<1x16xf32> to vector<16xf32>
      %add3A_221 = arith.addf %get3A_220, %add3A_44 : vector<16xf32>
      %swap3A_222 = arith.index_cast %scan3A_86 : i32 to index
      %swap3A_223 = arith.constant 208 : index
      %swap3A_224 = tpu.vector_load %arg10[%swap3A_222, %swap3A_223] {strides = array<i32>} : memref<64x512xf32, #tpu.memory_space<vmem>>, vector<1x16xf32>,
      %swap3A_225 = vector.shape_cast %swap3A_224 : vector<1x16xf32> to vector<16xf32>
      %swap3A_226 = vector.shape_cast %add3A_221 : vector<16xf32> to vector<1x16xf32>
      tpu.vector_store %arg10[%swap3A_222, %swap3A_223], %swap3A_226 {strides = array<i32>} : memref<64x512xf32, #tpu.memory_space<vmem>>, vector<1x16xf32>,
      %get3A_227 = arith.index_cast %scan3A_86 : i32 to index
      %get3A_228 = arith.constant 224 : index
      %get3A_229 = tpu.vector_load %arg10[%get3A_227, %get3A_228] {strides = array<i32>} : memref<64x512xf32, #tpu.memory_space<vmem>>, vector<1x16xf32>,
      %get3A_230 = vector.shape_cast %get3A_229 : vector<1x16xf32> to vector<16xf32>
      %add3A_231 = arith.addf %get3A_230, %add3A_44 : vector<16xf32>
      %swap3A_232 = arith.index_cast %scan3A_86 : i32 to index
      %swap3A_233 = arith.constant 224 : index
      %swap3A_234 = tpu.vector_load %arg10[%swap3A_232, %swap3A_233] {strides = array<i32>} : memref<64x512xf32, #tpu.memory_space<vmem>>, vector<1x16xf32>,
      %swap3A_235 = vector.shape_cast %swap3A_234 : vector<1x16xf32> to vector<16xf32>
      %swap3A_236 = vector.shape_cast %add3A_231 : vector<16xf32> to vector<1x16xf32>
      tpu.vector_store %arg10[%swap3A_232, %swap3A_233], %swap3A_236 {strides = array<i32>} : memref<64x512xf32, #tpu.memory_space<vmem>>, vector<1x16xf32>,
      %get3A_237 = arith.index_cast %scan3A_86 : i32 to index
      %get3A_238 = arith.constant 240 : index
      %get3A_239 = tpu.vector_load %arg10[%get3A_237, %get3A_238] {strides = array<i32>} : memref<64x512xf32, #tpu.memory_space<vmem>>, vector<1x16xf32>,
      %get3A_240 = vector.shape_cast %get3A_239 : vector<1x16xf32> to vector<16xf32>
      %add3A_241 = arith.addf %get3A_240, %add3A_44 : vector<16xf32>
      %swap3A_242 = arith.index_cast %scan3A_86 : i32 to index
      %swap3A_243 = arith.constant 240 : index
      %swap3A_244 = tpu.vector_load %arg10[%swap3A_242, %swap3A_243] {strides = array<i32>} : memref<64x512xf32, #tpu.memory_space<vmem>>, vector<1x16xf32>,
      %swap3A_245 = vector.shape_cast %swap3A_244 : vector<1x16xf32> to vector<16xf32>
      %swap3A_246 = vector.shape_cast %add3A_241 : vector<16xf32> to vector<1x16xf32>
      tpu.vector_store %arg10[%swap3A_242, %swap3A_243], %swap3A_246 {strides = array<i32>} : memref<64x512xf32, #tpu.memory_space<vmem>>, vector<1x16xf32>,
      %get3A_247 = arith.index_cast %scan3A_86 : i32 to index
      %get3A_248 = arith.constant 256 : index
      %get3A_249 = tpu.vector_load %arg10[%get3A_247, %get3A_248] {strides = array<i32>} : memref<64x512xf32, #tpu.memory_space<vmem>>, vector<1x16xf32>,
      %get3A_250 = vector.shape_cast %get3A_249 : vector<1x16xf32> to vector<16xf32>
      %add3A_251 = arith.addf %get3A_250, %add3A_44 : vector<16xf32>
      %swap3A_252 = arith.index_cast %scan3A_86 : i32 to index
      %swap3A_253 = arith.constant 256 : index
      %swap3A_254 = tpu.vector_load %arg10[%swap3A_252, %swap3A_253] {strides = array<i32>} : memref<64x512xf32, #tpu.memory_space<vmem>>, vector<1x16xf32>,
      %swap3A_255 = vector.shape_cast %swap3A_254 : vector<1x16xf32> to vector<16xf32>
      %swap3A_256 = vector.shape_cast %add3A_251 : vector<16xf32> to vector<1x16xf32>
      tpu.vector_store %arg10[%swap3A_252, %swap3A_253], %swap3A_256 {strides = array<i32>} : memref<64x512xf32, #tpu.memory_space<vmem>>, vector<1x16xf32>,
      %get3A_257 = arith.index_cast %scan3A_86 : i32 to index
      %get3A_258 = arith.constant 272 : index
      %get3A_259 = tpu.vector_load %arg10[%get3A_257, %get3A_258] {strides = array<i32>} : memref<64x512xf32, #tpu.memory_space<vmem>>, vector<1x16xf32>,
      %get3A_260 = vector.shape_cast %get3A_259 : vector<1x16xf32> to vector<16xf32>
      %add3A_261 = arith.addf %get3A_260, %add3A_44 : vector<16xf32>
      %swap3A_262 = arith.index_cast %scan3A_86 : i32 to index
      %swap3A_263 = arith.constant 272 : index
      %swap3A_264 = tpu.vector_load %arg10[%swap3A_262, %swap3A_263] {strides = array<i32>} : memref<64x512xf32, #tpu.memory_space<vmem>>, vector<1x16xf32>,
      %swap3A_265 = vector.shape_cast %swap3A_264 : vector<1x16xf32> to vector<16xf32>
      %swap3A_266 = vector.shape_cast %add3A_261 : vector<16xf32> to vector<1x16xf32>
      tpu.vector_store %arg10[%swap3A_262, %swap3A_263], %swap3A_266 {strides = array<i32>} : memref<64x512xf32, #tpu.memory_space<vmem>>, vector<1x16xf32>,
      %get3A_267 = arith.index_cast %scan3A_86 : i32 to index
      %get3A_268 = arith.constant 288 : index
      %get3A_269 = tpu.vector_load %arg10[%get3A_267, %get3A_268] {strides = array<i32>} : memref<64x512xf32, #tpu.memory_space<vmem>>, vector<1x16xf32>,
      %get3A_270 = vector.shape_cast %get3A_269 : vector<1x16xf32> to vector<16xf32>
      %add3A_271 = arith.addf %get3A_270, %add3A_44 : vector<16xf32>
      %swap3A_272 = arith.index_cast %scan3A_86 : i32 to index
      %swap3A_273 = arith.constant 288 : index
      %swap3A_274 = tpu.vector_load %arg10[%swap3A_272, %swap3A_273] {strides = array<i32>} : memref<64x512xf32, #tpu.memory_space<vmem>>, vector<1x16xf32>,
      %swap3A_275 = vector.shape_cast %swap3A_274 : vector<1x16xf32> to vector<16xf32>
      %swap3A_276 = vector.shape_cast %add3A_271 : vector<16xf32> to vector<1x16xf32>
      tpu.vector_store %arg10[%swap3A_272, %swap3A_273], %swap3A_276 {strides = array<i32>} : memref<64x512xf32, #tpu.memory_space<vmem>>, vector<1x16xf32>,
      %get3A_277 = arith.index_cast %scan3A_86 : i32 to index
      %get3A_278 = arith.constant 304 : index
      %get3A_279 = tpu.vector_load %arg10[%get3A_277, %get3A_278] {strides = array<i32>} : memref<64x512xf32, #tpu.memory_space<vmem>>, vector<1x16xf32>,
      %get3A_280 = vector.shape_cast %get3A_279 : vector<1x16xf32> to vector<16xf32>
      %add3A_281 = arith.addf %get3A_280, %add3A_44 : vector<16xf32>
      %swap3A_282 = arith.index_cast %scan3A_86 : i32 to index
      %swap3A_283 = arith.constant 304 : index
      %swap3A_284 = tpu.vector_load %arg10[%swap3A_282, %swap3A_283] {strides = array<i32>} : memref<64x512xf32, #tpu.memory_space<vmem>>, vector<1x16xf32>,
      %swap3A_285 = vector.shape_cast %swap3A_284 : vector<1x16xf32> to vector<16xf32>
      %swap3A_286 = vector.shape_cast %add3A_281 : vector<16xf32> to vector<1x16xf32>
      tpu.vector_store %arg10[%swap3A_282, %swap3A_283], %swap3A_286 {strides = array<i32>} : memref<64x512xf32, #tpu.memory_space<vmem>>, vector<1x16xf32>,
      %get3A_287 = arith.index_cast %scan3A_86 : i32 to index
      %get3A_288 = arith.constant 320 : index
      %get3A_289 = tpu.vector_load %arg10[%get3A_287, %get3A_288] {strides = array<i32>} : memref<64x512xf32, #tpu.memory_space<vmem>>, vector<1x16xf32>,
      %get3A_290 = vector.shape_cast %get3A_289 : vector<1x16xf32> to vector<16xf32>
      %add3A_291 = arith.addf %get3A_290, %add3A_44 : vector<16xf32>
      %swap3A_292 = arith.index_cast %scan3A_86 : i32 to index
      %swap3A_293 = arith.constant 320 : index
      %swap3A_294 = tpu.vector_load %arg10[%swap3A_292, %swap3A_293] {strides = array<i32>} : memref<64x512xf32, #tpu.memory_space<vmem>>, vector<1x16xf32>,
      %swap3A_295 = vector.shape_cast %swap3A_294 : vector<1x16xf32> to vector<16xf32>
      %swap3A_296 = vector.shape_cast %add3A_291 : vector<16xf32> to vector<1x16xf32>
      tpu.vector_store %arg10[%swap3A_292, %swap3A_293], %swap3A_296 {strides = array<i32>} : memref<64x512xf32, #tpu.memory_space<vmem>>, vector<1x16xf32>,
      %get3A_297 = arith.index_cast %scan3A_86 : i32 to index
      %get3A_298 = arith.constant 336 : index
      %get3A_299 = tpu.vector_load %arg10[%get3A_297, %get3A_298] {strides = array<i32>} : memref<64x512xf32, #tpu.memory_space<vmem>>, vector<1x16xf32>,
      %get3A_300 = vector.shape_cast %get3A_299 : vector<1x16xf32> to vector<16xf32>
      %add3A_301 = arith.addf %get3A_300, %add3A_44 : vector<16xf32>
      %swap3A_302 = arith.index_cast %scan3A_86 : i32 to index
      %swap3A_303 = arith.constant 336 : index
      %swap3A_304 = tpu.vector_load %arg10[%swap3A_302, %swap3A_303] {strides = array<i32>} : memref<64x512xf32, #tpu.memory_space<vmem>>, vector<1x16xf32>,
      %swap3A_305 = vector.shape_cast %swap3A_304 : vector<1x16xf32> to vector<16xf32>
      %swap3A_306 = vector.shape_cast %add3A_301 : vector<16xf32> to vector<1x16xf32>
      tpu.vector_store %arg10[%swap3A_302, %swap3A_303], %swap3A_306 {strides = array<i32>} : memref<64x512xf32, #tpu.memory_space<vmem>>, vector<1x16xf32>,
      %get3A_307 = arith.index_cast %scan3A_86 : i32 to index
      %get3A_308 = arith.constant 352 : index
      %get3A_309 = tpu.vector_load %arg10[%get3A_307, %get3A_308] {strides = array<i32>} : memref<64x512xf32, #tpu.memory_space<vmem>>, vector<1x16xf32>,
      %get3A_310 = vector.shape_cast %get3A_309 : vector<1x16xf32> to vector<16xf32>
      %add3A_311 = arith.addf %get3A_310, %add3A_44 : vector<16xf32>
      %swap3A_312 = arith.index_cast %scan3A_86 : i32 to index
      %swap3A_313 = arith.constant 352 : index
      %swap3A_314 = tpu.vector_load %arg10[%swap3A_312, %swap3A_313] {strides = array<i32>} : memref<64x512xf32, #tpu.memory_space<vmem>>, vector<1x16xf32>,
      %swap3A_315 = vector.shape_cast %swap3A_314 : vector<1x16xf32> to vector<16xf32>
      %swap3A_316 = vector.shape_cast %add3A_311 : vector<16xf32> to vector<1x16xf32>
      tpu.vector_store %arg10[%swap3A_312, %swap3A_313], %swap3A_316 {strides = array<i32>} : memref<64x512xf32, #tpu.memory_space<vmem>>, vector<1x16xf32>,
      %get3A_317 = arith.index_cast %scan3A_86 : i32 to index
      %get3A_318 = arith.constant 368 : index
      %get3A_319 = tpu.vector_load %arg10[%get3A_317, %get3A_318] {strides = array<i32>} : memref<64x512xf32, #tpu.memory_space<vmem>>, vector<1x16xf32>,
      %get3A_320 = vector.shape_cast %get3A_319 : vector<1x16xf32> to vector<16xf32>
      %add3A_321 = arith.addf %get3A_320, %add3A_44 : vector<16xf32>
      %swap3A_322 = arith.index_cast %scan3A_86 : i32 to index
      %swap3A_323 = arith.constant 368 : index
      %swap3A_324 = tpu.vector_load %arg10[%swap3A_322, %swap3A_323] {strides = array<i32>} : memref<64x512xf32, #tpu.memory_space<vmem>>, vector<1x16xf32>,
      %swap3A_325 = vector.shape_cast %swap3A_324 : vector<1x16xf32> to vector<16xf32>
      %swap3A_326 = vector.shape_cast %add3A_321 : vector<16xf32> to vector<1x16xf32>
      tpu.vector_store %arg10[%swap3A_322, %swap3A_323], %swap3A_326 {strides = array<i32>} : memref<64x512xf32, #tpu.memory_space<vmem>>, vector<1x16xf32>,
      %get3A_327 = arith.index_cast %scan3A_86 : i32 to index
      %get3A_328 = arith.constant 384 : index
      %get3A_329 = tpu.vector_load %arg10[%get3A_327, %get3A_328] {strides = array<i32>} : memref<64x512xf32, #tpu.memory_space<vmem>>, vector<1x16xf32>,
      %get3A_330 = vector.shape_cast %get3A_329 : vector<1x16xf32> to vector<16xf32>
      %add3A_331 = arith.addf %get3A_330, %add3A_44 : vector<16xf32>
      %swap3A_332 = arith.index_cast %scan3A_86 : i32 to index
      %swap3A_333 = arith.constant 384 : index
      %swap3A_334 = tpu.vector_load %arg10[%swap3A_332, %swap3A_333] {strides = array<i32>} : memref<64x512xf32, #tpu.memory_space<vmem>>, vector<1x16xf32>,
      %swap3A_335 = vector.shape_cast %swap3A_334 : vector<1x16xf32> to vector<16xf32>
      %swap3A_336 = vector.shape_cast %add3A_331 : vector<16xf32> to vector<1x16xf32>
      tpu.vector_store %arg10[%swap3A_332, %swap3A_333], %swap3A_336 {strides = array<i32>} : memref<64x512xf32, #tpu.memory_space<vmem>>, vector<1x16xf32>,
      %get3A_337 = arith.index_cast %scan3A_86 : i32 to index
      %get3A_338 = arith.constant 400 : index
      %get3A_339 = tpu.vector_load %arg10[%get3A_337, %get3A_338] {strides = array<i32>} : memref<64x512xf32, #tpu.memory_space<vmem>>, vector<1x16xf32>,
      %get3A_340 = vector.shape_cast %get3A_339 : vector<1x16xf32> to vector<16xf32>
      %add3A_341 = arith.addf %get3A_340, %add3A_44 : vector<16xf32>
      %swap3A_342 = arith.index_cast %scan3A_86 : i32 to index
      %swap3A_343 = arith.constant 400 : index
      %swap3A_344 = tpu.vector_load %arg10[%swap3A_342, %swap3A_343] {strides = array<i32>} : memref<64x512xf32, #tpu.memory_space<vmem>>, vector<1x16xf32>,
      %swap3A_345 = vector.shape_cast %swap3A_344 : vector<1x16xf32> to vector<16xf32>
      %swap3A_346 = vector.shape_cast %add3A_341 : vector<16xf32> to vector<1x16xf32>
      tpu.vector_store %arg10[%swap3A_342, %swap3A_343], %swap3A_346 {strides = array<i32>} : memref<64x512xf32, #tpu.memory_space<vmem>>, vector<1x16xf32>,
      %get3A_347 = arith.index_cast %scan3A_86 : i32 to index
      %get3A_348 = arith.constant 416 : index
      %get3A_349 = tpu.vector_load %arg10[%get3A_347, %get3A_348] {strides = array<i32>} : memref<64x512xf32, #tpu.memory_space<vmem>>, vector<1x16xf32>,
      %get3A_350 = vector.shape_cast %get3A_349 : vector<1x16xf32> to vector<16xf32>
      %add3A_351 = arith.addf %get3A_350, %add3A_44 : vector<16xf32>
      %swap3A_352 = arith.index_cast %scan3A_86 : i32 to index
      %swap3A_353 = arith.constant 416 : index
      %swap3A_354 = tpu.vector_load %arg10[%swap3A_352, %swap3A_353] {strides = array<i32>} : memref<64x512xf32, #tpu.memory_space<vmem>>, vector<1x16xf32>,
      %swap3A_355 = vector.shape_cast %swap3A_354 : vector<1x16xf32> to vector<16xf32>
      %swap3A_356 = vector.shape_cast %add3A_351 : vector<16xf32> to vector<1x16xf32>
      tpu.vector_store %arg10[%swap3A_352, %swap3A_353], %swap3A_356 {strides = array<i32>} : memref<64x512xf32, #tpu.memory_space<vmem>>, vector<1x16xf32>,
      %get3A_357 = arith.index_cast %scan3A_86 : i32 to index
      %get3A_358 = arith.constant 432 : index
      %get3A_359 = tpu.vector_load %arg10[%get3A_357, %get3A_358] {strides = array<i32>} : memref<64x512xf32, #tpu.memory_space<vmem>>, vector<1x16xf32>,
      %get3A_360 = vector.shape_cast %get3A_359 : vector<1x16xf32> to vector<16xf32>
      %add3A_361 = arith.addf %get3A_360, %add3A_44 : vector<16xf32>
      %swap3A_362 = arith.index_cast %scan3A_86 : i32 to index
      %swap3A_363 = arith.constant 432 : index
      %swap3A_364 = tpu.vector_load %arg10[%swap3A_362, %swap3A_363] {strides = array<i32>} : memref<64x512xf32, #tpu.memory_space<vmem>>, vector<1x16xf32>,
      %swap3A_365 = vector.shape_cast %swap3A_364 : vector<1x16xf32> to vector<16xf32>
      %swap3A_366 = vector.shape_cast %add3A_361 : vector<16xf32> to vector<1x16xf32>
      tpu.vector_store %arg10[%swap3A_362, %swap3A_363], %swap3A_366 {strides = array<i32>} : memref<64x512xf32, #tpu.memory_space<vmem>>, vector<1x16xf32>,
      %get3A_367 = arith.index_cast %scan3A_86 : i32 to index
      %get3A_368 = arith.constant 448 : index
      %get3A_369 = tpu.vector_load %arg10[%get3A_367, %get3A_368] {strides = array<i32>} : memref<64x512xf32, #tpu.memory_space<vmem>>, vector<1x16xf32>,
      %get3A_370 = vector.shape_cast %get3A_369 : vector<1x16xf32> to vector<16xf32>
      %add3A_371 = arith.addf %get3A_370, %add3A_44 : vector<16xf32>
      %swap3A_372 = arith.index_cast %scan3A_86 : i32 to index
      %swap3A_373 = arith.constant 448 : index
      %swap3A_374 = tpu.vector_load %arg10[%swap3A_372, %swap3A_373] {strides = array<i32>} : memref<64x512xf32, #tpu.memory_space<vmem>>, vector<1x16xf32>,
      %swap3A_375 = vector.shape_cast %swap3A_374 : vector<1x16xf32> to vector<16xf32>
      %swap3A_376 = vector.shape_cast %add3A_371 : vector<16xf32> to vector<1x16xf32>
      tpu.vector_store %arg10[%swap3A_372, %swap3A_373], %swap3A_376 {strides = array<i32>} : memref<64x512xf32, #tpu.memory_space<vmem>>, vector<1x16xf32>,
      %get3A_377 = arith.index_cast %scan3A_86 : i32 to index
      %get3A_378 = arith.constant 464 : index
      %get3A_379 = tpu.vector_load %arg10[%get3A_377, %get3A_378] {strides = array<i32>} : memref<64x512xf32, #tpu.memory_space<vmem>>, vector<1x16xf32>,
      %get3A_380 = vector.shape_cast %get3A_379 : vector<1x16xf32> to vector<16xf32>
      %add3A_381 = arith.addf %get3A_380, %add3A_44 : vector<16xf32>
      %swap3A_382 = arith.index_cast %scan3A_86 : i32 to index
      %swap3A_383 = arith.constant 464 : index
      %swap3A_384 = tpu.vector_load %arg10[%swap3A_382, %swap3A_383] {strides = array<i32>} : memref<64x512xf32, #tpu.memory_space<vmem>>, vector<1x16xf32>,
      %swap3A_385 = vector.shape_cast %swap3A_384 : vector<1x16xf32> to vector<16xf32>
      %swap3A_386 = vector.shape_cast %add3A_381 : vector<16xf32> to vector<1x16xf32>
      tpu.vector_store %arg10[%swap3A_382, %swap3A_383], %swap3A_386 {strides = array<i32>} : memref<64x512xf32, #tpu.memory_space<vmem>>, vector<1x16xf32>,
      %get3A_387 = arith.index_cast %scan3A_86 : i32 to index
      %get3A_388 = arith.constant 480 : index
      %get3A_389 = tpu.vector_load %arg10[%get3A_387, %get3A_388] {strides = array<i32>} : memref<64x512xf32, #tpu.memory_space<vmem>>, vector<1x16xf32>,
      %get3A_390 = vector.shape_cast %get3A_389 : vector<1x16xf32> to vector<16xf32>
      %add3A_391 = arith.addf %get3A_390, %add3A_44 : vector<16xf32>
      %swap3A_392 = arith.index_cast %scan3A_86 : i32 to index
      %swap3A_393 = arith.constant 480 : index
      %swap3A_394 = tpu.vector_load %arg10[%swap3A_392, %swap3A_393] {strides = array<i32>} : memref<64x512xf32, #tpu.memory_space<vmem>>, vector<1x16xf32>,
      %swap3A_395 = vector.shape_cast %swap3A_394 : vector<1x16xf32> to vector<16xf32>
      %swap3A_396 = vector.shape_cast %add3A_391 : vector<16xf32> to vector<1x16xf32>
      tpu.vector_store %arg10[%swap3A_392, %swap3A_393], %swap3A_396 {strides = array<i32>} : memref<64x512xf32, #tpu.memory_space<vmem>>, vector<1x16xf32>,
      %get3A_397 = arith.index_cast %scan3A_86 : i32 to index
      %get3A_398 = arith.constant 496 : index
      %get3A_399 = tpu.vector_load %arg10[%get3A_397, %get3A_398] {strides = array<i32>} : memref<64x512xf32, #tpu.memory_space<vmem>>, vector<1x16xf32>,
      %get3A_400 = vector.shape_cast %get3A_399 : vector<1x16xf32> to vector<16xf32>
      %add3A_401 = arith.addf %get3A_400, %add3A_44 : vector<16xf32>
      %swap3A_402 = arith.index_cast %scan3A_86 : i32 to index
      %swap3A_403 = arith.constant 496 : index
      %swap3A_404 = tpu.vector_load %arg10[%swap3A_402, %swap3A_403] {strides = array<i32>} : memref<64x512xf32, #tpu.memory_space<vmem>>, vector<1x16xf32>,
      %swap3A_405 = vector.shape_cast %swap3A_404 : vector<1x16xf32> to vector<16xf32>
      %swap3A_406 = vector.shape_cast %add3A_401 : vector<16xf32> to vector<1x16xf32>
      tpu.vector_store %arg10[%swap3A_402, %swap3A_403], %swap3A_406 {strides = array<i32>} : memref<64x512xf32, #tpu.memory_space<vmem>>, vector<1x16xf32>,
      %scan3A_407 = arith.constant 0 : i32
      scf.yield %scan3A_407 : i32
    }
    %scan3A_62 = arith.constant 64 : i32
    %dma_start3A_63 = arith.constant 0 : i32
    %dma_start3A_64 = arith.constant 0 : i32
    %dma_start3A_65 = tpu.memref_slice %arg7[%dma_start3A_63, %dma_start3A_64] : memref<4096x512xf32, #tpu.memory_space<hbm>> -> memref<4096x512xf32, #tpu.memory_space<hbm>>
    tpu.enqueue_indirect_dma source(%arg10 : memref<64x512xf32, #tpu.memory_space<vmem>>) target(%dma_start3A_65 : memref<4096x512xf32, #tpu.memory_space<hbm>>) offsets(%arg8 : memref<64xi32, #tpu.memory_space<vmem>>) semaphore(%arg14 : memref<!tpu.dma_semaphore, #tpu.memory_space<semaphore_mem>>)
    %dma_wait3A_66 = arith.constant 0 : i32
    %dma_wait3A_67 = tpu.memref_slice %arg3[%mul3A_34, %dma_wait3A_66] : memref<2048x512xf32, #tpu.memory_space<hbm>> -> memref<64x512xf32, #tpu.memory_space<hbm>>
    %dma_wait3A_68 = arith.constant 0 : i32
    %dma_wait3A_69 = tpu.memref_slice %arg3[%mul3A_34, %dma_wait3A_68] : memref<2048x512xf32, #tpu.memory_space<hbm>> -> memref<64x512xf32, #tpu.memory_space<hbm>>
    tpu.wait_dma2 semaphore(%arg17 : memref<!tpu.dma_semaphore, #tpu.memory_space<semaphore_mem>>) src(%dma_wait3A_69 : memref<64x512xf32, #tpu.memory_space<hbm>>) dst(%arg11 : memref<64x512xf32, #tpu.memory_space<vmem>>)
    %scan3A_70 = arith.constant 0 : i32
    %scan3A_71 = arith.constant 0 : i32
    %scan3A_72 = arith.constant 64 : i32
    %scan3A_73 = arith.addi %scan3A_71, %scan3A_72 : i32
    %scan3A_74 = arith.constant 1 : i32
    %scan3A_75 = scf.for %scan3A_86 = %scan3A_71 to %scan3A_73 step %scan3A_74 iter_args(%scan3A_87 = %scan3A_70) -> (i32)  : i32 {
      %get3A_88 = arith.index_cast %scan3A_86 : i32 to index
      %get3A_89 = arith.constant 0 : index
      %get3A_90 = tpu.vector_load %arg11[%get3A_88, %get3A_89] {strides = array<i32>} : memref<64x512xf32, #tpu.memory_space<vmem>>, vector<1x16xf32>,
      %get3A_91 = vector.shape_cast %get3A_90 : vector<1x16xf32> to vector<16xf32>
      %add3A_92 = arith.addf %get3A_91, %add3A_44 : vector<16xf32>
      %swap3A = arith.index_cast %scan3A_86 : i32 to index
      %swap3A_93 = arith.constant 0 : index
      %swap3A_94 = tpu.vector_load %arg11[%swap3A, %swap3A_93] {strides = array<i32>} : memref<64x512xf32, #tpu.memory_space<vmem>>, vector<1x16xf32>,
      %swap3A_95 = vector.shape_cast %swap3A_94 : vector<1x16xf32> to vector<16xf32>
      %swap3A_96 = vector.shape_cast %add3A_92 : vector<16xf32> to vector<1x16xf32>
      tpu.vector_store %arg11[%swap3A, %swap3A_93], %swap3A_96 {strides = array<i32>} : memref<64x512xf32, #tpu.memory_space<vmem>>, vector<1x16xf32>,
      %get3A_97 = arith.index_cast %scan3A_86 : i32 to index
      %get3A_98 = arith.constant 16 : index
      %get3A_99 = tpu.vector_load %arg11[%get3A_97, %get3A_98] {strides = array<i32>} : memref<64x512xf32, #tpu.memory_space<vmem>>, vector<1x16xf32>,
      %get3A_100 = vector.shape_cast %get3A_99 : vector<1x16xf32> to vector<16xf32>
      %add3A_101 = arith.addf %get3A_100, %add3A_44 : vector<16xf32>
      %swap3A_102 = arith.index_cast %scan3A_86 : i32 to index
      %swap3A_103 = arith.constant 16 : index
      %swap3A_104 = tpu.vector_load %arg11[%swap3A_102, %swap3A_103] {strides = array<i32>} : memref<64x512xf32, #tpu.memory_space<vmem>>, vector<1x16xf32>,
      %swap3A_105 = vector.shape_cast %swap3A_104 : vector<1x16xf32> to vector<16xf32>
      %swap3A_106 = vector.shape_cast %add3A_101 : vector<16xf32> to vector<1x16xf32>
      tpu.vector_store %arg11[%swap3A_102, %swap3A_103], %swap3A_106 {strides = array<i32>} : memref<64x512xf32, #tpu.memory_space<vmem>>, vector<1x16xf32>,
      %get3A_107 = arith.index_cast %scan3A_86 : i32 to index
      %get3A_108 = arith.constant 32 : index
      %get3A_109 = tpu.vector_load %arg11[%get3A_107, %get3A_108] {strides = array<i32>} : memref<64x512xf32, #tpu.memory_space<vmem>>, vector<1x16xf32>,
      %get3A_110 = vector.shape_cast %get3A_109 : vector<1x16xf32> to vector<16xf32>
      %add3A_111 = arith.addf %get3A_110, %add3A_44 : vector<16xf32>
      %swap3A_112 = arith.index_cast %scan3A_86 : i32 to index
      %swap3A_113 = arith.constant 32 : index
      %swap3A_114 = tpu.vector_load %arg11[%swap3A_112, %swap3A_113] {strides = array<i32>} : memref<64x512xf32, #tpu.memory_space<vmem>>, vector<1x16xf32>,
      %swap3A_115 = vector.shape_cast %swap3A_114 : vector<1x16xf32> to vector<16xf32>
      %swap3A_116 = vector.shape_cast %add3A_111 : vector<16xf32> to vector<1x16xf32>
      tpu.vector_store %arg11[%swap3A_112, %swap3A_113], %swap3A_116 {strides = array<i32>} : memref<64x512xf32, #tpu.memory_space<vmem>>, vector<1x16xf32>,
      %get3A_117 = arith.index_cast %scan3A_86 : i32 to index
      %get3A_118 = arith.constant 48 : index
      %get3A_119 = tpu.vector_load %arg11[%get3A_117, %get3A_118] {strides = array<i32>} : memref<64x512xf32, #tpu.memory_space<vmem>>, vector<1x16xf32>,
      %get3A_120 = vector.shape_cast %get3A_119 : vector<1x16xf32> to vector<16xf32>
      %add3A_121 = arith.addf %get3A_120, %add3A_44 : vector<16xf32>
      %swap3A_122 = arith.index_cast %scan3A_86 : i32 to index
      %swap3A_123 = arith.constant 48 : index
      %swap3A_124 = tpu.vector_load %arg11[%swap3A_122, %swap3A_123] {strides = array<i32>} : memref<64x512xf32, #tpu.memory_space<vmem>>, vector<1x16xf32>,
      %swap3A_125 = vector.shape_cast %swap3A_124 : vector<1x16xf32> to vector<16xf32>
      %swap3A_126 = vector.shape_cast %add3A_121 : vector<16xf32> to vector<1x16xf32>
      tpu.vector_store %arg11[%swap3A_122, %swap3A_123], %swap3A_126 {strides = array<i32>} : memref<64x512xf32, #tpu.memory_space<vmem>>, vector<1x16xf32>,
      %get3A_127 = arith.index_cast %scan3A_86 : i32 to index
      %get3A_128 = arith.constant 64 : index
      %get3A_129 = tpu.vector_load %arg11[%get3A_127, %get3A_128] {strides = array<i32>} : memref<64x512xf32, #tpu.memory_space<vmem>>, vector<1x16xf32>,
      %get3A_130 = vector.shape_cast %get3A_129 : vector<1x16xf32> to vector<16xf32>
      %add3A_131 = arith.addf %get3A_130, %add3A_44 : vector<16xf32>
      %swap3A_132 = arith.index_cast %scan3A_86 : i32 to index
      %swap3A_133 = arith.constant 64 : index
      %swap3A_134 = tpu.vector_load %arg11[%swap3A_132, %swap3A_133] {strides = array<i32>} : memref<64x512xf32, #tpu.memory_space<vmem>>, vector<1x16xf32>,
      %swap3A_135 = vector.shape_cast %swap3A_134 : vector<1x16xf32> to vector<16xf32>
      %swap3A_136 = vector.shape_cast %add3A_131 : vector<16xf32> to vector<1x16xf32>
      tpu.vector_store %arg11[%swap3A_132, %swap3A_133], %swap3A_136 {strides = array<i32>} : memref<64x512xf32, #tpu.memory_space<vmem>>, vector<1x16xf32>,
      %get3A_137 = arith.index_cast %scan3A_86 : i32 to index
      %get3A_138 = arith.constant 80 : index
      %get3A_139 = tpu.vector_load %arg11[%get3A_137, %get3A_138] {strides = array<i32>} : memref<64x512xf32, #tpu.memory_space<vmem>>, vector<1x16xf32>,
      %get3A_140 = vector.shape_cast %get3A_139 : vector<1x16xf32> to vector<16xf32>
      %add3A_141 = arith.addf %get3A_140, %add3A_44 : vector<16xf32>
      %swap3A_142 = arith.index_cast %scan3A_86 : i32 to index
      %swap3A_143 = arith.constant 80 : index
      %swap3A_144 = tpu.vector_load %arg11[%swap3A_142, %swap3A_143] {strides = array<i32>} : memref<64x512xf32, #tpu.memory_space<vmem>>, vector<1x16xf32>,
      %swap3A_145 = vector.shape_cast %swap3A_144 : vector<1x16xf32> to vector<16xf32>
      %swap3A_146 = vector.shape_cast %add3A_141 : vector<16xf32> to vector<1x16xf32>
      tpu.vector_store %arg11[%swap3A_142, %swap3A_143], %swap3A_146 {strides = array<i32>} : memref<64x512xf32, #tpu.memory_space<vmem>>, vector<1x16xf32>,
      %get3A_147 = arith.index_cast %scan3A_86 : i32 to index
      %get3A_148 = arith.constant 96 : index
      %get3A_149 = tpu.vector_load %arg11[%get3A_147, %get3A_148] {strides = array<i32>} : memref<64x512xf32, #tpu.memory_space<vmem>>, vector<1x16xf32>,
      %get3A_150 = vector.shape_cast %get3A_149 : vector<1x16xf32> to vector<16xf32>
      %add3A_151 = arith.addf %get3A_150, %add3A_44 : vector<16xf32>
      %swap3A_152 = arith.index_cast %scan3A_86 : i32 to index
      %swap3A_153 = arith.constant 96 : index
      %swap3A_154 = tpu.vector_load %arg11[%swap3A_152, %swap3A_153] {strides = array<i32>} : memref<64x512xf32, #tpu.memory_space<vmem>>, vector<1x16xf32>,
      %swap3A_155 = vector.shape_cast %swap3A_154 : vector<1x16xf32> to vector<16xf32>
      %swap3A_156 = vector.shape_cast %add3A_151 : vector<16xf32> to vector<1x16xf32>
      tpu.vector_store %arg11[%swap3A_152, %swap3A_153], %swap3A_156 {strides = array<i32>} : memref<64x512xf32, #tpu.memory_space<vmem>>, vector<1x16xf32>,
      %get3A_157 = arith.index_cast %scan3A_86 : i32 to index
      %get3A_158 = arith.constant 112 : index
      %get3A_159 = tpu.vector_load %arg11[%get3A_157, %get3A_158] {strides = array<i32>} : memref<64x512xf32, #tpu.memory_space<vmem>>, vector<1x16xf32>,
      %get3A_160 = vector.shape_cast %get3A_159 : vector<1x16xf32> to vector<16xf32>
      %add3A_161 = arith.addf %get3A_160, %add3A_44 : vector<16xf32>
      %swap3A_162 = arith.index_cast %scan3A_86 : i32 to index
      %swap3A_163 = arith.constant 112 : index
      %swap3A_164 = tpu.vector_load %arg11[%swap3A_162, %swap3A_163] {strides = array<i32>} : memref<64x512xf32, #tpu.memory_space<vmem>>, vector<1x16xf32>,
      %swap3A_165 = vector.shape_cast %swap3A_164 : vector<1x16xf32> to vector<16xf32>
      %swap3A_166 = vector.shape_cast %add3A_161 : vector<16xf32> to vector<1x16xf32>
      tpu.vector_store %arg11[%swap3A_162, %swap3A_163], %swap3A_166 {strides = array<i32>} : memref<64x512xf32, #tpu.memory_space<vmem>>, vector<1x16xf32>,
      %get3A_167 = arith.index_cast %scan3A_86 : i32 to index
      %get3A_168 = arith.constant 128 : index
      %get3A_169 = tpu.vector_load %arg11[%get3A_167, %get3A_168] {strides = array<i32>} : memref<64x512xf32, #tpu.memory_space<vmem>>, vector<1x16xf32>,
      %get3A_170 = vector.shape_cast %get3A_169 : vector<1x16xf32> to vector<16xf32>
      %add3A_171 = arith.addf %get3A_170, %add3A_44 : vector<16xf32>
      %swap3A_172 = arith.index_cast %scan3A_86 : i32 to index
      %swap3A_173 = arith.constant 128 : index
      %swap3A_174 = tpu.vector_load %arg11[%swap3A_172, %swap3A_173] {strides = array<i32>} : memref<64x512xf32, #tpu.memory_space<vmem>>, vector<1x16xf32>,
      %swap3A_175 = vector.shape_cast %swap3A_174 : vector<1x16xf32> to vector<16xf32>
      %swap3A_176 = vector.shape_cast %add3A_171 : vector<16xf32> to vector<1x16xf32>
      tpu.vector_store %arg11[%swap3A_172, %swap3A_173], %swap3A_176 {strides = array<i32>} : memref<64x512xf32, #tpu.memory_space<vmem>>, vector<1x16xf32>,
      %get3A_177 = arith.index_cast %scan3A_86 : i32 to index
      %get3A_178 = arith.constant 144 : index
      %get3A_179 = tpu.vector_load %arg11[%get3A_177, %get3A_178] {strides = array<i32>} : memref<64x512xf32, #tpu.memory_space<vmem>>, vector<1x16xf32>,
      %get3A_180 = vector.shape_cast %get3A_179 : vector<1x16xf32> to vector<16xf32>
      %add3A_181 = arith.addf %get3A_180, %add3A_44 : vector<16xf32>
      %swap3A_182 = arith.index_cast %scan3A_86 : i32 to index
      %swap3A_183 = arith.constant 144 : index
      %swap3A_184 = tpu.vector_load %arg11[%swap3A_182, %swap3A_183] {strides = array<i32>} : memref<64x512xf32, #tpu.memory_space<vmem>>, vector<1x16xf32>,
      %swap3A_185 = vector.shape_cast %swap3A_184 : vector<1x16xf32> to vector<16xf32>
      %swap3A_186 = vector.shape_cast %add3A_181 : vector<16xf32> to vector<1x16xf32>
      tpu.vector_store %arg11[%swap3A_182, %swap3A_183], %swap3A_186 {strides = array<i32>} : memref<64x512xf32, #tpu.memory_space<vmem>>, vector<1x16xf32>,
      %get3A_187 = arith.index_cast %scan3A_86 : i32 to index
      %get3A_188 = arith.constant 160 : index
      %get3A_189 = tpu.vector_load %arg11[%get3A_187, %get3A_188] {strides = array<i32>} : memref<64x512xf32, #tpu.memory_space<vmem>>, vector<1x16xf32>,
      %get3A_190 = vector.shape_cast %get3A_189 : vector<1x16xf32> to vector<16xf32>
      %add3A_191 = arith.addf %get3A_190, %add3A_44 : vector<16xf32>
      %swap3A_192 = arith.index_cast %scan3A_86 : i32 to index
      %swap3A_193 = arith.constant 160 : index
      %swap3A_194 = tpu.vector_load %arg11[%swap3A_192, %swap3A_193] {strides = array<i32>} : memref<64x512xf32, #tpu.memory_space<vmem>>, vector<1x16xf32>,
      %swap3A_195 = vector.shape_cast %swap3A_194 : vector<1x16xf32> to vector<16xf32>
      %swap3A_196 = vector.shape_cast %add3A_191 : vector<16xf32> to vector<1x16xf32>
      tpu.vector_store %arg11[%swap3A_192, %swap3A_193], %swap3A_196 {strides = array<i32>} : memref<64x512xf32, #tpu.memory_space<vmem>>, vector<1x16xf32>,
      %get3A_197 = arith.index_cast %scan3A_86 : i32 to index
      %get3A_198 = arith.constant 176 : index
      %get3A_199 = tpu.vector_load %arg11[%get3A_197, %get3A_198] {strides = array<i32>} : memref<64x512xf32, #tpu.memory_space<vmem>>, vector<1x16xf32>,
      %get3A_200 = vector.shape_cast %get3A_199 : vector<1x16xf32> to vector<16xf32>
      %add3A_201 = arith.addf %get3A_200, %add3A_44 : vector<16xf32>
      %swap3A_202 = arith.index_cast %scan3A_86 : i32 to index
      %swap3A_203 = arith.constant 176 : index
      %swap3A_204 = tpu.vector_load %arg11[%swap3A_202, %swap3A_203] {strides = array<i32>} : memref<64x512xf32, #tpu.memory_space<vmem>>, vector<1x16xf32>,
      %swap3A_205 = vector.shape_cast %swap3A_204 : vector<1x16xf32> to vector<16xf32>
      %swap3A_206 = vector.shape_cast %add3A_201 : vector<16xf32> to vector<1x16xf32>
      tpu.vector_store %arg11[%swap3A_202, %swap3A_203], %swap3A_206 {strides = array<i32>} : memref<64x512xf32, #tpu.memory_space<vmem>>, vector<1x16xf32>,
      %get3A_207 = arith.index_cast %scan3A_86 : i32 to index
      %get3A_208 = arith.constant 192 : index
      %get3A_209 = tpu.vector_load %arg11[%get3A_207, %get3A_208] {strides = array<i32>} : memref<64x512xf32, #tpu.memory_space<vmem>>, vector<1x16xf32>,
      %get3A_210 = vector.shape_cast %get3A_209 : vector<1x16xf32> to vector<16xf32>
      %add3A_211 = arith.addf %get3A_210, %add3A_44 : vector<16xf32>
      %swap3A_212 = arith.index_cast %scan3A_86 : i32 to index
      %swap3A_213 = arith.constant 192 : index
      %swap3A_214 = tpu.vector_load %arg11[%swap3A_212, %swap3A_213] {strides = array<i32>} : memref<64x512xf32, #tpu.memory_space<vmem>>, vector<1x16xf32>,
      %swap3A_215 = vector.shape_cast %swap3A_214 : vector<1x16xf32> to vector<16xf32>
      %swap3A_216 = vector.shape_cast %add3A_211 : vector<16xf32> to vector<1x16xf32>
      tpu.vector_store %arg11[%swap3A_212, %swap3A_213], %swap3A_216 {strides = array<i32>} : memref<64x512xf32, #tpu.memory_space<vmem>>, vector<1x16xf32>,
      %get3A_217 = arith.index_cast %scan3A_86 : i32 to index
      %get3A_218 = arith.constant 208 : index
      %get3A_219 = tpu.vector_load %arg11[%get3A_217, %get3A_218] {strides = array<i32>} : memref<64x512xf32, #tpu.memory_space<vmem>>, vector<1x16xf32>,
      %get3A_220 = vector.shape_cast %get3A_219 : vector<1x16xf32> to vector<16xf32>
      %add3A_221 = arith.addf %get3A_220, %add3A_44 : vector<16xf32>
      %swap3A_222 = arith.index_cast %scan3A_86 : i32 to index
      %swap3A_223 = arith.constant 208 : index
      %swap3A_224 = tpu.vector_load %arg11[%swap3A_222, %swap3A_223] {strides = array<i32>} : memref<64x512xf32, #tpu.memory_space<vmem>>, vector<1x16xf32>,
      %swap3A_225 = vector.shape_cast %swap3A_224 : vector<1x16xf32> to vector<16xf32>
      %swap3A_226 = vector.shape_cast %add3A_221 : vector<16xf32> to vector<1x16xf32>
      tpu.vector_store %arg11[%swap3A_222, %swap3A_223], %swap3A_226 {strides = array<i32>} : memref<64x512xf32, #tpu.memory_space<vmem>>, vector<1x16xf32>,
      %get3A_227 = arith.index_cast %scan3A_86 : i32 to index
      %get3A_228 = arith.constant 224 : index
      %get3A_229 = tpu.vector_load %arg11[%get3A_227, %get3A_228] {strides = array<i32>} : memref<64x512xf32, #tpu.memory_space<vmem>>, vector<1x16xf32>,
      %get3A_230 = vector.shape_cast %get3A_229 : vector<1x16xf32> to vector<16xf32>
      %add3A_231 = arith.addf %get3A_230, %add3A_44 : vector<16xf32>
      %swap3A_232 = arith.index_cast %scan3A_86 : i32 to index
      %swap3A_233 = arith.constant 224 : index
      %swap3A_234 = tpu.vector_load %arg11[%swap3A_232, %swap3A_233] {strides = array<i32>} : memref<64x512xf32, #tpu.memory_space<vmem>>, vector<1x16xf32>,
      %swap3A_235 = vector.shape_cast %swap3A_234 : vector<1x16xf32> to vector<16xf32>
      %swap3A_236 = vector.shape_cast %add3A_231 : vector<16xf32> to vector<1x16xf32>
      tpu.vector_store %arg11[%swap3A_232, %swap3A_233], %swap3A_236 {strides = array<i32>} : memref<64x512xf32, #tpu.memory_space<vmem>>, vector<1x16xf32>,
      %get3A_237 = arith.index_cast %scan3A_86 : i32 to index
      %get3A_238 = arith.constant 240 : index
      %get3A_239 = tpu.vector_load %arg11[%get3A_237, %get3A_238] {strides = array<i32>} : memref<64x512xf32, #tpu.memory_space<vmem>>, vector<1x16xf32>,
      %get3A_240 = vector.shape_cast %get3A_239 : vector<1x16xf32> to vector<16xf32>
      %add3A_241 = arith.addf %get3A_240, %add3A_44 : vector<16xf32>
      %swap3A_242 = arith.index_cast %scan3A_86 : i32 to index
      %swap3A_243 = arith.constant 240 : index
      %swap3A_244 = tpu.vector_load %arg11[%swap3A_242, %swap3A_243] {strides = array<i32>} : memref<64x512xf32, #tpu.memory_space<vmem>>, vector<1x16xf32>,
      %swap3A_245 = vector.shape_cast %swap3A_244 : vector<1x16xf32> to vector<16xf32>
      %swap3A_246 = vector.shape_cast %add3A_241 : vector<16xf32> to vector<1x16xf32>
      tpu.vector_store %arg11[%swap3A_242, %swap3A_243], %swap3A_246 {strides = array<i32>} : memref<64x512xf32, #tpu.memory_space<vmem>>, vector<1x16xf32>,
      %get3A_247 = arith.index_cast %scan3A_86 : i32 to index
      %get3A_248 = arith.constant 256 : index
      %get3A_249 = tpu.vector_load %arg11[%get3A_247, %get3A_248] {strides = array<i32>} : memref<64x512xf32, #tpu.memory_space<vmem>>, vector<1x16xf32>,
      %get3A_250 = vector.shape_cast %get3A_249 : vector<1x16xf32> to vector<16xf32>
      %add3A_251 = arith.addf %get3A_250, %add3A_44 : vector<16xf32>
      %swap3A_252 = arith.index_cast %scan3A_86 : i32 to index
      %swap3A_253 = arith.constant 256 : index
      %swap3A_254 = tpu.vector_load %arg11[%swap3A_252, %swap3A_253] {strides = array<i32>} : memref<64x512xf32, #tpu.memory_space<vmem>>, vector<1x16xf32>,
      %swap3A_255 = vector.shape_cast %swap3A_254 : vector<1x16xf32> to vector<16xf32>
      %swap3A_256 = vector.shape_cast %add3A_251 : vector<16xf32> to vector<1x16xf32>
      tpu.vector_store %arg11[%swap3A_252, %swap3A_253], %swap3A_256 {strides = array<i32>} : memref<64x512xf32, #tpu.memory_space<vmem>>, vector<1x16xf32>,
      %get3A_257 = arith.index_cast %scan3A_86 : i32 to index
      %get3A_258 = arith.constant 272 : index
      %get3A_259 = tpu.vector_load %arg11[%get3A_257, %get3A_258] {strides = array<i32>} : memref<64x512xf32, #tpu.memory_space<vmem>>, vector<1x16xf32>,
      %get3A_260 = vector.shape_cast %get3A_259 : vector<1x16xf32> to vector<16xf32>
      %add3A_261 = arith.addf %get3A_260, %add3A_44 : vector<16xf32>
      %swap3A_262 = arith.index_cast %scan3A_86 : i32 to index
      %swap3A_263 = arith.constant 272 : index
      %swap3A_264 = tpu.vector_load %arg11[%swap3A_262, %swap3A_263] {strides = array<i32>} : memref<64x512xf32, #tpu.memory_space<vmem>>, vector<1x16xf32>,
      %swap3A_265 = vector.shape_cast %swap3A_264 : vector<1x16xf32> to vector<16xf32>
      %swap3A_266 = vector.shape_cast %add3A_261 : vector<16xf32> to vector<1x16xf32>
      tpu.vector_store %arg11[%swap3A_262, %swap3A_263], %swap3A_266 {strides = array<i32>} : memref<64x512xf32, #tpu.memory_space<vmem>>, vector<1x16xf32>,
      %get3A_267 = arith.index_cast %scan3A_86 : i32 to index
      %get3A_268 = arith.constant 288 : index
      %get3A_269 = tpu.vector_load %arg11[%get3A_267, %get3A_268] {strides = array<i32>} : memref<64x512xf32, #tpu.memory_space<vmem>>, vector<1x16xf32>,
      %get3A_270 = vector.shape_cast %get3A_269 : vector<1x16xf32> to vector<16xf32>
      %add3A_271 = arith.addf %get3A_270, %add3A_44 : vector<16xf32>
      %swap3A_272 = arith.index_cast %scan3A_86 : i32 to index
      %swap3A_273 = arith.constant 288 : index
      %swap3A_274 = tpu.vector_load %arg11[%swap3A_272, %swap3A_273] {strides = array<i32>} : memref<64x512xf32, #tpu.memory_space<vmem>>, vector<1x16xf32>,
      %swap3A_275 = vector.shape_cast %swap3A_274 : vector<1x16xf32> to vector<16xf32>
      %swap3A_276 = vector.shape_cast %add3A_271 : vector<16xf32> to vector<1x16xf32>
      tpu.vector_store %arg11[%swap3A_272, %swap3A_273], %swap3A_276 {strides = array<i32>} : memref<64x512xf32, #tpu.memory_space<vmem>>, vector<1x16xf32>,
      %get3A_277 = arith.index_cast %scan3A_86 : i32 to index
      %get3A_278 = arith.constant 304 : index
      %get3A_279 = tpu.vector_load %arg11[%get3A_277, %get3A_278] {strides = array<i32>} : memref<64x512xf32, #tpu.memory_space<vmem>>, vector<1x16xf32>,
      %get3A_280 = vector.shape_cast %get3A_279 : vector<1x16xf32> to vector<16xf32>
      %add3A_281 = arith.addf %get3A_280, %add3A_44 : vector<16xf32>
      %swap3A_282 = arith.index_cast %scan3A_86 : i32 to index
      %swap3A_283 = arith.constant 304 : index
      %swap3A_284 = tpu.vector_load %arg11[%swap3A_282, %swap3A_283] {strides = array<i32>} : memref<64x512xf32, #tpu.memory_space<vmem>>, vector<1x16xf32>,
      %swap3A_285 = vector.shape_cast %swap3A_284 : vector<1x16xf32> to vector<16xf32>
      %swap3A_286 = vector.shape_cast %add3A_281 : vector<16xf32> to vector<1x16xf32>
      tpu.vector_store %arg11[%swap3A_282, %swap3A_283], %swap3A_286 {strides = array<i32>} : memref<64x512xf32, #tpu.memory_space<vmem>>, vector<1x16xf32>,
      %get3A_287 = arith.index_cast %scan3A_86 : i32 to index
      %get3A_288 = arith.constant 320 : index
      %get3A_289 = tpu.vector_load %arg11[%get3A_287, %get3A_288] {strides = array<i32>} : memref<64x512xf32, #tpu.memory_space<vmem>>, vector<1x16xf32>,
      %get3A_290 = vector.shape_cast %get3A_289 : vector<1x16xf32> to vector<16xf32>
      %add3A_291 = arith.addf %get3A_290, %add3A_44 : vector<16xf32>
      %swap3A_292 = arith.index_cast %scan3A_86 : i32 to index
      %swap3A_293 = arith.constant 320 : index
      %swap3A_294 = tpu.vector_load %arg11[%swap3A_292, %swap3A_293] {strides = array<i32>} : memref<64x512xf32, #tpu.memory_space<vmem>>, vector<1x16xf32>,
      %swap3A_295 = vector.shape_cast %swap3A_294 : vector<1x16xf32> to vector<16xf32>
      %swap3A_296 = vector.shape_cast %add3A_291 : vector<16xf32> to vector<1x16xf32>
      tpu.vector_store %arg11[%swap3A_292, %swap3A_293], %swap3A_296 {strides = array<i32>} : memref<64x512xf32, #tpu.memory_space<vmem>>, vector<1x16xf32>,
      %get3A_297 = arith.index_cast %scan3A_86 : i32 to index
      %get3A_298 = arith.constant 336 : index
      %get3A_299 = tpu.vector_load %arg11[%get3A_297, %get3A_298] {strides = array<i32>} : memref<64x512xf32, #tpu.memory_space<vmem>>, vector<1x16xf32>,
      %get3A_300 = vector.shape_cast %get3A_299 : vector<1x16xf32> to vector<16xf32>
      %add3A_301 = arith.addf %get3A_300, %add3A_44 : vector<16xf32>
      %swap3A_302 = arith.index_cast %scan3A_86 : i32 to index
      %swap3A_303 = arith.constant 336 : index
      %swap3A_304 = tpu.vector_load %arg11[%swap3A_302, %swap3A_303] {strides = array<i32>} : memref<64x512xf32, #tpu.memory_space<vmem>>, vector<1x16xf32>,
      %swap3A_305 = vector.shape_cast %swap3A_304 : vector<1x16xf32> to vector<16xf32>
      %swap3A_306 = vector.shape_cast %add3A_301 : vector<16xf32> to vector<1x16xf32>
      tpu.vector_store %arg11[%swap3A_302, %swap3A_303], %swap3A_306 {strides = array<i32>} : memref<64x512xf32, #tpu.memory_space<vmem>>, vector<1x16xf32>,
      %get3A_307 = arith.index_cast %scan3A_86 : i32 to index
      %get3A_308 = arith.constant 352 : index
      %get3A_309 = tpu.vector_load %arg11[%get3A_307, %get3A_308] {strides = array<i32>} : memref<64x512xf32, #tpu.memory_space<vmem>>, vector<1x16xf32>,
      %get3A_310 = vector.shape_cast %get3A_309 : vector<1x16xf32> to vector<16xf32>
      %add3A_311 = arith.addf %get3A_310, %add3A_44 : vector<16xf32>
      %swap3A_312 = arith.index_cast %scan3A_86 : i32 to index
      %swap3A_313 = arith.constant 352 : index
      %swap3A_314 = tpu.vector_load %arg11[%swap3A_312, %swap3A_313] {strides = array<i32>} : memref<64x512xf32, #tpu.memory_space<vmem>>, vector<1x16xf32>,
      %swap3A_315 = vector.shape_cast %swap3A_314 : vector<1x16xf32> to vector<16xf32>
      %swap3A_316 = vector.shape_cast %add3A_311 : vector<16xf32> to vector<1x16xf32>
      tpu.vector_store %arg11[%swap3A_312, %swap3A_313], %swap3A_316 {strides = array<i32>} : memref<64x512xf32, #tpu.memory_space<vmem>>, vector<1x16xf32>,
      %get3A_317 = arith.index_cast %scan3A_86 : i32 to index
      %get3A_318 = arith.constant 368 : index
      %get3A_319 = tpu.vector_load %arg11[%get3A_317, %get3A_318] {strides = array<i32>} : memref<64x512xf32, #tpu.memory_space<vmem>>, vector<1x16xf32>,
      %get3A_320 = vector.shape_cast %get3A_319 : vector<1x16xf32> to vector<16xf32>
      %add3A_321 = arith.addf %get3A_320, %add3A_44 : vector<16xf32>
      %swap3A_322 = arith.index_cast %scan3A_86 : i32 to index
      %swap3A_323 = arith.constant 368 : index
      %swap3A_324 = tpu.vector_load %arg11[%swap3A_322, %swap3A_323] {strides = array<i32>} : memref<64x512xf32, #tpu.memory_space<vmem>>, vector<1x16xf32>,
      %swap3A_325 = vector.shape_cast %swap3A_324 : vector<1x16xf32> to vector<16xf32>
      %swap3A_326 = vector.shape_cast %add3A_321 : vector<16xf32> to vector<1x16xf32>
      tpu.vector_store %arg11[%swap3A_322, %swap3A_323], %swap3A_326 {strides = array<i32>} : memref<64x512xf32, #tpu.memory_space<vmem>>, vector<1x16xf32>,
      %get3A_327 = arith.index_cast %scan3A_86 : i32 to index
      %get3A_328 = arith.constant 384 : index
      %get3A_329 = tpu.vector_load %arg11[%get3A_327, %get3A_328] {strides = array<i32>} : memref<64x512xf32, #tpu.memory_space<vmem>>, vector<1x16xf32>,
      %get3A_330 = vector.shape_cast %get3A_329 : vector<1x16xf32> to vector<16xf32>
      %add3A_331 = arith.addf %get3A_330, %add3A_44 : vector<16xf32>
      %swap3A_332 = arith.index_cast %scan3A_86 : i32 to index
      %swap3A_333 = arith.constant 384 : index
      %swap3A_334 = tpu.vector_load %arg11[%swap3A_332, %swap3A_333] {strides = array<i32>} : memref<64x512xf32, #tpu.memory_space<vmem>>, vector<1x16xf32>,
      %swap3A_335 = vector.shape_cast %swap3A_334 : vector<1x16xf32> to vector<16xf32>
      %swap3A_336 = vector.shape_cast %add3A_331 : vector<16xf32> to vector<1x16xf32>
      tpu.vector_store %arg11[%swap3A_332, %swap3A_333], %swap3A_336 {strides = array<i32>} : memref<64x512xf32, #tpu.memory_space<vmem>>, vector<1x16xf32>,
      %get3A_337 = arith.index_cast %scan3A_86 : i32 to index
      %get3A_338 = arith.constant 400 : index
      %get3A_339 = tpu.vector_load %arg11[%get3A_337, %get3A_338] {strides = array<i32>} : memref<64x512xf32, #tpu.memory_space<vmem>>, vector<1x16xf32>,
      %get3A_340 = vector.shape_cast %get3A_339 : vector<1x16xf32> to vector<16xf32>
      %add3A_341 = arith.addf %get3A_340, %add3A_44 : vector<16xf32>
      %swap3A_342 = arith.index_cast %scan3A_86 : i32 to index
      %swap3A_343 = arith.constant 400 : index
      %swap3A_344 = tpu.vector_load %arg11[%swap3A_342, %swap3A_343] {strides = array<i32>} : memref<64x512xf32, #tpu.memory_space<vmem>>, vector<1x16xf32>,
      %swap3A_345 = vector.shape_cast %swap3A_344 : vector<1x16xf32> to vector<16xf32>
      %swap3A_346 = vector.shape_cast %add3A_341 : vector<16xf32> to vector<1x16xf32>
      tpu.vector_store %arg11[%swap3A_342, %swap3A_343], %swap3A_346 {strides = array<i32>} : memref<64x512xf32, #tpu.memory_space<vmem>>, vector<1x16xf32>,
      %get3A_347 = arith.index_cast %scan3A_86 : i32 to index
      %get3A_348 = arith.constant 416 : index
      %get3A_349 = tpu.vector_load %arg11[%get3A_347, %get3A_348] {strides = array<i32>} : memref<64x512xf32, #tpu.memory_space<vmem>>, vector<1x16xf32>,
      %get3A_350 = vector.shape_cast %get3A_349 : vector<1x16xf32> to vector<16xf32>
      %add3A_351 = arith.addf %get3A_350, %add3A_44 : vector<16xf32>
      %swap3A_352 = arith.index_cast %scan3A_86 : i32 to index
      %swap3A_353 = arith.constant 416 : index
      %swap3A_354 = tpu.vector_load %arg11[%swap3A_352, %swap3A_353] {strides = array<i32>} : memref<64x512xf32, #tpu.memory_space<vmem>>, vector<1x16xf32>,
      %swap3A_355 = vector.shape_cast %swap3A_354 : vector<1x16xf32> to vector<16xf32>
      %swap3A_356 = vector.shape_cast %add3A_351 : vector<16xf32> to vector<1x16xf32>
      tpu.vector_store %arg11[%swap3A_352, %swap3A_353], %swap3A_356 {strides = array<i32>} : memref<64x512xf32, #tpu.memory_space<vmem>>, vector<1x16xf32>,
      %get3A_357 = arith.index_cast %scan3A_86 : i32 to index
      %get3A_358 = arith.constant 432 : index
      %get3A_359 = tpu.vector_load %arg11[%get3A_357, %get3A_358] {strides = array<i32>} : memref<64x512xf32, #tpu.memory_space<vmem>>, vector<1x16xf32>,
      %get3A_360 = vector.shape_cast %get3A_359 : vector<1x16xf32> to vector<16xf32>
      %add3A_361 = arith.addf %get3A_360, %add3A_44 : vector<16xf32>
      %swap3A_362 = arith.index_cast %scan3A_86 : i32 to index
      %swap3A_363 = arith.constant 432 : index
      %swap3A_364 = tpu.vector_load %arg11[%swap3A_362, %swap3A_363] {strides = array<i32>} : memref<64x512xf32, #tpu.memory_space<vmem>>, vector<1x16xf32>,
      %swap3A_365 = vector.shape_cast %swap3A_364 : vector<1x16xf32> to vector<16xf32>
      %swap3A_366 = vector.shape_cast %add3A_361 : vector<16xf32> to vector<1x16xf32>
      tpu.vector_store %arg11[%swap3A_362, %swap3A_363], %swap3A_366 {strides = array<i32>} : memref<64x512xf32, #tpu.memory_space<vmem>>, vector<1x16xf32>,
      %get3A_367 = arith.index_cast %scan3A_86 : i32 to index
      %get3A_368 = arith.constant 448 : index
      %get3A_369 = tpu.vector_load %arg11[%get3A_367, %get3A_368] {strides = array<i32>} : memref<64x512xf32, #tpu.memory_space<vmem>>, vector<1x16xf32>,
      %get3A_370 = vector.shape_cast %get3A_369 : vector<1x16xf32> to vector<16xf32>
      %add3A_371 = arith.addf %get3A_370, %add3A_44 : vector<16xf32>
      %swap3A_372 = arith.index_cast %scan3A_86 : i32 to index
      %swap3A_373 = arith.constant 448 : index
      %swap3A_374 = tpu.vector_load %arg11[%swap3A_372, %swap3A_373] {strides = array<i32>} : memref<64x512xf32, #tpu.memory_space<vmem>>, vector<1x16xf32>,
      %swap3A_375 = vector.shape_cast %swap3A_374 : vector<1x16xf32> to vector<16xf32>
      %swap3A_376 = vector.shape_cast %add3A_371 : vector<16xf32> to vector<1x16xf32>
      tpu.vector_store %arg11[%swap3A_372, %swap3A_373], %swap3A_376 {strides = array<i32>} : memref<64x512xf32, #tpu.memory_space<vmem>>, vector<1x16xf32>,
      %get3A_377 = arith.index_cast %scan3A_86 : i32 to index
      %get3A_378 = arith.constant 464 : index
      %get3A_379 = tpu.vector_load %arg11[%get3A_377, %get3A_378] {strides = array<i32>} : memref<64x512xf32, #tpu.memory_space<vmem>>, vector<1x16xf32>,
      %get3A_380 = vector.shape_cast %get3A_379 : vector<1x16xf32> to vector<16xf32>
      %add3A_381 = arith.addf %get3A_380, %add3A_44 : vector<16xf32>
      %swap3A_382 = arith.index_cast %scan3A_86 : i32 to index
      %swap3A_383 = arith.constant 464 : index
      %swap3A_384 = tpu.vector_load %arg11[%swap3A_382, %swap3A_383] {strides = array<i32>} : memref<64x512xf32, #tpu.memory_space<vmem>>, vector<1x16xf32>,
      %swap3A_385 = vector.shape_cast %swap3A_384 : vector<1x16xf32> to vector<16xf32>
      %swap3A_386 = vector.shape_cast %add3A_381 : vector<16xf32> to vector<1x16xf32>
      tpu.vector_store %arg11[%swap3A_382, %swap3A_383], %swap3A_386 {strides = array<i32>} : memref<64x512xf32, #tpu.memory_space<vmem>>, vector<1x16xf32>,
      %get3A_387 = arith.index_cast %scan3A_86 : i32 to index
      %get3A_388 = arith.constant 480 : index
      %get3A_389 = tpu.vector_load %arg11[%get3A_387, %get3A_388] {strides = array<i32>} : memref<64x512xf32, #tpu.memory_space<vmem>>, vector<1x16xf32>,
      %get3A_390 = vector.shape_cast %get3A_389 : vector<1x16xf32> to vector<16xf32>
      %add3A_391 = arith.addf %get3A_390, %add3A_44 : vector<16xf32>
      %swap3A_392 = arith.index_cast %scan3A_86 : i32 to index
      %swap3A_393 = arith.constant 480 : index
      %swap3A_394 = tpu.vector_load %arg11[%swap3A_392, %swap3A_393] {strides = array<i32>} : memref<64x512xf32, #tpu.memory_space<vmem>>, vector<1x16xf32>,
      %swap3A_395 = vector.shape_cast %swap3A_394 : vector<1x16xf32> to vector<16xf32>
      %swap3A_396 = vector.shape_cast %add3A_391 : vector<16xf32> to vector<1x16xf32>
      tpu.vector_store %arg11[%swap3A_392, %swap3A_393], %swap3A_396 {strides = array<i32>} : memref<64x512xf32, #tpu.memory_space<vmem>>, vector<1x16xf32>,
      %get3A_397 = arith.index_cast %scan3A_86 : i32 to index
      %get3A_398 = arith.constant 496 : index
      %get3A_399 = tpu.vector_load %arg11[%get3A_397, %get3A_398] {strides = array<i32>} : memref<64x512xf32, #tpu.memory_space<vmem>>, vector<1x16xf32>,
      %get3A_400 = vector.shape_cast %get3A_399 : vector<1x16xf32> to vector<16xf32>
      %add3A_401 = arith.addf %get3A_400, %add3A_44 : vector<16xf32>
      %swap3A_402 = arith.index_cast %scan3A_86 : i32 to index
      %swap3A_403 = arith.constant 496 : index
      %swap3A_404 = tpu.vector_load %arg11[%swap3A_402, %swap3A_403] {strides = array<i32>} : memref<64x512xf32, #tpu.memory_space<vmem>>, vector<1x16xf32>,
      %swap3A_405 = vector.shape_cast %swap3A_404 : vector<1x16xf32> to vector<16xf32>
      %swap3A_406 = vector.shape_cast %add3A_401 : vector<16xf32> to vector<1x16xf32>
      tpu.vector_store %arg11[%swap3A_402, %swap3A_403], %swap3A_406 {strides = array<i32>} : memref<64x512xf32, #tpu.memory_space<vmem>>, vector<1x16xf32>,
      %scan3A_407 = arith.constant 0 : i32
      scf.yield %scan3A_407 : i32
    }
    %scan3A_76 = arith.constant 64 : i32
    %dma_start3A_77 = arith.constant 0 : i32
    %dma_start3A_78 = arith.constant 0 : i32
    %dma_start3A_79 = tpu.memref_slice %arg7[%dma_start3A_77, %dma_start3A_78] : memref<4096x512xf32, #tpu.memory_space<hbm>> -> memref<4096x512xf32, #tpu.memory_space<hbm>>
    tpu.enqueue_indirect_dma source(%arg11 : memref<64x512xf32, #tpu.memory_space<vmem>>) target(%dma_start3A_79 : memref<4096x512xf32, #tpu.memory_space<hbm>>) offsets(%arg9 : memref<64xi32, #tpu.memory_space<vmem>>) semaphore(%arg15 : memref<!tpu.dma_semaphore, #tpu.memory_space<semaphore_mem>>)
    %dma_wait3A_80 = arith.constant 0 : i32
    %dma_wait3A_81 = arith.constant 0 : i32
    %dma_wait3A_82 = tpu.memref_slice %arg7[%dma_wait3A_80, %dma_wait3A_81] : memref<4096x512xf32, #tpu.memory_space<hbm>> -> memref<4096x512xf32, #tpu.memory_space<hbm>>
    tpu.wait_indirect_dma semaphore(%arg14 : memref<!tpu.dma_semaphore, #tpu.memory_space<semaphore_mem>>) src(%arg10 : memref<64x512xf32, #tpu.memory_space<vmem>>) dst(%dma_wait3A_82 : memref<4096x512xf32, #tpu.memory_space<hbm>>)
    %dma_wait3A_83 = arith.constant 0 : i32
    %dma_wait3A_84 = arith.constant 0 : i32
    %dma_wait3A_85 = tpu.memref_slice %arg7[%dma_wait3A_83, %dma_wait3A_84] : memref<4096x512xf32, #tpu.memory_space<hbm>> -> memref<4096x512xf32, #tpu.memory_space<hbm>>
    tpu.wait_indirect_dma semaphore(%arg15 : memref<!tpu.dma_semaphore, #tpu.memory_space<semaphore_mem>>) src(%arg11 : memref<64x512xf32, #tpu.memory_space<vmem>>) dst(%dma_wait3A_85 : memref<4096x512xf32, #tpu.memory_space<hbm>>)
    return
  }
}

#map = affine_map<(d0, d1) -> (0, 0)>
module attributes {stable_mosaic.version = 14 : i64} {
  func.func @_sc_gather(%arg0: i32, %arg1: i32, %arg2: memref<4096x1024xf32, #tpu.memory_space<hbm>>, %arg3: memref<4096x256xf32, #tpu.memory_space<hbm>>, %arg4: memref<4096x256xf32, #tpu.memory_space<hbm>>, %arg5: memref<4x512xi32, #tpu.memory_space<hbm>>, %arg6: memref<2048x1024xf32, #tpu.memory_space<hbm>>, %arg7: memref<2048x256xf32, #tpu.memory_space<hbm>>, %arg8: memref<2048x256xf32, #tpu.memory_space<hbm>>, %arg9: memref<64xi32, #tpu.memory_space<vmem>>, %arg10: memref<32x1024xf32, #tpu.memory_space<vmem>>, %arg11: memref<32x1024xf32, #tpu.memory_space<vmem>>, %arg12: memref<64x256xf32, #tpu.memory_space<vmem>>, %arg13: memref<64x256xf32, #tpu.memory_space<vmem>>, %arg14: memref<!tpu.dma_semaphore, #tpu.memory_space<semaphore_mem>>, %arg15: memref<!tpu.dma_semaphore, #tpu.memory_space<semaphore_mem>>, %arg16: memref<!tpu.dma_semaphore, #tpu.memory_space<semaphore_mem>>, %arg17: memref<!tpu.dma_semaphore, #tpu.memory_space<semaphore_mem>>, %arg18: memref<!tpu.dma_semaphore, #tpu.memory_space<semaphore_mem>>, %arg19: memref<!tpu.dma_semaphore, #tpu.memory_space<semaphore_mem>>, %arg20: memref<!tpu.dma_semaphore, #tpu.memory_space<semaphore_mem>>, %arg21: memref<!tpu.dma_semaphore, #tpu.memory_space<semaphore_mem>>) attributes {dimension_semantics = [#tpu.dimension_semantics<core_parallel>, #tpu.dimension_semantics<subcore_parallel>], iteration_bounds = array<i64: 2, 16>, scalar_prefetch = 0 : i64, scratch_operands = 13 : i64, tpu.core_type = #tpu.core_type<sc_vector_subcore>, window_params = [{transform_indices = #map}, {transform_indices = #map}, {transform_indices = #map}, {transform_indices = #map}, {transform_indices = #map}, {transform_indices = #map}, {transform_indices = #map}]} {
    %mul3A = arith.constant 2 : i32
    %mul3A_0 = arith.muli %arg1, %mul3A : i32
    %add3A = arith.addi %mul3A_0, %arg0 : i32
    %jit3A = arith.constant 8 : i32
    %div3A = arith.divsi %add3A, %jit3A : i32
    %sign3A = arith.constant 0 : i32
    %sign3A_1 = arith.cmpi sgt, %add3A, %sign3A : i32
    %sign3A_2 = arith.extui %sign3A_1 : i1 to i32
    %sign3A_3 = arith.constant 0 : i32
    %sign3A_4 = arith.cmpi slt, %add3A, %sign3A_3 : i32
    %sign3A_5 = arith.extui %sign3A_4 : i1 to i32
    %sign3A_6 = arith.subi %sign3A_2, %sign3A_5 : i32
    %sign3A_7 = arith.constant 0 : i32
    %sign3A_8 = arith.cmpi sgt, %jit3A, %sign3A_7 : i32
    %sign3A_9 = arith.extui %sign3A_8 : i1 to i32
    %sign3A_10 = arith.constant 0 : i32
    %sign3A_11 = arith.cmpi slt, %jit3A, %sign3A_10 : i32
    %sign3A_12 = arith.extui %sign3A_11 : i1 to i32
    %sign3A_13 = arith.subi %sign3A_9, %sign3A_12 : i32
    %ne3A = arith.cmpi ne, %sign3A_6, %sign3A_13 : i32
    %rem3A = arith.remsi %add3A, %jit3A : i32
    %ne3A_14 = arith.constant 0 : i32
    %ne3A_15 = arith.cmpi ne, %rem3A, %ne3A_14 : i32
    %and3A = arith.andi %ne3A, %ne3A_15 : i1
    %sub3A = arith.constant 1 : i32
    %sub3A_16 = arith.subi %div3A, %sub3A : i32
    %select_n3A = arith.select %and3A, %sub3A_16, %div3A : i32
    %jit3A_17 = arith.constant 8 : i32
    %eq3A = arith.constant 0 : i32
    %eq3A_18 = arith.cmpi eq, %jit3A_17, %eq3A : i32
    %jit3A_19 = arith.constant 1 : i32
    %select_n3A_20 = arith.select %eq3A_18, %jit3A_19, %jit3A_17 : i32
    %rem3A_21 = arith.remsi %add3A, %select_n3A_20 : i32
    %ne3A_22 = arith.constant 0 : i32
    %ne3A_23 = arith.cmpi ne, %rem3A_21, %ne3A_22 : i32
    %lt3A = arith.constant 0 : i32
    %lt3A_24 = arith.cmpi slt, %rem3A_21, %lt3A : i32
    %lt3A_25 = arith.constant 0 : i32
    %lt3A_26 = arith.cmpi slt, %select_n3A_20, %lt3A_25 : i32
    %ne3A_27 = arith.xori %lt3A_24, %lt3A_26 : i1
    %and3A_28 = arith.andi %ne3A_27, %ne3A_23 : i1
    %add3A_29 = arith.addi %rem3A_21, %select_n3A_20 : i32
    %select_n3A_30 = arith.select %and3A_28, %add3A_29, %rem3A_21 : i32
    %mul3A_31 = arith.constant 64 : i32
    %mul3A_32 = arith.muli %select_n3A_30, %mul3A_31 : i32
    %mul3A_33 = arith.constant 64 : i32
    %mul3A_34 = arith.muli %add3A, %mul3A_33 : i32
    "tpu.region"() ({
      %run_scoped3A = tpu.sem_alloc : memref<!tpu.dma_semaphore, #tpu.memory_space<semaphore_mem>>
      %dma_start3A_99 = tpu.memref_slice %arg5[%select_n3A, %mul3A_32] : memref<4x512xi32, #tpu.memory_space<hbm>> -> memref<1x64xi32, #tpu.memory_space<hbm>>
      %dma_start3A_100 = tpu.memref_squeeze %dma_start3A_99 : memref<1x64xi32, #tpu.memory_space<hbm>> -> memref<64xi32, #tpu.memory_space<hbm>>
      %dma_start3A_101 = tpu.memref_slice %arg5[%select_n3A, %mul3A_32] : memref<4x512xi32, #tpu.memory_space<hbm>> -> memref<1x64xi32, #tpu.memory_space<hbm>>
      %dma_start3A_102 = tpu.memref_squeeze %dma_start3A_101 : memref<1x64xi32, #tpu.memory_space<hbm>> -> memref<64xi32, #tpu.memory_space<hbm>>
      tpu.enqueue_dma source(%dma_start3A_102 : memref<64xi32, #tpu.memory_space<hbm>>) target(%arg9 : memref<64xi32, #tpu.memory_space<vmem>>) target_semaphore(%run_scoped3A : memref<!tpu.dma_semaphore, #tpu.memory_space<semaphore_mem>>)
      %dma_wait3A_103 = tpu.memref_slice %arg5[%select_n3A, %mul3A_32] : memref<4x512xi32, #tpu.memory_space<hbm>> -> memref<1x64xi32, #tpu.memory_space<hbm>>
      %dma_wait3A_104 = tpu.memref_squeeze %dma_wait3A_103 : memref<1x64xi32, #tpu.memory_space<hbm>> -> memref<64xi32, #tpu.memory_space<hbm>>
      %dma_wait3A_105 = tpu.memref_slice %arg5[%select_n3A, %mul3A_32] : memref<4x512xi32, #tpu.memory_space<hbm>> -> memref<1x64xi32, #tpu.memory_space<hbm>>
      %dma_wait3A_106 = tpu.memref_squeeze %dma_wait3A_105 : memref<1x64xi32, #tpu.memory_space<hbm>> -> memref<64xi32, #tpu.memory_space<hbm>>
      tpu.wait_dma2 semaphore(%run_scoped3A : memref<!tpu.dma_semaphore, #tpu.memory_space<semaphore_mem>>) src(%dma_wait3A_106 : memref<64xi32, #tpu.memory_space<hbm>>) dst(%arg9 : memref<64xi32, #tpu.memory_space<vmem>>)
      tpu.yield
    }) : () -> ()
    %dma_start3A = arith.constant 0 : i32
    %dma_start3A_35 = arith.constant 0 : i32
    %dma_start3A_36 = tpu.memref_slice %arg3[%dma_start3A, %dma_start3A_35] : memref<4096x256xf32, #tpu.memory_space<hbm>> -> memref<4096x256xf32, #tpu.memory_space<hbm>>
    tpu.enqueue_indirect_dma source(%dma_start3A_36 : memref<4096x256xf32, #tpu.memory_space<hbm>>) target(%arg12 : memref<64x256xf32, #tpu.memory_space<vmem>>) offsets(%arg9 : memref<64xi32, #tpu.memory_space<vmem>>) semaphore(%arg16 : memref<!tpu.dma_semaphore, #tpu.memory_space<semaphore_mem>>)
    %dma_start3A_37 = arith.constant 0 : i32
    %dma_start3A_38 = arith.constant 0 : i32
    %dma_start3A_39 = tpu.memref_slice %arg4[%dma_start3A_37, %dma_start3A_38] : memref<4096x256xf32, #tpu.memory_space<hbm>> -> memref<4096x256xf32, #tpu.memory_space<hbm>>
    tpu.enqueue_indirect_dma source(%dma_start3A_39 : memref<4096x256xf32, #tpu.memory_space<hbm>>) target(%arg13 : memref<64x256xf32, #tpu.memory_space<vmem>>) offsets(%arg9 : memref<64xi32, #tpu.memory_space<vmem>>) semaphore(%arg17 : memref<!tpu.dma_semaphore, #tpu.memory_space<semaphore_mem>>)
    %dma_start3A_40 = arith.constant 0 : i32
    %dma_start3A_41 = tpu.memref_slice %arg9[%dma_start3A_40] : memref<64xi32, #tpu.memory_space<vmem>> -> memref<32xi32, #tpu.memory_space<vmem>>
    %dma_start3A_42 = arith.constant 0 : i32
    %dma_start3A_43 = arith.constant 0 : i32
    %dma_start3A_44 = tpu.memref_slice %arg2[%dma_start3A_42, %dma_start3A_43] : memref<4096x1024xf32, #tpu.memory_space<hbm>> -> memref<4096x1024xf32, #tpu.memory_space<hbm>>
    tpu.enqueue_indirect_dma source(%dma_start3A_44 : memref<4096x1024xf32, #tpu.memory_space<hbm>>) target(%arg10 : memref<32x1024xf32, #tpu.memory_space<vmem>>) offsets(%dma_start3A_41 : memref<32xi32, #tpu.memory_space<vmem>>) semaphore(%arg14 : memref<!tpu.dma_semaphore, #tpu.memory_space<semaphore_mem>>)
    %dma_start3A_45 = arith.constant 32 : i32
    %dma_start3A_46 = tpu.memref_slice %arg9[%dma_start3A_45] : memref<64xi32, #tpu.memory_space<vmem>> -> memref<32xi32, #tpu.memory_space<vmem>>
    %dma_start3A_47 = arith.constant 0 : i32
    %dma_start3A_48 = arith.constant 0 : i32
    %dma_start3A_49 = tpu.memref_slice %arg2[%dma_start3A_47, %dma_start3A_48] : memref<4096x1024xf32, #tpu.memory_space<hbm>> -> memref<4096x1024xf32, #tpu.memory_space<hbm>>
    tpu.enqueue_indirect_dma source(%dma_start3A_49 : memref<4096x1024xf32, #tpu.memory_space<hbm>>) target(%arg11 : memref<32x1024xf32, #tpu.memory_space<vmem>>) offsets(%dma_start3A_46 : memref<32xi32, #tpu.memory_space<vmem>>) semaphore(%arg15 : memref<!tpu.dma_semaphore, #tpu.memory_space<semaphore_mem>>)
    %dma_wait3A = arith.constant 0 : i32
    %dma_wait3A_50 = tpu.memref_slice %arg9[%dma_wait3A] : memref<64xi32, #tpu.memory_space<vmem>> -> memref<32xi32, #tpu.memory_space<vmem>>
    %dma_wait3A_51 = arith.constant 0 : i32
    %dma_wait3A_52 = arith.constant 0 : i32
    %dma_wait3A_53 = tpu.memref_slice %arg2[%dma_wait3A_51, %dma_wait3A_52] : memref<4096x1024xf32, #tpu.memory_space<hbm>> -> memref<4096x1024xf32, #tpu.memory_space<hbm>>
    tpu.wait_indirect_dma semaphore(%arg14 : memref<!tpu.dma_semaphore, #tpu.memory_space<semaphore_mem>>) src(%dma_wait3A_53 : memref<4096x1024xf32, #tpu.memory_space<hbm>>) dst(%arg10 : memref<32x1024xf32, #tpu.memory_space<vmem>>)
    %dma_start3A_54 = arith.constant 0 : i32
    %dma_start3A_55 = tpu.memref_slice %arg6[%mul3A_34, %dma_start3A_54] : memref<2048x1024xf32, #tpu.memory_space<hbm>> -> memref<32x1024xf32, #tpu.memory_space<hbm>>
    %dma_start3A_56 = arith.constant 0 : i32
    %dma_start3A_57 = tpu.memref_slice %arg6[%mul3A_34, %dma_start3A_56] : memref<2048x1024xf32, #tpu.memory_space<hbm>> -> memref<32x1024xf32, #tpu.memory_space<hbm>>
    tpu.enqueue_dma source(%arg10 : memref<32x1024xf32, #tpu.memory_space<vmem>>) target(%dma_start3A_57 : memref<32x1024xf32, #tpu.memory_space<hbm>>) target_semaphore(%arg18 : memref<!tpu.dma_semaphore, #tpu.memory_space<semaphore_mem>>)
    %dma_wait3A_58 = arith.constant 32 : i32
    %dma_wait3A_59 = tpu.memref_slice %arg9[%dma_wait3A_58] : memref<64xi32, #tpu.memory_space<vmem>> -> memref<32xi32, #tpu.memory_space<vmem>>
    %dma_wait3A_60 = arith.constant 0 : i32
    %dma_wait3A_61 = arith.constant 0 : i32
    %dma_wait3A_62 = tpu.memref_slice %arg2[%dma_wait3A_60, %dma_wait3A_61] : memref<4096x1024xf32, #tpu.memory_space<hbm>> -> memref<4096x1024xf32, #tpu.memory_space<hbm>>
    tpu.wait_indirect_dma semaphore(%arg15 : memref<!tpu.dma_semaphore, #tpu.memory_space<semaphore_mem>>) src(%dma_wait3A_62 : memref<4096x1024xf32, #tpu.memory_space<hbm>>) dst(%arg11 : memref<32x1024xf32, #tpu.memory_space<vmem>>)
    %add3A_63 = arith.constant 32 : i32
    %add3A_64 = arith.addi %mul3A_34, %add3A_63 : i32
    %dma_start3A_65 = arith.constant 0 : i32
    %dma_start3A_66 = tpu.memref_slice %arg6[%add3A_64, %dma_start3A_65] : memref<2048x1024xf32, #tpu.memory_space<hbm>> -> memref<32x1024xf32, #tpu.memory_space<hbm>>
    %dma_start3A_67 = arith.constant 0 : i32
    %dma_start3A_68 = tpu.memref_slice %arg6[%add3A_64, %dma_start3A_67] : memref<2048x1024xf32, #tpu.memory_space<hbm>> -> memref<32x1024xf32, #tpu.memory_space<hbm>>
    tpu.enqueue_dma source(%arg11 : memref<32x1024xf32, #tpu.memory_space<vmem>>) target(%dma_start3A_68 : memref<32x1024xf32, #tpu.memory_space<hbm>>) target_semaphore(%arg19 : memref<!tpu.dma_semaphore, #tpu.memory_space<semaphore_mem>>)
    %dma_wait3A_69 = arith.constant 0 : i32
    %dma_wait3A_70 = arith.constant 0 : i32
    %dma_wait3A_71 = tpu.memref_slice %arg3[%dma_wait3A_69, %dma_wait3A_70] : memref<4096x256xf32, #tpu.memory_space<hbm>> -> memref<4096x256xf32, #tpu.memory_space<hbm>>
    tpu.wait_indirect_dma semaphore(%arg16 : memref<!tpu.dma_semaphore, #tpu.memory_space<semaphore_mem>>) src(%dma_wait3A_71 : memref<4096x256xf32, #tpu.memory_space<hbm>>) dst(%arg12 : memref<64x256xf32, #tpu.memory_space<vmem>>)
    %dma_start3A_72 = arith.constant 0 : i32
    %dma_start3A_73 = tpu.memref_slice %arg7[%mul3A_34, %dma_start3A_72] : memref<2048x256xf32, #tpu.memory_space<hbm>> -> memref<64x256xf32, #tpu.memory_space<hbm>>
    %dma_start3A_74 = arith.constant 0 : i32
    %dma_start3A_75 = tpu.memref_slice %arg7[%mul3A_34, %dma_start3A_74] : memref<2048x256xf32, #tpu.memory_space<hbm>> -> memref<64x256xf32, #tpu.memory_space<hbm>>
    tpu.enqueue_dma source(%arg12 : memref<64x256xf32, #tpu.memory_space<vmem>>) target(%dma_start3A_75 : memref<64x256xf32, #tpu.memory_space<hbm>>) target_semaphore(%arg20 : memref<!tpu.dma_semaphore, #tpu.memory_space<semaphore_mem>>)
    %dma_wait3A_76 = arith.constant 0 : i32
    %dma_wait3A_77 = arith.constant 0 : i32
    %dma_wait3A_78 = tpu.memref_slice %arg4[%dma_wait3A_76, %dma_wait3A_77] : memref<4096x256xf32, #tpu.memory_space<hbm>> -> memref<4096x256xf32, #tpu.memory_space<hbm>>
    tpu.wait_indirect_dma semaphore(%arg17 : memref<!tpu.dma_semaphore, #tpu.memory_space<semaphore_mem>>) src(%dma_wait3A_78 : memref<4096x256xf32, #tpu.memory_space<hbm>>) dst(%arg13 : memref<64x256xf32, #tpu.memory_space<vmem>>)
    %dma_start3A_79 = arith.constant 0 : i32
    %dma_start3A_80 = tpu.memref_slice %arg8[%mul3A_34, %dma_start3A_79] : memref<2048x256xf32, #tpu.memory_space<hbm>> -> memref<64x256xf32, #tpu.memory_space<hbm>>
    %dma_start3A_81 = arith.constant 0 : i32
    %dma_start3A_82 = tpu.memref_slice %arg8[%mul3A_34, %dma_start3A_81] : memref<2048x256xf32, #tpu.memory_space<hbm>> -> memref<64x256xf32, #tpu.memory_space<hbm>>
    tpu.enqueue_dma source(%arg13 : memref<64x256xf32, #tpu.memory_space<vmem>>) target(%dma_start3A_82 : memref<64x256xf32, #tpu.memory_space<hbm>>) target_semaphore(%arg21 : memref<!tpu.dma_semaphore, #tpu.memory_space<semaphore_mem>>)
    %dma_wait3A_83 = arith.constant 0 : i32
    %dma_wait3A_84 = tpu.memref_slice %arg6[%mul3A_34, %dma_wait3A_83] : memref<2048x1024xf32, #tpu.memory_space<hbm>> -> memref<32x1024xf32, #tpu.memory_space<hbm>>
    %dma_wait3A_85 = arith.constant 0 : i32
    %dma_wait3A_86 = tpu.memref_slice %arg6[%mul3A_34, %dma_wait3A_85] : memref<2048x1024xf32, #tpu.memory_space<hbm>> -> memref<32x1024xf32, #tpu.memory_space<hbm>>
    tpu.wait_dma2 semaphore(%arg18 : memref<!tpu.dma_semaphore, #tpu.memory_space<semaphore_mem>>) src(%arg10 : memref<32x1024xf32, #tpu.memory_space<vmem>>) dst(%dma_wait3A_86 : memref<32x1024xf32, #tpu.memory_space<hbm>>)
    %dma_wait3A_87 = arith.constant 0 : i32
    %dma_wait3A_88 = tpu.memref_slice %arg6[%add3A_64, %dma_wait3A_87] : memref<2048x1024xf32, #tpu.memory_space<hbm>> -> memref<32x1024xf32, #tpu.memory_space<hbm>>
    %dma_wait3A_89 = arith.constant 0 : i32
    %dma_wait3A_90 = tpu.memref_slice %arg6[%add3A_64, %dma_wait3A_89] : memref<2048x1024xf32, #tpu.memory_space<hbm>> -> memref<32x1024xf32, #tpu.memory_space<hbm>>
    tpu.wait_dma2 semaphore(%arg19 : memref<!tpu.dma_semaphore, #tpu.memory_space<semaphore_mem>>) src(%arg11 : memref<32x1024xf32, #tpu.memory_space<vmem>>) dst(%dma_wait3A_90 : memref<32x1024xf32, #tpu.memory_space<hbm>>)
    %dma_wait3A_91 = arith.constant 0 : i32
    %dma_wait3A_92 = tpu.memref_slice %arg7[%mul3A_34, %dma_wait3A_91] : memref<2048x256xf32, #tpu.memory_space<hbm>> -> memref<64x256xf32, #tpu.memory_space<hbm>>
    %dma_wait3A_93 = arith.constant 0 : i32
    %dma_wait3A_94 = tpu.memref_slice %arg7[%mul3A_34, %dma_wait3A_93] : memref<2048x256xf32, #tpu.memory_space<hbm>> -> memref<64x256xf32, #tpu.memory_space<hbm>>
    tpu.wait_dma2 semaphore(%arg20 : memref<!tpu.dma_semaphore, #tpu.memory_space<semaphore_mem>>) src(%arg12 : memref<64x256xf32, #tpu.memory_space<vmem>>) dst(%dma_wait3A_94 : memref<64x256xf32, #tpu.memory_space<hbm>>)
    %dma_wait3A_95 = arith.constant 0 : i32
    %dma_wait3A_96 = tpu.memref_slice %arg8[%mul3A_34, %dma_wait3A_95] : memref<2048x256xf32, #tpu.memory_space<hbm>> -> memref<64x256xf32, #tpu.memory_space<hbm>>
    %dma_wait3A_97 = arith.constant 0 : i32
    %dma_wait3A_98 = tpu.memref_slice %arg8[%mul3A_34, %dma_wait3A_97] : memref<2048x256xf32, #tpu.memory_space<hbm>> -> memref<64x256xf32, #tpu.memory_space<hbm>>
    tpu.wait_dma2 semaphore(%arg21 : memref<!tpu.dma_semaphore, #tpu.memory_space<semaphore_mem>>) src(%arg13 : memref<64x256xf32, #tpu.memory_space<vmem>>) dst(%dma_wait3A_98 : memref<64x256xf32, #tpu.memory_space<hbm>>)
    return
  }
}

#map = affine_map<(d0, d1) -> (0, 0)>
module attributes {stable_mosaic.version = 14 : i64} {
  func.func @_sc_gather(%arg0: i32, %arg1: i32, %arg2: memref<4096x1024xf32, #tpu.memory_space<hbm>>, %arg3: memref<4096x256xf32, #tpu.memory_space<hbm>>, %arg4: memref<4096x256xf32, #tpu.memory_space<hbm>>, %arg5: memref<4x512xi32, #tpu.memory_space<hbm>>, %arg6: memref<2048x1024xf32, #tpu.memory_space<hbm>>, %arg7: memref<2048x256xf32, #tpu.memory_space<hbm>>, %arg8: memref<2048x256xf32, #tpu.memory_space<hbm>>, %arg9: memref<64xi32, #tpu.memory_space<vmem>>, %arg10: memref<32x1024xf32, #tpu.memory_space<vmem>>, %arg11: memref<32x1024xf32, #tpu.memory_space<vmem>>, %arg12: memref<64x256xf32, #tpu.memory_space<vmem>>, %arg13: memref<64x256xf32, #tpu.memory_space<vmem>>, %arg14: memref<!tpu.dma_semaphore, #tpu.memory_space<semaphore_mem>>, %arg15: memref<!tpu.dma_semaphore, #tpu.memory_space<semaphore_mem>>, %arg16: memref<!tpu.dma_semaphore, #tpu.memory_space<semaphore_mem>>, %arg17: memref<!tpu.dma_semaphore, #tpu.memory_space<semaphore_mem>>, %arg18: memref<!tpu.dma_semaphore, #tpu.memory_space<semaphore_mem>>, %arg19: memref<!tpu.dma_semaphore, #tpu.memory_space<semaphore_mem>>, %arg20: memref<!tpu.dma_semaphore, #tpu.memory_space<semaphore_mem>>, %arg21: memref<!tpu.dma_semaphore, #tpu.memory_space<semaphore_mem>>) attributes {dimension_semantics = [#tpu.dimension_semantics<core_parallel>, #tpu.dimension_semantics<subcore_parallel>], iteration_bounds = array<i64: 2, 16>, scalar_prefetch = 0 : i64, scratch_operands = 13 : i64, tpu.core_type = #tpu.core_type<sc_vector_subcore>, window_params = [{transform_indices = #map}, {transform_indices = #map}, {transform_indices = #map}, {transform_indices = #map}, {transform_indices = #map}, {transform_indices = #map}, {transform_indices = #map}]} {
    %mul3A = arith.constant 2 : i32
    %mul3A_0 = arith.muli %arg1, %mul3A : i32
    %add3A = arith.addi %mul3A_0, %arg0 : i32
    %jit3A = arith.constant 8 : i32
    %div3A = arith.divsi %add3A, %jit3A : i32
    %sign3A = arith.constant 0 : i32
    %sign3A_1 = arith.cmpi sgt, %add3A, %sign3A : i32
    %sign3A_2 = arith.extui %sign3A_1 : i1 to i32
    %sign3A_3 = arith.constant 0 : i32
    %sign3A_4 = arith.cmpi slt, %add3A, %sign3A_3 : i32
    %sign3A_5 = arith.extui %sign3A_4 : i1 to i32
    %sign3A_6 = arith.subi %sign3A_2, %sign3A_5 : i32
    %sign3A_7 = arith.constant 0 : i32
    %sign3A_8 = arith.cmpi sgt, %jit3A, %sign3A_7 : i32
    %sign3A_9 = arith.extui %sign3A_8 : i1 to i32
    %sign3A_10 = arith.constant 0 : i32
    %sign3A_11 = arith.cmpi slt, %jit3A, %sign3A_10 : i32
    %sign3A_12 = arith.extui %sign3A_11 : i1 to i32
    %sign3A_13 = arith.subi %sign3A_9, %sign3A_12 : i32
    %ne3A = arith.cmpi ne, %sign3A_6, %sign3A_13 : i32
    %rem3A = arith.remsi %add3A, %jit3A : i32
    %ne3A_14 = arith.constant 0 : i32
    %ne3A_15 = arith.cmpi ne, %rem3A, %ne3A_14 : i32
    %and3A = arith.andi %ne3A, %ne3A_15 : i1
    %sub3A = arith.constant 1 : i32
    %sub3A_16 = arith.subi %div3A, %sub3A : i32
    %select_n3A = arith.select %and3A, %sub3A_16, %div3A : i32
    %jit3A_17 = arith.constant 8 : i32
    %eq3A = arith.constant 0 : i32
    %eq3A_18 = arith.cmpi eq, %jit3A_17, %eq3A : i32
    %jit3A_19 = arith.constant 1 : i32
    %select_n3A_20 = arith.select %eq3A_18, %jit3A_19, %jit3A_17 : i32
    %rem3A_21 = arith.remsi %add3A, %select_n3A_20 : i32
    %ne3A_22 = arith.constant 0 : i32
    %ne3A_23 = arith.cmpi ne, %rem3A_21, %ne3A_22 : i32
    %lt3A = arith.constant 0 : i32
    %lt3A_24 = arith.cmpi slt, %rem3A_21, %lt3A : i32
    %lt3A_25 = arith.constant 0 : i32
    %lt3A_26 = arith.cmpi slt, %select_n3A_20, %lt3A_25 : i32
    %ne3A_27 = arith.xori %lt3A_24, %lt3A_26 : i1
    %and3A_28 = arith.andi %ne3A_27, %ne3A_23 : i1
    %add3A_29 = arith.addi %rem3A_21, %select_n3A_20 : i32
    %select_n3A_30 = arith.select %and3A_28, %add3A_29, %rem3A_21 : i32
    %mul3A_31 = arith.constant 64 : i32
    %mul3A_32 = arith.muli %select_n3A_30, %mul3A_31 : i32
    %mul3A_33 = arith.constant 64 : i32
    %mul3A_34 = arith.muli %add3A, %mul3A_33 : i32
    "tpu.region"() ({
      %run_scoped3A = tpu.sem_alloc : memref<!tpu.dma_semaphore, #tpu.memory_space<semaphore_mem>>
      %dma_start3A_99 = tpu.memref_slice %arg5[%select_n3A, %mul3A_32] : memref<4x512xi32, #tpu.memory_space<hbm>> -> memref<1x64xi32, #tpu.memory_space<hbm>>
      %dma_start3A_100 = tpu.memref_squeeze %dma_start3A_99 : memref<1x64xi32, #tpu.memory_space<hbm>> -> memref<64xi32, #tpu.memory_space<hbm>>
      %dma_start3A_101 = tpu.memref_slice %arg5[%select_n3A, %mul3A_32] : memref<4x512xi32, #tpu.memory_space<hbm>> -> memref<1x64xi32, #tpu.memory_space<hbm>>
      %dma_start3A_102 = tpu.memref_squeeze %dma_start3A_101 : memref<1x64xi32, #tpu.memory_space<hbm>> -> memref<64xi32, #tpu.memory_space<hbm>>
      tpu.enqueue_dma source(%dma_start3A_102 : memref<64xi32, #tpu.memory_space<hbm>>) target(%arg9 : memref<64xi32, #tpu.memory_space<vmem>>) target_semaphore(%run_scoped3A : memref<!tpu.dma_semaphore, #tpu.memory_space<semaphore_mem>>)
      %dma_wait3A_103 = tpu.memref_slice %arg5[%select_n3A, %mul3A_32] : memref<4x512xi32, #tpu.memory_space<hbm>> -> memref<1x64xi32, #tpu.memory_space<hbm>>
      %dma_wait3A_104 = tpu.memref_squeeze %dma_wait3A_103 : memref<1x64xi32, #tpu.memory_space<hbm>> -> memref<64xi32, #tpu.memory_space<hbm>>
      %dma_wait3A_105 = tpu.memref_slice %arg5[%select_n3A, %mul3A_32] : memref<4x512xi32, #tpu.memory_space<hbm>> -> memref<1x64xi32, #tpu.memory_space<hbm>>
      %dma_wait3A_106 = tpu.memref_squeeze %dma_wait3A_105 : memref<1x64xi32, #tpu.memory_space<hbm>> -> memref<64xi32, #tpu.memory_space<hbm>>
      tpu.wait_dma2 semaphore(%run_scoped3A : memref<!tpu.dma_semaphore, #tpu.memory_space<semaphore_mem>>) src(%dma_wait3A_106 : memref<64xi32, #tpu.memory_space<hbm>>) dst(%arg9 : memref<64xi32, #tpu.memory_space<vmem>>)
      tpu.yield
    }) : () -> ()
    %dma_start3A = arith.constant 0 : i32
    %dma_start3A_35 = arith.constant 0 : i32
    %dma_start3A_36 = tpu.memref_slice %arg3[%dma_start3A, %dma_start3A_35] : memref<4096x256xf32, #tpu.memory_space<hbm>> -> memref<4096x256xf32, #tpu.memory_space<hbm>>
    tpu.enqueue_indirect_dma source(%dma_start3A_36 : memref<4096x256xf32, #tpu.memory_space<hbm>>) target(%arg12 : memref<64x256xf32, #tpu.memory_space<vmem>>) offsets(%arg9 : memref<64xi32, #tpu.memory_space<vmem>>) semaphore(%arg16 : memref<!tpu.dma_semaphore, #tpu.memory_space<semaphore_mem>>)
    %dma_start3A_37 = arith.constant 0 : i32
    %dma_start3A_38 = arith.constant 0 : i32
    %dma_start3A_39 = tpu.memref_slice %arg4[%dma_start3A_37, %dma_start3A_38] : memref<4096x256xf32, #tpu.memory_space<hbm>> -> memref<4096x256xf32, #tpu.memory_space<hbm>>
    tpu.enqueue_indirect_dma source(%dma_start3A_39 : memref<4096x256xf32, #tpu.memory_space<hbm>>) target(%arg13 : memref<64x256xf32, #tpu.memory_space<vmem>>) offsets(%arg9 : memref<64xi32, #tpu.memory_space<vmem>>) semaphore(%arg17 : memref<!tpu.dma_semaphore, #tpu.memory_space<semaphore_mem>>)
    %dma_start3A_40 = arith.constant 0 : i32
    %dma_start3A_41 = tpu.memref_slice %arg9[%dma_start3A_40] : memref<64xi32, #tpu.memory_space<vmem>> -> memref<32xi32, #tpu.memory_space<vmem>>
    %dma_start3A_42 = arith.constant 0 : i32
    %dma_start3A_43 = arith.constant 0 : i32
    %dma_start3A_44 = tpu.memref_slice %arg2[%dma_start3A_42, %dma_start3A_43] : memref<4096x1024xf32, #tpu.memory_space<hbm>> -> memref<4096x1024xf32, #tpu.memory_space<hbm>>
    tpu.enqueue_indirect_dma source(%dma_start3A_44 : memref<4096x1024xf32, #tpu.memory_space<hbm>>) target(%arg10 : memref<32x1024xf32, #tpu.memory_space<vmem>>) offsets(%dma_start3A_41 : memref<32xi32, #tpu.memory_space<vmem>>) semaphore(%arg14 : memref<!tpu.dma_semaphore, #tpu.memory_space<semaphore_mem>>)
    %dma_start3A_45 = arith.constant 32 : i32
    %dma_start3A_46 = tpu.memref_slice %arg9[%dma_start3A_45] : memref<64xi32, #tpu.memory_space<vmem>> -> memref<32xi32, #tpu.memory_space<vmem>>
    %dma_start3A_47 = arith.constant 0 : i32
    %dma_start3A_48 = arith.constant 0 : i32
    %dma_start3A_49 = tpu.memref_slice %arg2[%dma_start3A_47, %dma_start3A_48] : memref<4096x1024xf32, #tpu.memory_space<hbm>> -> memref<4096x1024xf32, #tpu.memory_space<hbm>>
    tpu.enqueue_indirect_dma source(%dma_start3A_49 : memref<4096x1024xf32, #tpu.memory_space<hbm>>) target(%arg11 : memref<32x1024xf32, #tpu.memory_space<vmem>>) offsets(%dma_start3A_46 : memref<32xi32, #tpu.memory_space<vmem>>) semaphore(%arg15 : memref<!tpu.dma_semaphore, #tpu.memory_space<semaphore_mem>>)
    %dma_wait3A = arith.constant 0 : i32
    %dma_wait3A_50 = tpu.memref_slice %arg9[%dma_wait3A] : memref<64xi32, #tpu.memory_space<vmem>> -> memref<32xi32, #tpu.memory_space<vmem>>
    %dma_wait3A_51 = arith.constant 0 : i32
    %dma_wait3A_52 = arith.constant 0 : i32
    %dma_wait3A_53 = tpu.memref_slice %arg2[%dma_wait3A_51, %dma_wait3A_52] : memref<4096x1024xf32, #tpu.memory_space<hbm>> -> memref<4096x1024xf32, #tpu.memory_space<hbm>>
    tpu.wait_indirect_dma semaphore(%arg14 : memref<!tpu.dma_semaphore, #tpu.memory_space<semaphore_mem>>) src(%dma_wait3A_53 : memref<4096x1024xf32, #tpu.memory_space<hbm>>) dst(%arg10 : memref<32x1024xf32, #tpu.memory_space<vmem>>)
    %dma_start3A_54 = arith.constant 0 : i32
    %dma_start3A_55 = tpu.memref_slice %arg6[%mul3A_34, %dma_start3A_54] : memref<2048x1024xf32, #tpu.memory_space<hbm>> -> memref<32x1024xf32, #tpu.memory_space<hbm>>
    %dma_start3A_56 = arith.constant 0 : i32
    %dma_start3A_57 = tpu.memref_slice %arg6[%mul3A_34, %dma_start3A_56] : memref<2048x1024xf32, #tpu.memory_space<hbm>> -> memref<32x1024xf32, #tpu.memory_space<hbm>>
    tpu.enqueue_dma source(%arg10 : memref<32x1024xf32, #tpu.memory_space<vmem>>) target(%dma_start3A_57 : memref<32x1024xf32, #tpu.memory_space<hbm>>) target_semaphore(%arg18 : memref<!tpu.dma_semaphore, #tpu.memory_space<semaphore_mem>>)
    %dma_wait3A_58 = arith.constant 32 : i32
    %dma_wait3A_59 = tpu.memref_slice %arg9[%dma_wait3A_58] : memref<64xi32, #tpu.memory_space<vmem>> -> memref<32xi32, #tpu.memory_space<vmem>>
    %dma_wait3A_60 = arith.constant 0 : i32
    %dma_wait3A_61 = arith.constant 0 : i32
    %dma_wait3A_62 = tpu.memref_slice %arg2[%dma_wait3A_60, %dma_wait3A_61] : memref<4096x1024xf32, #tpu.memory_space<hbm>> -> memref<4096x1024xf32, #tpu.memory_space<hbm>>
    tpu.wait_indirect_dma semaphore(%arg15 : memref<!tpu.dma_semaphore, #tpu.memory_space<semaphore_mem>>) src(%dma_wait3A_62 : memref<4096x1024xf32, #tpu.memory_space<hbm>>) dst(%arg11 : memref<32x1024xf32, #tpu.memory_space<vmem>>)
    %add3A_63 = arith.constant 32 : i32
    %add3A_64 = arith.addi %mul3A_34, %add3A_63 : i32
    %dma_start3A_65 = arith.constant 0 : i32
    %dma_start3A_66 = tpu.memref_slice %arg6[%add3A_64, %dma_start3A_65] : memref<2048x1024xf32, #tpu.memory_space<hbm>> -> memref<32x1024xf32, #tpu.memory_space<hbm>>
    %dma_start3A_67 = arith.constant 0 : i32
    %dma_start3A_68 = tpu.memref_slice %arg6[%add3A_64, %dma_start3A_67] : memref<2048x1024xf32, #tpu.memory_space<hbm>> -> memref<32x1024xf32, #tpu.memory_space<hbm>>
    tpu.enqueue_dma source(%arg11 : memref<32x1024xf32, #tpu.memory_space<vmem>>) target(%dma_start3A_68 : memref<32x1024xf32, #tpu.memory_space<hbm>>) target_semaphore(%arg19 : memref<!tpu.dma_semaphore, #tpu.memory_space<semaphore_mem>>)
    %dma_wait3A_69 = arith.constant 0 : i32
    %dma_wait3A_70 = arith.constant 0 : i32
    %dma_wait3A_71 = tpu.memref_slice %arg3[%dma_wait3A_69, %dma_wait3A_70] : memref<4096x256xf32, #tpu.memory_space<hbm>> -> memref<4096x256xf32, #tpu.memory_space<hbm>>
    tpu.wait_indirect_dma semaphore(%arg16 : memref<!tpu.dma_semaphore, #tpu.memory_space<semaphore_mem>>) src(%dma_wait3A_71 : memref<4096x256xf32, #tpu.memory_space<hbm>>) dst(%arg12 : memref<64x256xf32, #tpu.memory_space<vmem>>)
    %dma_start3A_72 = arith.constant 0 : i32
    %dma_start3A_73 = tpu.memref_slice %arg7[%mul3A_34, %dma_start3A_72] : memref<2048x256xf32, #tpu.memory_space<hbm>> -> memref<64x256xf32, #tpu.memory_space<hbm>>
    %dma_start3A_74 = arith.constant 0 : i32
    %dma_start3A_75 = tpu.memref_slice %arg7[%mul3A_34, %dma_start3A_74] : memref<2048x256xf32, #tpu.memory_space<hbm>> -> memref<64x256xf32, #tpu.memory_space<hbm>>
    tpu.enqueue_dma source(%arg12 : memref<64x256xf32, #tpu.memory_space<vmem>>) target(%dma_start3A_75 : memref<64x256xf32, #tpu.memory_space<hbm>>) target_semaphore(%arg20 : memref<!tpu.dma_semaphore, #tpu.memory_space<semaphore_mem>>)
    %dma_wait3A_76 = arith.constant 0 : i32
    %dma_wait3A_77 = arith.constant 0 : i32
    %dma_wait3A_78 = tpu.memref_slice %arg4[%dma_wait3A_76, %dma_wait3A_77] : memref<4096x256xf32, #tpu.memory_space<hbm>> -> memref<4096x256xf32, #tpu.memory_space<hbm>>
    tpu.wait_indirect_dma semaphore(%arg17 : memref<!tpu.dma_semaphore, #tpu.memory_space<semaphore_mem>>) src(%dma_wait3A_78 : memref<4096x256xf32, #tpu.memory_space<hbm>>) dst(%arg13 : memref<64x256xf32, #tpu.memory_space<vmem>>)
    %dma_start3A_79 = arith.constant 0 : i32
    %dma_start3A_80 = tpu.memref_slice %arg8[%mul3A_34, %dma_start3A_79] : memref<2048x256xf32, #tpu.memory_space<hbm>> -> memref<64x256xf32, #tpu.memory_space<hbm>>
    %dma_start3A_81 = arith.constant 0 : i32
    %dma_start3A_82 = tpu.memref_slice %arg8[%mul3A_34, %dma_start3A_81] : memref<2048x256xf32, #tpu.memory_space<hbm>> -> memref<64x256xf32, #tpu.memory_space<hbm>>
    tpu.enqueue_dma source(%arg13 : memref<64x256xf32, #tpu.memory_space<vmem>>) target(%dma_start3A_82 : memref<64x256xf32, #tpu.memory_space<hbm>>) target_semaphore(%arg21 : memref<!tpu.dma_semaphore, #tpu.memory_space<semaphore_mem>>)
    %dma_wait3A_83 = arith.constant 0 : i32
    %dma_wait3A_84 = tpu.memref_slice %arg6[%mul3A_34, %dma_wait3A_83] : memref<2048x1024xf32, #tpu.memory_space<hbm>> -> memref<32x1024xf32, #tpu.memory_space<hbm>>
    %dma_wait3A_85 = arith.constant 0 : i32
    %dma_wait3A_86 = tpu.memref_slice %arg6[%mul3A_34, %dma_wait3A_85] : memref<2048x1024xf32, #tpu.memory_space<hbm>> -> memref<32x1024xf32, #tpu.memory_space<hbm>>
    tpu.wait_dma2 semaphore(%arg18 : memref<!tpu.dma_semaphore, #tpu.memory_space<semaphore_mem>>) src(%arg10 : memref<32x1024xf32, #tpu.memory_space<vmem>>) dst(%dma_wait3A_86 : memref<32x1024xf32, #tpu.memory_space<hbm>>)
    %dma_wait3A_87 = arith.constant 0 : i32
    %dma_wait3A_88 = tpu.memref_slice %arg6[%add3A_64, %dma_wait3A_87] : memref<2048x1024xf32, #tpu.memory_space<hbm>> -> memref<32x1024xf32, #tpu.memory_space<hbm>>
    %dma_wait3A_89 = arith.constant 0 : i32
    %dma_wait3A_90 = tpu.memref_slice %arg6[%add3A_64, %dma_wait3A_89] : memref<2048x1024xf32, #tpu.memory_space<hbm>> -> memref<32x1024xf32, #tpu.memory_space<hbm>>
    tpu.wait_dma2 semaphore(%arg19 : memref<!tpu.dma_semaphore, #tpu.memory_space<semaphore_mem>>) src(%arg11 : memref<32x1024xf32, #tpu.memory_space<vmem>>) dst(%dma_wait3A_90 : memref<32x1024xf32, #tpu.memory_space<hbm>>)
    %dma_wait3A_91 = arith.constant 0 : i32
    %dma_wait3A_92 = tpu.memref_slice %arg7[%mul3A_34, %dma_wait3A_91] : memref<2048x256xf32, #tpu.memory_space<hbm>> -> memref<64x256xf32, #tpu.memory_space<hbm>>
    %dma_wait3A_93 = arith.constant 0 : i32
    %dma_wait3A_94 = tpu.memref_slice %arg7[%mul3A_34, %dma_wait3A_93] : memref<2048x256xf32, #tpu.memory_space<hbm>> -> memref<64x256xf32, #tpu.memory_space<hbm>>
    tpu.wait_dma2 semaphore(%arg20 : memref<!tpu.dma_semaphore, #tpu.memory_space<semaphore_mem>>) src(%arg12 : memref<64x256xf32, #tpu.memory_space<vmem>>) dst(%dma_wait3A_94 : memref<64x256xf32, #tpu.memory_space<hbm>>)
    %dma_wait3A_95 = arith.constant 0 : i32
    %dma_wait3A_96 = tpu.memref_slice %arg8[%mul3A_34, %dma_wait3A_95] : memref<2048x256xf32, #tpu.memory_space<hbm>> -> memref<64x256xf32, #tpu.memory_space<hbm>>
    %dma_wait3A_97 = arith.constant 0 : i32
    %dma_wait3A_98 = tpu.memref_slice %arg8[%mul3A_34, %dma_wait3A_97] : memref<2048x256xf32, #tpu.memory_space<hbm>> -> memref<64x256xf32, #tpu.memory_space<hbm>>
    tpu.wait_dma2 semaphore(%arg21 : memref<!tpu.dma_semaphore, #tpu.memory_space<semaphore_mem>>) src(%arg13 : memref<64x256xf32, #tpu.memory_space<vmem>>) dst(%dma_wait3A_98 : memref<64x256xf32, #tpu.memory_space<hbm>>)
    return
  }
}

module attributes {stable_mosaic.version = 14 : i64} {
  func.func @_expert_body(%arg0: i32, %arg1: memref<512x1024xf32, #tpu.memory_space<vmem>>, %arg2: memref<512x256xf32, #tpu.memory_space<vmem>>, %arg3: memref<512x256xf32, #tpu.memory_space<vmem>>, %arg4: memref<1x1024x512xf32, #tpu.memory_space<vmem>>, %arg5: memref<1x1x512xf32, #tpu.memory_space<vmem>>, %arg6: memref<1x512x256xf32, #tpu.memory_space<vmem>>, %arg7: memref<1x512x256xf32, #tpu.memory_space<vmem>>, %arg8: memref<1024x64xf32, #tpu.memory_space<vmem>>, %arg9: memref<1x64xf32, #tpu.memory_space<vmem>>, %arg10: memref<64x2xf32, #tpu.memory_space<vmem>>, %arg11: memref<1x2xf32, #tpu.memory_space<vmem>>, %arg12: memref<512x512xf32, #tpu.memory_space<vmem>>, %arg13: memref<1x16xf32, #tpu.memory_space<vmem>>, %arg14: memref<1xf32, #tpu.memory_space<smem>>) attributes {dimension_semantics = [#tpu.dimension_semantics<arbitrary>], iteration_bounds = array<i64: 4>, scalar_prefetch = 0 : i64, scratch_operands = 1 : i64, tpu.core_type = #tpu.core_type<tc>, window_params = [{transform_indices = @transform_0, window_bounds = array<i64: 512, 1024>}, {transform_indices = @transform_1, window_bounds = array<i64: 512, 256>}, {transform_indices = @transform_2, window_bounds = array<i64: 512, 256>}, {transform_indices = @transform_3, window_bounds = array<i64: 1, 1024, 512>}, {transform_indices = @transform_4, window_bounds = array<i64: 1, 1, 512>}, {transform_indices = @transform_5, window_bounds = array<i64: 1, 512, 256>}, {transform_indices = @transform_6, window_bounds = array<i64: 1, 512, 256>}, {pipeline_mode = #tpu.pipeline_mode<synchronous>, transform_indices = @transform_7, window_bounds = array<i64: 1024, 64>}, {pipeline_mode = #tpu.pipeline_mode<synchronous>, transform_indices = @transform_8, window_bounds = array<i64: 1, 64>}, {pipeline_mode = #tpu.pipeline_mode<synchronous>, transform_indices = @transform_9, window_bounds = array<i64: 64, 2>}, {pipeline_mode = #tpu.pipeline_mode<synchronous>, transform_indices = @transform_10, window_bounds = array<i64: 1, 2>}, {transform_indices = @transform_11, window_bounds = array<i64: 512, 512>}, {pipeline_mode = #tpu.pipeline_mode<synchronous>, transform_indices = @transform_12, window_bounds = array<i64: 1, 16>}]} {
    %get3A = arith.constant 0 : index
    %get3A_0 = arith.constant 0 : index
    %get3A_1 = vector.load %arg1[%get3A, %get3A_0] : memref<512x1024xf32, #tpu.memory_space<vmem>>, vector<512x1024xf32>
    %convert_element_type3A = arith.truncf %get3A_1 : vector<512x1024xf32> to vector<512x1024xbf16>
    %get3A_2 = arith.constant 0 : index
    %get3A_3 = arith.constant 0 : index
    %get3A_4 = arith.constant 0 : index
    %get3A_5 = vector.load %arg4[%get3A_2, %get3A_3, %get3A_4] : memref<1x1024x512xf32, #tpu.memory_space<vmem>>, vector<1x1024x512xf32>
    %get3A_6 = vector.shape_cast %get3A_5 : vector<1x1024x512xf32> to vector<1024x512xf32>
    %convert_element_type3A_7 = arith.truncf %get3A_6 : vector<1024x512xf32> to vector<1024x512xbf16>
    %dot_general3A = arith.constant dense<0.000000e+00> : vector<512x512xf32>
    %dot_general3A_8 = tpu.matmul %convert_element_type3A, %convert_element_type3A_7, %dot_general3A {dimension_numbers = #tpu.dot_dimension_numbers<[1], [0], [0], [1], [0, 0, 1, 1], [], []>, transpose_lhs_hint = false} : vector<512x1024xbf16>, vector<1024x512xbf16>, vector<512x512xf32> -> vector<512x512xf32>
    %get3A_9 = arith.constant 0 : index
    %get3A_10 = arith.constant 0 : index
    %get3A_11 = arith.constant 0 : index
    %get3A_12 = vector.load %arg5[%get3A_9, %get3A_10, %get3A_11] : memref<1x1x512xf32, #tpu.memory_space<vmem>>, vector<1x1x512xf32>
    %get3A_13 = vector.shape_cast %get3A_12 : vector<1x1x512xf32> to vector<1x512xf32>
    %add3A = vector.broadcast %get3A_13 : vector<1x512xf32> to vector<512x512xf32>
    %add3A_14 = arith.addf %dot_general3A_8, %add3A : vector<512x512xf32>
    %reduce_max3A = arith.constant dense<0xFF800000> : vector<512xf32>
    %reduce_max3A_15 = vector.multi_reduction <maximumf>, %add3A_14, %reduce_max3A [1] : vector<512x512xf32> to vector<512xf32>
    %broadcast_in_dim3A = vector.shape_cast %reduce_max3A_15 : vector<512xf32> to vector<512x1xf32>
    %sub3A = vector.broadcast %broadcast_in_dim3A : vector<512x1xf32> to vector<512x512xf32>
    %sub3A_16 = arith.subf %add3A_14, %sub3A : vector<512x512xf32>
    %exp3A = math.exp %sub3A_16 : vector<512x512xf32>
    %reduce_sum3A = arith.constant dense<0.000000e+00> : vector<512xf32>
    %reduce_sum3A_17 = vector.multi_reduction <add>, %exp3A, %reduce_sum3A [1] : vector<512x512xf32> to vector<512xf32>
    %broadcast_in_dim3A_18 = vector.shape_cast %reduce_sum3A_17 : vector<512xf32> to vector<512x1xf32>
    %div3A = vector.broadcast %broadcast_in_dim3A_18 : vector<512x1xf32> to vector<512x512xf32>
    %div3A_19 = arith.divf %exp3A, %div3A : vector<512x512xf32>
    %log3A = math.log %broadcast_in_dim3A_18 : vector<512x1xf32>
    %sub3A_20 = vector.broadcast %log3A : vector<512x1xf32> to vector<512x512xf32>
    %sub3A_21 = arith.subf %sub3A_16, %sub3A_20 : vector<512x512xf32>
    %neg3A = arith.constant 0.000000e+00 : f32
    %neg3A_22 = vector.broadcast %neg3A : f32 to vector<512x512xf32>
    %neg3A_23 = arith.subf %neg3A_22, %sub3A_21 : vector<512x512xf32>
    %mul3A = arith.mulf %neg3A_23, %div3A_19 : vector<512x512xf32>
    %reduce_sum3A_24 = vector.shape_cast %mul3A : vector<512x512xf32> to vector<1x512x512xf32>
    %reduce_sum3A_25 = arith.constant dense<0.000000e+00> : vector<1xf32>
    %reduce_sum3A_26 = vector.multi_reduction <add>, %reduce_sum3A_24, %reduce_sum3A_25 [1, 2] : vector<1x512x512xf32> to vector<1xf32>
    %reduce_sum3A_27 = vector.shape_cast %reduce_sum3A_26 : vector<1xf32> to vector<1x1x1xf32>
    %reduce_sum3A_28 = vector.extract %reduce_sum3A_27[0, 0, 0] : f32 from vector<1x1x1xf32>
    %mul3A_29 = arith.constant 3.81469727E-6 : f32
    %mul3A_30 = arith.mulf %reduce_sum3A_28, %mul3A_29 : f32
    %eq3A = arith.constant 0 : i32
    %eq3A_31 = arith.cmpi eq, %arg0, %eq3A : i32
    %convert_element_type3A_32 = arith.extui %eq3A_31 : i1 to i32
    %cond3A = arith.constant 0 : i32
    %cond3A_33 = arith.cmpi ne, %convert_element_type3A_32, %cond3A : i32
    scf.if %cond3A_33 {
      %swap3A_119 = arith.constant 0.000000e+00 : f32
      %swap3A_120 = arith.constant 0 : index
      %swap3A_121 = memref.load %arg14[%swap3A_120] : memref<1xf32, #tpu.memory_space<smem>>
      memref.store %swap3A_119, %arg14[%swap3A_120] : memref<1xf32, #tpu.memory_space<smem>>
    } else {
    }
    %get3A_34 = arith.constant 0 : index
    %get3A_35 = memref.load %arg14[%get3A_34] : memref<1xf32, #tpu.memory_space<smem>>
    %add3A_36 = arith.addf %get3A_35, %mul3A_30 : f32
    %swap3A = arith.constant 0 : index
    %swap3A_37 = memref.load %arg14[%swap3A] : memref<1xf32, #tpu.memory_space<smem>>
    memref.store %add3A_36, %arg14[%swap3A] : memref<1xf32, #tpu.memory_space<smem>>
    %convert_element_type3A_38 = arith.truncf %div3A_19 : vector<512x512xf32> to vector<512x512xbf16>
    %get3A_39 = arith.constant 0 : index
    %get3A_40 = arith.constant 0 : index
    %get3A_41 = arith.constant 0 : index
    %get3A_42 = vector.load %arg6[%get3A_39, %get3A_40, %get3A_41] : memref<1x512x256xf32, #tpu.memory_space<vmem>>, vector<1x512x256xf32>
    %get3A_43 = vector.shape_cast %get3A_42 : vector<1x512x256xf32> to vector<512x256xf32>
    %convert_element_type3A_44 = arith.truncf %get3A_43 : vector<512x256xf32> to vector<512x256xbf16>
    %dot_general3A_45 = arith.constant dense<0.000000e+00> : vector<512x256xf32>
    %dot_general3A_46 = tpu.matmul %convert_element_type3A_38, %convert_element_type3A_44, %dot_general3A_45 {dimension_numbers = #tpu.dot_dimension_numbers<[1], [0], [0], [1], [0, 0, 1, 1], [], []>, transpose_lhs_hint = false} : vector<512x512xbf16>, vector<512x256xbf16>, vector<512x256xf32> -> vector<512x256xf32>
    %get3A_47 = arith.constant 0 : index
    %get3A_48 = arith.constant 0 : index
    %get3A_49 = arith.constant 0 : index
    %get3A_50 = vector.load %arg7[%get3A_47, %get3A_48, %get3A_49] : memref<1x512x256xf32, #tpu.memory_space<vmem>>, vector<1x512x256xf32>
    %get3A_51 = vector.shape_cast %get3A_50 : vector<1x512x256xf32> to vector<512x256xf32>
    %convert_element_type3A_52 = arith.truncf %get3A_51 : vector<512x256xf32> to vector<512x256xbf16>
    %dot_general3A_53 = arith.constant dense<0.000000e+00> : vector<512x256xf32>
    %dot_general3A_54 = tpu.matmul %convert_element_type3A_38, %convert_element_type3A_52, %dot_general3A_53 {dimension_numbers = #tpu.dot_dimension_numbers<[1], [0], [0], [1], [0, 0, 1, 1], [], []>, transpose_lhs_hint = false} : vector<512x512xbf16>, vector<512x256xbf16>, vector<512x256xf32> -> vector<512x256xf32>
    %get3A_55 = arith.constant 0 : index
    %get3A_56 = arith.constant 0 : index
    %get3A_57 = vector.load %arg8[%get3A_55, %get3A_56] : memref<1024x64xf32, #tpu.memory_space<vmem>>, vector<1024x64xf32>
    %convert_element_type3A_58 = arith.truncf %get3A_57 : vector<1024x64xf32> to vector<1024x64xbf16>
    %dot_general3A_59 = arith.constant dense<0.000000e+00> : vector<512x64xf32>
    %dot_general3A_60 = tpu.matmul %convert_element_type3A, %convert_element_type3A_58, %dot_general3A_59 {dimension_numbers = #tpu.dot_dimension_numbers<[1], [0], [0], [1], [0, 0, 1, 1], [], []>, transpose_lhs_hint = false} : vector<512x1024xbf16>, vector<1024x64xbf16>, vector<512x64xf32> -> vector<512x64xf32>
    %get3A_61 = arith.constant 0 : index
    %get3A_62 = arith.constant 0 : index
    %get3A_63 = vector.load %arg9[%get3A_61, %get3A_62] : memref<1x64xf32, #tpu.memory_space<vmem>>, vector<1x64xf32>
    %add3A_64 = vector.broadcast %get3A_63 : vector<1x64xf32> to vector<512x64xf32>
    %add3A_65 = arith.addf %dot_general3A_60, %add3A_64 : vector<512x64xf32>
    %max3A = arith.constant 0.000000e+00 : f32
    %max3A_66 = vector.broadcast %max3A : f32 to vector<512x64xf32>
    %max3A_67 = arith.maximumf %add3A_65, %max3A_66 : vector<512x64xf32>
    %convert_element_type3A_68 = arith.truncf %max3A_67 : vector<512x64xf32> to vector<512x64xbf16>
    %get3A_69 = arith.constant 0 : index
    %get3A_70 = arith.constant 0 : index
    %get3A_71 = vector.load %arg10[%get3A_69, %get3A_70] : memref<64x2xf32, #tpu.memory_space<vmem>>, vector<64x2xf32>
    %convert_element_type3A_72 = arith.truncf %get3A_71 : vector<64x2xf32> to vector<64x2xbf16>
    %dot_general3A_73 = arith.constant dense<0.000000e+00> : vector<512x2xf32>
    %dot_general3A_74 = tpu.matmul %convert_element_type3A_68, %convert_element_type3A_72, %dot_general3A_73 {dimension_numbers = #tpu.dot_dimension_numbers<[1], [0], [0], [1], [0, 0, 1, 1], [], []>, transpose_lhs_hint = false} : vector<512x64xbf16>, vector<64x2xbf16>, vector<512x2xf32> -> vector<512x2xf32>
    %get3A_75 = arith.constant 0 : index
    %get3A_76 = arith.constant 0 : index
    %get3A_77 = vector.load %arg11[%get3A_75, %get3A_76] : memref<1x2xf32, #tpu.memory_space<vmem>>, vector<1x2xf32>
    %add3A_78 = vector.broadcast %get3A_77 : vector<1x2xf32> to vector<512x2xf32>
    %add3A_79 = arith.addf %dot_general3A_74, %add3A_78 : vector<512x2xf32>
    %reduce_max3A_80 = arith.constant dense<0xFF800000> : vector<512xf32>
    %reduce_max3A_81 = vector.multi_reduction <maximumf>, %add3A_79, %reduce_max3A_80 [1] : vector<512x2xf32> to vector<512xf32>
    %broadcast_in_dim3A_82 = vector.shape_cast %reduce_max3A_81 : vector<512xf32> to vector<512x1xf32>
    %sub3A_83 = vector.broadcast %broadcast_in_dim3A_82 : vector<512x1xf32> to vector<512x2xf32>
    %sub3A_84 = arith.subf %add3A_79, %sub3A_83 : vector<512x2xf32>
    %exp3A_85 = math.exp %sub3A_84 : vector<512x2xf32>
    %reduce_sum3A_86 = arith.constant dense<0.000000e+00> : vector<512xf32>
    %reduce_sum3A_87 = vector.multi_reduction <add>, %exp3A_85, %reduce_sum3A_86 [1] : vector<512x2xf32> to vector<512xf32>
    %broadcast_in_dim3A_88 = vector.shape_cast %reduce_sum3A_87 : vector<512xf32> to vector<512x1xf32>
    %div3A_89 = vector.broadcast %broadcast_in_dim3A_88 : vector<512x1xf32> to vector<512x2xf32>
    %div3A_90 = arith.divf %exp3A_85, %div3A_89 : vector<512x2xf32>
    %slice3A = vector.extract_strided_slice %div3A_90 {offsets = [0, 0], sizes = [512, 1], strides = [1, 1]} : vector<512x2xf32> to vector<512x1xf32>
    %slice3A_91 = vector.extract_strided_slice %div3A_90 {offsets = [0, 1], sizes = [512, 1], strides = [1, 1]} : vector<512x2xf32> to vector<512x1xf32>
    %get3A_92 = arith.constant 0 : index
    %get3A_93 = arith.constant 0 : index
    %get3A_94 = vector.load %arg2[%get3A_92, %get3A_93] : memref<512x256xf32, #tpu.memory_space<vmem>>, vector<512x256xf32>
    %mul3A_95 = vector.broadcast %slice3A : vector<512x1xf32> to vector<512x256xf32>
    %mul3A_96 = arith.mulf %get3A_94, %mul3A_95 : vector<512x256xf32>
    %mul3A_97 = vector.broadcast %slice3A_91 : vector<512x1xf32> to vector<512x256xf32>
    %mul3A_98 = arith.mulf %dot_general3A_46, %mul3A_97 : vector<512x256xf32>
    %add3A_99 = arith.addf %mul3A_96, %mul3A_98 : vector<512x256xf32>
    %swap3A_100 = arith.constant 0 : index
    %swap3A_101 = arith.constant 0 : index
    %swap3A_102 = vector.load %arg12[%swap3A_100, %swap3A_101] : memref<512x512xf32, #tpu.memory_space<vmem>>, vector<512x256xf32>
    tpu.vector_store %arg12[%swap3A_100, %swap3A_101], %add3A_99 {strides = array<i32>} : memref<512x512xf32, #tpu.memory_space<vmem>>, vector<512x256xf32>,
    %get3A_103 = arith.constant 0 : index
    %get3A_104 = arith.constant 0 : index
    %get3A_105 = vector.load %arg3[%get3A_103, %get3A_104] : memref<512x256xf32, #tpu.memory_space<vmem>>, vector<512x256xf32>
    %mul3A_106 = vector.broadcast %slice3A : vector<512x1xf32> to vector<512x256xf32>
    %mul3A_107 = arith.mulf %get3A_105, %mul3A_106 : vector<512x256xf32>
    %mul3A_108 = vector.broadcast %slice3A_91 : vector<512x1xf32> to vector<512x256xf32>
    %mul3A_109 = arith.mulf %dot_general3A_54, %mul3A_108 : vector<512x256xf32>
    %add3A_110 = arith.addf %mul3A_107, %mul3A_109 : vector<512x256xf32>
    %swap3A_111 = arith.constant 0 : index
    %swap3A_112 = arith.constant 256 : index
    %swap3A_113 = vector.load %arg12[%swap3A_111, %swap3A_112] : memref<512x512xf32, #tpu.memory_space<vmem>>, vector<512x256xf32>
    tpu.vector_store %arg12[%swap3A_111, %swap3A_112], %add3A_110 {strides = array<i32>} : memref<512x512xf32, #tpu.memory_space<vmem>>, vector<512x256xf32>,
    %eq3A_114 = arith.constant 3 : i32
    %eq3A_115 = arith.cmpi eq, %arg0, %eq3A_114 : i32
    %convert_element_type3A_116 = arith.extui %eq3A_115 : i1 to i32
    %cond3A_117 = arith.constant 0 : i32
    %cond3A_118 = arith.cmpi ne, %convert_element_type3A_116, %cond3A_117 : i32
    scf.if %cond3A_118 {
      %get3A_119 = arith.constant 0 : index
      %get3A_120 = memref.load %arg14[%get3A_119] : memref<1xf32, #tpu.memory_space<smem>>
      %broadcast_in_dim3A_121 = vector.broadcast %get3A_120 : f32 to vector<1x16xf32>
      %swap3A_122 = arith.constant 0 : index
      %swap3A_123 = arith.constant 0 : index
      %swap3A_124 = vector.load %arg13[%swap3A_122, %swap3A_123] : memref<1x16xf32, #tpu.memory_space<vmem>>, vector<1x16xf32>
      tpu.vector_store %arg13[%swap3A_122, %swap3A_123], %broadcast_in_dim3A_121 {strides = array<i32>} : memref<1x16xf32, #tpu.memory_space<vmem>>, vector<1x16xf32>,
    } else {
    }
    return
  }
  func.func @transform_0(%arg0: i32) -> (i32, i32) {
    %c0_i32 = arith.constant 0 : i32
    %c0_i32_0 = arith.constant 0 : i32
    return %arg0, %c0_i32 : i32, i32
  }
  func.func @transform_1(%arg0: i32) -> (i32, i32) {
    %c0_i32 = arith.constant 0 : i32
    %c0_i32_0 = arith.constant 0 : i32
    return %arg0, %c0_i32 : i32, i32
  }
  func.func @transform_2(%arg0: i32) -> (i32, i32) {
    %c0_i32 = arith.constant 0 : i32
    %c0_i32_0 = arith.constant 0 : i32
    return %arg0, %c0_i32 : i32, i32
  }
  func.func @transform_3(%arg0: i32) -> (i32, i32, i32) {
    %add3A = arith.constant 0 : i32
    %add3A_0 = arith.addi %add3A, %arg0 : i32
    %c0_i32 = arith.constant 0 : i32
    %c0_i32_1 = arith.constant 0 : i32
    %c0_i32_2 = arith.constant 0 : i32
    return %add3A_0, %c0_i32, %c0_i32_1 : i32, i32, i32
  }
  func.func @transform_4(%arg0: i32) -> (i32, i32, i32) {
    %add3A = arith.constant 0 : i32
    %add3A_0 = arith.addi %add3A, %arg0 : i32
    %c0_i32 = arith.constant 0 : i32
    %c0_i32_1 = arith.constant 0 : i32
    %c0_i32_2 = arith.constant 0 : i32
    return %add3A_0, %c0_i32, %c0_i32_1 : i32, i32, i32
  }
  func.func @transform_5(%arg0: i32) -> (i32, i32, i32) {
    %add3A = arith.constant 0 : i32
    %add3A_0 = arith.addi %add3A, %arg0 : i32
    %c0_i32 = arith.constant 0 : i32
    %c0_i32_1 = arith.constant 0 : i32
    %c0_i32_2 = arith.constant 0 : i32
    return %add3A_0, %c0_i32, %c0_i32_1 : i32, i32, i32
  }
  func.func @transform_6(%arg0: i32) -> (i32, i32, i32) {
    %add3A = arith.constant 0 : i32
    %add3A_0 = arith.addi %add3A, %arg0 : i32
    %c0_i32 = arith.constant 0 : i32
    %c0_i32_1 = arith.constant 0 : i32
    %c0_i32_2 = arith.constant 0 : i32
    return %add3A_0, %c0_i32, %c0_i32_1 : i32, i32, i32
  }
  func.func @transform_7(%arg0: i32) -> (i32, i32) {
    %c0_i32 = arith.constant 0 : i32
    %c0_i32_0 = arith.constant 0 : i32
    %c0_i32_1 = arith.constant 0 : i32
    return %c0_i32, %c0_i32_0 : i32, i32
  }
  func.func @transform_8(%arg0: i32) -> (i32, i32) {
    %c0_i32 = arith.constant 0 : i32
    %c0_i32_0 = arith.constant 0 : i32
    %c0_i32_1 = arith.constant 0 : i32
    return %c0_i32, %c0_i32_0 : i32, i32
  }
  func.func @transform_9(%arg0: i32) -> (i32, i32) {
    %c0_i32 = arith.constant 0 : i32
    %c0_i32_0 = arith.constant 0 : i32
    %c0_i32_1 = arith.constant 0 : i32
    return %c0_i32, %c0_i32_0 : i32, i32
  }
  func.func @transform_10(%arg0: i32) -> (i32, i32) {
    %c0_i32 = arith.constant 0 : i32
    %c0_i32_0 = arith.constant 0 : i32
    %c0_i32_1 = arith.constant 0 : i32
    return %c0_i32, %c0_i32_0 : i32, i32
  }
  func.func @transform_11(%arg0: i32) -> (i32, i32) {
    %c0_i32 = arith.constant 0 : i32
    %c0_i32_0 = arith.constant 0 : i32
    return %arg0, %c0_i32 : i32, i32
  }
  func.func @transform_12(%arg0: i32) -> (i32, i32) {
    %c0_i32 = arith.constant 0 : i32
    %c0_i32_0 = arith.constant 0 : i32
    %c0_i32_1 = arith.constant 0 : i32
    return %c0_i32, %c0_i32_0 : i32, i32
  }
}

module attributes {stable_mosaic.version = 14 : i64} {
  func.func @_expert_body(%arg0: i32, %arg1: memref<512x1024xf32, #tpu.memory_space<vmem>>, %arg2: memref<512x256xf32, #tpu.memory_space<vmem>>, %arg3: memref<512x256xf32, #tpu.memory_space<vmem>>, %arg4: memref<1x1024x512xf32, #tpu.memory_space<vmem>>, %arg5: memref<1x1x512xf32, #tpu.memory_space<vmem>>, %arg6: memref<1x512x256xf32, #tpu.memory_space<vmem>>, %arg7: memref<1x512x256xf32, #tpu.memory_space<vmem>>, %arg8: memref<1024x64xf32, #tpu.memory_space<vmem>>, %arg9: memref<1x64xf32, #tpu.memory_space<vmem>>, %arg10: memref<64x2xf32, #tpu.memory_space<vmem>>, %arg11: memref<1x2xf32, #tpu.memory_space<vmem>>, %arg12: memref<512x512xf32, #tpu.memory_space<vmem>>, %arg13: memref<1x16xf32, #tpu.memory_space<vmem>>, %arg14: memref<1xf32, #tpu.memory_space<smem>>) attributes {dimension_semantics = [#tpu.dimension_semantics<arbitrary>], iteration_bounds = array<i64: 4>, scalar_prefetch = 0 : i64, scratch_operands = 1 : i64, tpu.core_type = #tpu.core_type<tc>, window_params = [{transform_indices = @transform_0, window_bounds = array<i64: 512, 1024>}, {transform_indices = @transform_1, window_bounds = array<i64: 512, 256>}, {transform_indices = @transform_2, window_bounds = array<i64: 512, 256>}, {transform_indices = @transform_3, window_bounds = array<i64: 1, 1024, 512>}, {transform_indices = @transform_4, window_bounds = array<i64: 1, 1, 512>}, {transform_indices = @transform_5, window_bounds = array<i64: 1, 512, 256>}, {transform_indices = @transform_6, window_bounds = array<i64: 1, 512, 256>}, {pipeline_mode = #tpu.pipeline_mode<synchronous>, transform_indices = @transform_7, window_bounds = array<i64: 1024, 64>}, {pipeline_mode = #tpu.pipeline_mode<synchronous>, transform_indices = @transform_8, window_bounds = array<i64: 1, 64>}, {pipeline_mode = #tpu.pipeline_mode<synchronous>, transform_indices = @transform_9, window_bounds = array<i64: 64, 2>}, {pipeline_mode = #tpu.pipeline_mode<synchronous>, transform_indices = @transform_10, window_bounds = array<i64: 1, 2>}, {transform_indices = @transform_11, window_bounds = array<i64: 512, 512>}, {pipeline_mode = #tpu.pipeline_mode<synchronous>, transform_indices = @transform_12, window_bounds = array<i64: 1, 16>}]} {
    %get3A = arith.constant 0 : index
    %get3A_0 = arith.constant 0 : index
    %get3A_1 = vector.load %arg1[%get3A, %get3A_0] : memref<512x1024xf32, #tpu.memory_space<vmem>>, vector<512x1024xf32>
    %convert_element_type3A = arith.truncf %get3A_1 : vector<512x1024xf32> to vector<512x1024xbf16>
    %get3A_2 = arith.constant 0 : index
    %get3A_3 = arith.constant 0 : index
    %get3A_4 = arith.constant 0 : index
    %get3A_5 = vector.load %arg4[%get3A_2, %get3A_3, %get3A_4] : memref<1x1024x512xf32, #tpu.memory_space<vmem>>, vector<1x1024x512xf32>
    %get3A_6 = vector.shape_cast %get3A_5 : vector<1x1024x512xf32> to vector<1024x512xf32>
    %convert_element_type3A_7 = arith.truncf %get3A_6 : vector<1024x512xf32> to vector<1024x512xbf16>
    %dot_general3A = arith.constant dense<0.000000e+00> : vector<512x512xf32>
    %dot_general3A_8 = tpu.matmul %convert_element_type3A, %convert_element_type3A_7, %dot_general3A {dimension_numbers = #tpu.dot_dimension_numbers<[1], [0], [0], [1], [0, 0, 1, 1], [], []>, transpose_lhs_hint = false} : vector<512x1024xbf16>, vector<1024x512xbf16>, vector<512x512xf32> -> vector<512x512xf32>
    %get3A_9 = arith.constant 0 : index
    %get3A_10 = arith.constant 0 : index
    %get3A_11 = arith.constant 0 : index
    %get3A_12 = vector.load %arg5[%get3A_9, %get3A_10, %get3A_11] : memref<1x1x512xf32, #tpu.memory_space<vmem>>, vector<1x1x512xf32>
    %get3A_13 = vector.shape_cast %get3A_12 : vector<1x1x512xf32> to vector<1x512xf32>
    %add3A = vector.broadcast %get3A_13 : vector<1x512xf32> to vector<512x512xf32>
    %add3A_14 = arith.addf %dot_general3A_8, %add3A : vector<512x512xf32>
    %reduce_max3A = arith.constant dense<0xFF800000> : vector<512xf32>
    %reduce_max3A_15 = vector.multi_reduction <maximumf>, %add3A_14, %reduce_max3A [1] : vector<512x512xf32> to vector<512xf32>
    %broadcast_in_dim3A = vector.shape_cast %reduce_max3A_15 : vector<512xf32> to vector<512x1xf32>
    %sub3A = vector.broadcast %broadcast_in_dim3A : vector<512x1xf32> to vector<512x512xf32>
    %sub3A_16 = arith.subf %add3A_14, %sub3A : vector<512x512xf32>
    %exp3A = math.exp %sub3A_16 : vector<512x512xf32>
    %reduce_sum3A = arith.constant dense<0.000000e+00> : vector<512xf32>
    %reduce_sum3A_17 = vector.multi_reduction <add>, %exp3A, %reduce_sum3A [1] : vector<512x512xf32> to vector<512xf32>
    %broadcast_in_dim3A_18 = vector.shape_cast %reduce_sum3A_17 : vector<512xf32> to vector<512x1xf32>
    %div3A = vector.broadcast %broadcast_in_dim3A_18 : vector<512x1xf32> to vector<512x512xf32>
    %div3A_19 = arith.divf %exp3A, %div3A : vector<512x512xf32>
    %log3A = math.log %broadcast_in_dim3A_18 : vector<512x1xf32>
    %sub3A_20 = vector.broadcast %log3A : vector<512x1xf32> to vector<512x512xf32>
    %sub3A_21 = arith.subf %sub3A_16, %sub3A_20 : vector<512x512xf32>
    %neg3A = arith.constant 0.000000e+00 : f32
    %neg3A_22 = vector.broadcast %neg3A : f32 to vector<512x512xf32>
    %neg3A_23 = arith.subf %neg3A_22, %sub3A_21 : vector<512x512xf32>
    %mul3A = arith.mulf %neg3A_23, %div3A_19 : vector<512x512xf32>
    %reduce_sum3A_24 = vector.shape_cast %mul3A : vector<512x512xf32> to vector<1x512x512xf32>
    %reduce_sum3A_25 = arith.constant dense<0.000000e+00> : vector<1xf32>
    %reduce_sum3A_26 = vector.multi_reduction <add>, %reduce_sum3A_24, %reduce_sum3A_25 [1, 2] : vector<1x512x512xf32> to vector<1xf32>
    %reduce_sum3A_27 = vector.shape_cast %reduce_sum3A_26 : vector<1xf32> to vector<1x1x1xf32>
    %reduce_sum3A_28 = vector.extract %reduce_sum3A_27[0, 0, 0] : f32 from vector<1x1x1xf32>
    %mul3A_29 = arith.constant 3.81469727E-6 : f32
    %mul3A_30 = arith.mulf %reduce_sum3A_28, %mul3A_29 : f32
    %eq3A = arith.constant 0 : i32
    %eq3A_31 = arith.cmpi eq, %arg0, %eq3A : i32
    %convert_element_type3A_32 = arith.extui %eq3A_31 : i1 to i32
    %cond3A = arith.constant 0 : i32
    %cond3A_33 = arith.cmpi ne, %convert_element_type3A_32, %cond3A : i32
    scf.if %cond3A_33 {
      %swap3A_119 = arith.constant 0.000000e+00 : f32
      %swap3A_120 = arith.constant 0 : index
      %swap3A_121 = memref.load %arg14[%swap3A_120] : memref<1xf32, #tpu.memory_space<smem>>
      memref.store %swap3A_119, %arg14[%swap3A_120] : memref<1xf32, #tpu.memory_space<smem>>
    } else {
    }
    %get3A_34 = arith.constant 0 : index
    %get3A_35 = memref.load %arg14[%get3A_34] : memref<1xf32, #tpu.memory_space<smem>>
    %add3A_36 = arith.addf %get3A_35, %mul3A_30 : f32
    %swap3A = arith.constant 0 : index
    %swap3A_37 = memref.load %arg14[%swap3A] : memref<1xf32, #tpu.memory_space<smem>>
    memref.store %add3A_36, %arg14[%swap3A] : memref<1xf32, #tpu.memory_space<smem>>
    %convert_element_type3A_38 = arith.truncf %div3A_19 : vector<512x512xf32> to vector<512x512xbf16>
    %get3A_39 = arith.constant 0 : index
    %get3A_40 = arith.constant 0 : index
    %get3A_41 = arith.constant 0 : index
    %get3A_42 = vector.load %arg6[%get3A_39, %get3A_40, %get3A_41] : memref<1x512x256xf32, #tpu.memory_space<vmem>>, vector<1x512x256xf32>
    %get3A_43 = vector.shape_cast %get3A_42 : vector<1x512x256xf32> to vector<512x256xf32>
    %convert_element_type3A_44 = arith.truncf %get3A_43 : vector<512x256xf32> to vector<512x256xbf16>
    %dot_general3A_45 = arith.constant dense<0.000000e+00> : vector<512x256xf32>
    %dot_general3A_46 = tpu.matmul %convert_element_type3A_38, %convert_element_type3A_44, %dot_general3A_45 {dimension_numbers = #tpu.dot_dimension_numbers<[1], [0], [0], [1], [0, 0, 1, 1], [], []>, transpose_lhs_hint = false} : vector<512x512xbf16>, vector<512x256xbf16>, vector<512x256xf32> -> vector<512x256xf32>
    %get3A_47 = arith.constant 0 : index
    %get3A_48 = arith.constant 0 : index
    %get3A_49 = arith.constant 0 : index
    %get3A_50 = vector.load %arg7[%get3A_47, %get3A_48, %get3A_49] : memref<1x512x256xf32, #tpu.memory_space<vmem>>, vector<1x512x256xf32>
    %get3A_51 = vector.shape_cast %get3A_50 : vector<1x512x256xf32> to vector<512x256xf32>
    %convert_element_type3A_52 = arith.truncf %get3A_51 : vector<512x256xf32> to vector<512x256xbf16>
    %dot_general3A_53 = arith.constant dense<0.000000e+00> : vector<512x256xf32>
    %dot_general3A_54 = tpu.matmul %convert_element_type3A_38, %convert_element_type3A_52, %dot_general3A_53 {dimension_numbers = #tpu.dot_dimension_numbers<[1], [0], [0], [1], [0, 0, 1, 1], [], []>, transpose_lhs_hint = false} : vector<512x512xbf16>, vector<512x256xbf16>, vector<512x256xf32> -> vector<512x256xf32>
    %get3A_55 = arith.constant 0 : index
    %get3A_56 = arith.constant 0 : index
    %get3A_57 = vector.load %arg8[%get3A_55, %get3A_56] : memref<1024x64xf32, #tpu.memory_space<vmem>>, vector<1024x64xf32>
    %convert_element_type3A_58 = arith.truncf %get3A_57 : vector<1024x64xf32> to vector<1024x64xbf16>
    %dot_general3A_59 = arith.constant dense<0.000000e+00> : vector<512x64xf32>
    %dot_general3A_60 = tpu.matmul %convert_element_type3A, %convert_element_type3A_58, %dot_general3A_59 {dimension_numbers = #tpu.dot_dimension_numbers<[1], [0], [0], [1], [0, 0, 1, 1], [], []>, transpose_lhs_hint = false} : vector<512x1024xbf16>, vector<1024x64xbf16>, vector<512x64xf32> -> vector<512x64xf32>
    %get3A_61 = arith.constant 0 : index
    %get3A_62 = arith.constant 0 : index
    %get3A_63 = vector.load %arg9[%get3A_61, %get3A_62] : memref<1x64xf32, #tpu.memory_space<vmem>>, vector<1x64xf32>
    %add3A_64 = vector.broadcast %get3A_63 : vector<1x64xf32> to vector<512x64xf32>
    %add3A_65 = arith.addf %dot_general3A_60, %add3A_64 : vector<512x64xf32>
    %max3A = arith.constant 0.000000e+00 : f32
    %max3A_66 = vector.broadcast %max3A : f32 to vector<512x64xf32>
    %max3A_67 = arith.maximumf %add3A_65, %max3A_66 : vector<512x64xf32>
    %convert_element_type3A_68 = arith.truncf %max3A_67 : vector<512x64xf32> to vector<512x64xbf16>
    %get3A_69 = arith.constant 0 : index
    %get3A_70 = arith.constant 0 : index
    %get3A_71 = vector.load %arg10[%get3A_69, %get3A_70] : memref<64x2xf32, #tpu.memory_space<vmem>>, vector<64x2xf32>
    %convert_element_type3A_72 = arith.truncf %get3A_71 : vector<64x2xf32> to vector<64x2xbf16>
    %dot_general3A_73 = arith.constant dense<0.000000e+00> : vector<512x2xf32>
    %dot_general3A_74 = tpu.matmul %convert_element_type3A_68, %convert_element_type3A_72, %dot_general3A_73 {dimension_numbers = #tpu.dot_dimension_numbers<[1], [0], [0], [1], [0, 0, 1, 1], [], []>, transpose_lhs_hint = false} : vector<512x64xbf16>, vector<64x2xbf16>, vector<512x2xf32> -> vector<512x2xf32>
    %get3A_75 = arith.constant 0 : index
    %get3A_76 = arith.constant 0 : index
    %get3A_77 = vector.load %arg11[%get3A_75, %get3A_76] : memref<1x2xf32, #tpu.memory_space<vmem>>, vector<1x2xf32>
    %add3A_78 = vector.broadcast %get3A_77 : vector<1x2xf32> to vector<512x2xf32>
    %add3A_79 = arith.addf %dot_general3A_74, %add3A_78 : vector<512x2xf32>
    %reduce_max3A_80 = arith.constant dense<0xFF800000> : vector<512xf32>
    %reduce_max3A_81 = vector.multi_reduction <maximumf>, %add3A_79, %reduce_max3A_80 [1] : vector<512x2xf32> to vector<512xf32>
    %broadcast_in_dim3A_82 = vector.shape_cast %reduce_max3A_81 : vector<512xf32> to vector<512x1xf32>
    %sub3A_83 = vector.broadcast %broadcast_in_dim3A_82 : vector<512x1xf32> to vector<512x2xf32>
    %sub3A_84 = arith.subf %add3A_79, %sub3A_83 : vector<512x2xf32>
    %exp3A_85 = math.exp %sub3A_84 : vector<512x2xf32>
    %reduce_sum3A_86 = arith.constant dense<0.000000e+00> : vector<512xf32>
    %reduce_sum3A_87 = vector.multi_reduction <add>, %exp3A_85, %reduce_sum3A_86 [1] : vector<512x2xf32> to vector<512xf32>
    %broadcast_in_dim3A_88 = vector.shape_cast %reduce_sum3A_87 : vector<512xf32> to vector<512x1xf32>
    %div3A_89 = vector.broadcast %broadcast_in_dim3A_88 : vector<512x1xf32> to vector<512x2xf32>
    %div3A_90 = arith.divf %exp3A_85, %div3A_89 : vector<512x2xf32>
    %slice3A = vector.extract_strided_slice %div3A_90 {offsets = [0, 0], sizes = [512, 1], strides = [1, 1]} : vector<512x2xf32> to vector<512x1xf32>
    %slice3A_91 = vector.extract_strided_slice %div3A_90 {offsets = [0, 1], sizes = [512, 1], strides = [1, 1]} : vector<512x2xf32> to vector<512x1xf32>
    %get3A_92 = arith.constant 0 : index
    %get3A_93 = arith.constant 0 : index
    %get3A_94 = vector.load %arg2[%get3A_92, %get3A_93] : memref<512x256xf32, #tpu.memory_space<vmem>>, vector<512x256xf32>
    %mul3A_95 = vector.broadcast %slice3A : vector<512x1xf32> to vector<512x256xf32>
    %mul3A_96 = arith.mulf %get3A_94, %mul3A_95 : vector<512x256xf32>
    %mul3A_97 = vector.broadcast %slice3A_91 : vector<512x1xf32> to vector<512x256xf32>
    %mul3A_98 = arith.mulf %dot_general3A_46, %mul3A_97 : vector<512x256xf32>
    %add3A_99 = arith.addf %mul3A_96, %mul3A_98 : vector<512x256xf32>
    %swap3A_100 = arith.constant 0 : index
    %swap3A_101 = arith.constant 0 : index
    %swap3A_102 = vector.load %arg12[%swap3A_100, %swap3A_101] : memref<512x512xf32, #tpu.memory_space<vmem>>, vector<512x256xf32>
    tpu.vector_store %arg12[%swap3A_100, %swap3A_101], %add3A_99 {strides = array<i32>} : memref<512x512xf32, #tpu.memory_space<vmem>>, vector<512x256xf32>,
    %get3A_103 = arith.constant 0 : index
    %get3A_104 = arith.constant 0 : index
    %get3A_105 = vector.load %arg3[%get3A_103, %get3A_104] : memref<512x256xf32, #tpu.memory_space<vmem>>, vector<512x256xf32>
    %mul3A_106 = vector.broadcast %slice3A : vector<512x1xf32> to vector<512x256xf32>
    %mul3A_107 = arith.mulf %get3A_105, %mul3A_106 : vector<512x256xf32>
    %mul3A_108 = vector.broadcast %slice3A_91 : vector<512x1xf32> to vector<512x256xf32>
    %mul3A_109 = arith.mulf %dot_general3A_54, %mul3A_108 : vector<512x256xf32>
    %add3A_110 = arith.addf %mul3A_107, %mul3A_109 : vector<512x256xf32>
    %swap3A_111 = arith.constant 0 : index
    %swap3A_112 = arith.constant 256 : index
    %swap3A_113 = vector.load %arg12[%swap3A_111, %swap3A_112] : memref<512x512xf32, #tpu.memory_space<vmem>>, vector<512x256xf32>
    tpu.vector_store %arg12[%swap3A_111, %swap3A_112], %add3A_110 {strides = array<i32>} : memref<512x512xf32, #tpu.memory_space<vmem>>, vector<512x256xf32>,
    %eq3A_114 = arith.constant 3 : i32
    %eq3A_115 = arith.cmpi eq, %arg0, %eq3A_114 : i32
    %convert_element_type3A_116 = arith.extui %eq3A_115 : i1 to i32
    %cond3A_117 = arith.constant 0 : i32
    %cond3A_118 = arith.cmpi ne, %convert_element_type3A_116, %cond3A_117 : i32
    scf.if %cond3A_118 {
      %get3A_119 = arith.constant 0 : index
      %get3A_120 = memref.load %arg14[%get3A_119] : memref<1xf32, #tpu.memory_space<smem>>
      %broadcast_in_dim3A_121 = vector.broadcast %get3A_120 : f32 to vector<1x16xf32>
      %swap3A_122 = arith.constant 0 : index
      %swap3A_123 = arith.constant 0 : index
      %swap3A_124 = vector.load %arg13[%swap3A_122, %swap3A_123] : memref<1x16xf32, #tpu.memory_space<vmem>>, vector<1x16xf32>
      tpu.vector_store %arg13[%swap3A_122, %swap3A_123], %broadcast_in_dim3A_121 {strides = array<i32>} : memref<1x16xf32, #tpu.memory_space<vmem>>, vector<1x16xf32>,
    } else {
    }
    return
  }
  func.func @transform_0(%arg0: i32) -> (i32, i32) {
    %c0_i32 = arith.constant 0 : i32
    %c0_i32_0 = arith.constant 0 : i32
    return %arg0, %c0_i32 : i32, i32
  }
  func.func @transform_1(%arg0: i32) -> (i32, i32) {
    %c0_i32 = arith.constant 0 : i32
    %c0_i32_0 = arith.constant 0 : i32
    return %arg0, %c0_i32 : i32, i32
  }
  func.func @transform_2(%arg0: i32) -> (i32, i32) {
    %c0_i32 = arith.constant 0 : i32
    %c0_i32_0 = arith.constant 0 : i32
    return %arg0, %c0_i32 : i32, i32
  }
  func.func @transform_3(%arg0: i32) -> (i32, i32, i32) {
    %add3A = arith.constant 4 : i32
    %add3A_0 = arith.addi %add3A, %arg0 : i32
    %c0_i32 = arith.constant 0 : i32
    %c0_i32_1 = arith.constant 0 : i32
    %c0_i32_2 = arith.constant 0 : i32
    return %add3A_0, %c0_i32, %c0_i32_1 : i32, i32, i32
  }
  func.func @transform_4(%arg0: i32) -> (i32, i32, i32) {
    %add3A = arith.constant 4 : i32
    %add3A_0 = arith.addi %add3A, %arg0 : i32
    %c0_i32 = arith.constant 0 : i32
    %c0_i32_1 = arith.constant 0 : i32
    %c0_i32_2 = arith.constant 0 : i32
    return %add3A_0, %c0_i32, %c0_i32_1 : i32, i32, i32
  }
  func.func @transform_5(%arg0: i32) -> (i32, i32, i32) {
    %add3A = arith.constant 4 : i32
    %add3A_0 = arith.addi %add3A, %arg0 : i32
    %c0_i32 = arith.constant 0 : i32
    %c0_i32_1 = arith.constant 0 : i32
    %c0_i32_2 = arith.constant 0 : i32
    return %add3A_0, %c0_i32, %c0_i32_1 : i32, i32, i32
  }
  func.func @transform_6(%arg0: i32) -> (i32, i32, i32) {
    %add3A = arith.constant 4 : i32
    %add3A_0 = arith.addi %add3A, %arg0 : i32
    %c0_i32 = arith.constant 0 : i32
    %c0_i32_1 = arith.constant 0 : i32
    %c0_i32_2 = arith.constant 0 : i32
    return %add3A_0, %c0_i32, %c0_i32_1 : i32, i32, i32
  }
  func.func @transform_7(%arg0: i32) -> (i32, i32) {
    %c0_i32 = arith.constant 0 : i32
    %c0_i32_0 = arith.constant 0 : i32
    %c0_i32_1 = arith.constant 0 : i32
    return %c0_i32, %c0_i32_0 : i32, i32
  }
  func.func @transform_8(%arg0: i32) -> (i32, i32) {
    %c0_i32 = arith.constant 0 : i32
    %c0_i32_0 = arith.constant 0 : i32
    %c0_i32_1 = arith.constant 0 : i32
    return %c0_i32, %c0_i32_0 : i32, i32
  }
  func.func @transform_9(%arg0: i32) -> (i32, i32) {
    %c0_i32 = arith.constant 0 : i32
    %c0_i32_0 = arith.constant 0 : i32
    %c0_i32_1 = arith.constant 0 : i32
    return %c0_i32, %c0_i32_0 : i32, i32
  }
  func.func @transform_10(%arg0: i32) -> (i32, i32) {
    %c0_i32 = arith.constant 0 : i32
    %c0_i32_0 = arith.constant 0 : i32
    %c0_i32_1 = arith.constant 0 : i32
    return %c0_i32, %c0_i32_0 : i32, i32
  }
  func.func @transform_11(%arg0: i32) -> (i32, i32) {
    %c0_i32 = arith.constant 0 : i32
    %c0_i32_0 = arith.constant 0 : i32
    return %arg0, %c0_i32 : i32, i32
  }
  func.func @transform_12(%arg0: i32) -> (i32, i32) {
    %c0_i32 = arith.constant 0 : i32
    %c0_i32_0 = arith.constant 0 : i32
    %c0_i32_1 = arith.constant 0 : i32
    return %c0_i32, %c0_i32_0 : i32, i32
  }
}

</mosaic_0001>

<sc_bundles>
// kernel: kernel.10.cloned.1.call-start
scs
__scs_entry_jumppad:
0x0: {  	(pc) =	sbr.rel $0x88, $3  }
0x1: {  	(tag) =	ssettag $0x0;
	lr =	simm.s32 $0x1  }
0x2: {  	[smem:$0x3F95] =	sst lr;
	_ =	strace $0xD0000000  }
0x3: {  	_ = 	snop  }
0x4: {  	_ = 	snop  }
0x5: {  	_ = 	snop  }
0x6: {  	_ = 	snop  }
0x7: {  	_ = 	snop  }
__scs_overlays_trampoline_lowered:
0x8: {  	[smem:$0x3FA4] =	sst s0  }
0x9: {  	[smem:$0x3FA5] =	sst s1  }
0xa: {  	[smem:$0x3FA6] =	sst s2  }
0xb: {  	[smem:$0x3FA7] =	sst s3  }
0xc: {  	[smem:$0x3FA8] =	sst s4  }
0xd: {  	[smem:$0x3FA9] =	sst s5  }
0xe: {  	[smem:$0x3FAA] =	sst s6  }
0xf: {  	[smem:$0x3FAB] =	sst s7  }
0x10: {  	[smem:$0x3FAC] =	sst s8  }
0x11: {  	[smem:$0x3FAD] =	sst s9;
	s0 =	simm.s32 @!p0 $0x0  }
0x12: {  	s1 =	sld [smem:$0x3F93];
	s0 =	simm.s32 @p0 $0x1  }
0x13: {  	[smem:$0x3FAE] =	sst s0;
	s0 =	simm.s32 @!p1 $0x0  }
0x14: {  	s2 =	sld [smem:$0x3F92];
	s0 =	simm.s32 @p1 $0x1  }
0x15: {  	[smem:$0x3FAF] =	sst s0;
	s0 =	simm.s32 @!p2 $0x0  }
0x16: {  	s3 =	sld [smem:$0x3FDB];
	s0 =	simm.s32 @p2 $0x1  }
0x17: {  	s4 =	simm.s32 $0x1BF5;
	[smem:$0x3FB1] =	sst s0  }
0x18: {  	s0 =	sld [smem:$0x3F94];
	_ =	swait.ge [sflag:s4], $0x0  }
0x19: {  	s7 =	sld [smem:$0x3F95]  }
0x1a: {  	s8 =	sadd.s32 $0xFFFFE003, lr  }
0x1b: {  	s9 =	sadd.s32 $0xFFFFFEF7, lr;
	s5 =	simm.s32 $0xFFFFFFFF;
	p2 =	slt.u32 s8, $0xFFFFF086  }
0x1c: {  	p1 =	slt.u32 s9, $0xF7A;
	s5 =	simm.s32 @!p2 $0x0  }
0x1d: {  	s5 =	simm.s32 @p1 $0x1;
	p0 =	seq.s32 s7, s2  }
0x1e: {  	s7 =	smul.u32 @!p0 $0xF7A, s2;
	p2 =	seq.s32 @!p0 s5, $0x0  }
0x1f: {  	s9 =	smul.u32 $0xF7A, s1;
	s8 =	simm.s32 @!p0 $0x1BF5;
	p2 =	por !p2, p0  }
0x20: {  	[sflag:s8] =	ssyncset.s32 @!p0 $0xFFFFF086;
	s6 =	sadd.s32 @!p0 s3, s7;
	s7 =	simm.s32 @!p0 $0x108  }
0x21: {  	s3 =	sadd.s32 s3, s9;
	s6 =	sadd.s32 @!p0 $0x88, s6;
	s7 =	simm.s32 @p2 $0x1082  }
0x22: {  	[simem:s7], [sflag:s8] =	dma.local @!p0 [hbm:s6], $0xF7A  }
0x23: {  	s9 =	sor.u32 $0xD0000000, s2;
	s6 =	simm.s32 $0x108;
	_ =	swait.ge @!p0 [sflag:s8], $0x0  }
0x24: {  	s3 =	sadd.s32 $0x88, s3;
	s6 =	simm.s32 @!p1 $0x1082;
	[sflag:s4] =	ssyncset.s32 $0xFFFFF086  }
0x25: {  	[simem:s6], [sflag:s4] =	dma.local [hbm:s3], $0xF7A  }
0x26: {  	[smem:$0x3F95] =	sst s1;
	(tag) =	ssettag s2;
	_ =	strace s9  }
0x27: {  	s1 =	sld [smem:$0x3FA5]  }
0x28: {  	s2 =	sld [smem:$0x3FA6]  }
0x29: {  	s4 =	sld [smem:$0x3FA8]  }
0x2a: {  	p0 =	seq.s32 s5, $0x0;
	s5 =	sld [smem:$0x3FA9]  }
0x2b: {  	s6 =	sld [smem:$0x3FAA]  }
0x2c: {  	s7 =	sld [smem:$0x3FAB]  }
0x2d: {  	s3 =	simm.s32 $0x108;
	s8 =	sld [smem:$0x3FAC]  }
0x2e: {  	s3 =	simm.s32 @!p0 $0x1082;
	s9 =	sld [smem:$0x3FAD]  }
0x2f: {  	lr =	sadd.s32 s0, s3;
	s0 =	sld [smem:$0x3FA4]  }
0x30: {  	s3 =	sld [smem:$0x3FA7]  }
0x31: {  	[smem:$0x3FB0] =	sst s10  }
0x32: {  	s10 =	sld [smem:$0x3FAE];
	_ =	sdelay $0x3  }
0x33: {  	p0 =	seq.s32 s10, $0x1;
	s10 =	sld [smem:$0x3FB0];
	_ =	sdelay $0x3  }
0x34: {  	[smem:$0x3FB0] =	sst s10  }
0x35: {  	s10 =	sld [smem:$0x3FAF];
	_ =	sdelay $0x3  }
0x36: {  	p1 =	seq.s32 s10, $0x1;
	s10 =	sld [smem:$0x3FB0];
	_ =	sdelay $0x3  }
0x37: {  	[smem:$0x3FB0] =	sst s10  }
0x38: {  	s10 =	sld [smem:$0x3FB1]  }
0x39: {  	_ = 	snop;
	(pc) =	sbr.ind lr, $3  }
0x3a: {  	_ = 	snop  }
0x3b: {  	_ = 	snop  }
0x3c: {  	p2 =	seq.s32 s10, $0x1;
	s10 =	sld [smem:$0x3FB0]  }
0x3d: {  	_ =	shalt  }
0x3e: {  	_ =	shalt  }
0x3f: {  	_ =	shalt  }
0x40: {  	_ =	shalt  }
0x41: {  	_ =	shalt  }
0x42: {  	_ =	shalt  }
0x43: {  	_ =	shalt  }
0x44: {  	_ =	shalt  }
0x45: {  	_ =	shalt  }
0x46: {  	_ =	shalt  }
0x47: {  	_ =	shalt  }
0x48: {  	_ =	shalt  }
0x49: {  	_ =	shalt  }
0x4a: {  	_ =	shalt  }
0x4b: {  	_ =	shalt  }
0x4c: {  	_ =	shalt  }
0x4d: {  	_ =	shalt  }
0x4e: {  	_ =	shalt  }
0x4f: {  	_ =	shalt  }
0x50: {  	_ =	shalt  }
0x51: {  	_ =	shalt  }
0x52: {  	_ =	shalt  }
0x53: {  	_ =	shalt  }
0x54: {  	_ =	shalt  }
0x55: {  	_ =	shalt  }
0x56: {  	_ =	shalt  }
0x57: {  	_ =	shalt  }
0x58: {  	_ =	shalt  }
0x59: {  	_ =	shalt  }
0x5a: {  	_ =	shalt  }
0x5b: {  	_ =	shalt  }
0x5c: {  	_ =	shalt  }
0x5d: {  	_ =	shalt  }
0x5e: {  	_ =	shalt  }
0x5f: {  	_ =	shalt  }
0x60: {  	_ =	shalt  }
0x61: {  	_ =	shalt  }
0x62: {  	_ =	shalt  }
0x63: {  	_ =	shalt  }
0x64: {  	_ =	shalt  }
0x65: {  	_ =	shalt  }
0x66: {  	_ =	shalt  }
0x67: {  	_ =	shalt  }
0x68: {  	_ =	shalt  }
0x69: {  	_ =	shalt  }
0x6a: {  	_ =	shalt  }
0x6b: {  	_ =	shalt  }
0x6c: {  	_ =	shalt  }
0x6d: {  	_ =	shalt  }
0x6e: {  	_ =	shalt  }
0x6f: {  	_ =	shalt  }
0x70: {  	_ =	shalt  }
0x71: {  	_ =	shalt  }
0x72: {  	_ =	shalt  }
0x73: {  	_ =	shalt  }
0x74: {  	_ =	shalt  }
0x75: {  	_ =	shalt  }
0x76: {  	_ =	shalt  }
0x77: {  	_ =	shalt  }
0x78: {  	_ =	shalt  }
0x79: {  	_ =	shalt  }
0x7a: {  	_ =	shalt  }
0x7b: {  	_ =	shalt  }
0x7c: {  	_ =	shalt  }
0x7d: {  	_ =	shalt  }
0x7e: {  	_ =	shalt  }
0x7f: {  	_ =	shalt  }
0x80: {  	_ =	shalt  }
0x81: {  	_ =	shalt  }
0x82: {  	_ =	shalt  }
0x83: {  	_ =	shalt  }
0x84: {  	_ =	shalt  }
0x85: {  	_ =	shalt  }
0x86: {  	_ =	shalt  }
0x87: {  	_ =	shalt  }
.Lfunc_end0:
.L_simem_size_0:
called_computation.1_lowered:
.L_overlay_start_0:
0x88: {  	s2 =	sld [smem:$0x3FD9]  }
0x89: {  	s3 =	sld [smem:$0x3FFE];
	_ =	sdelay $0x1  }
0x8a: {  	s1 =	srdreg.scid  }
0x8b: {  	s0 =	sand.u32 $0x1, s1  }
0x8c: {  	s17 =	sshll.u32 s0, $0xA;
	s2 =	sadd.s32 s3, s2  }
0x8d: {  	s2 =	sadd.s32 s2, s17  }
0x8e: {  	[smem:$0x3FBC] =	sst s2  }
0x8f: {  	_ = 	snop  }
0x90: {  	s2 =	sld [smem:$0x3FC9]  }
0x91: {  	s18 =	sld [smem:$0x3FBF]  }
0x92: {  	s4 =	sld [smem:$0x3FBE];
	(tm) =	ssettm $0x1  }
0x93: {  	s5 =	sld [smem:$0x3FFB];
	_ =	sdelay $0x3  }
0x94: {  	_ =	strace s5  }
0x95: {  	s5 =	sld [smem:$0x3FFC];
	_ =	sdelay $0x3  }
0x96: {  	_ =	strace s5  }
0x97: {  	s5 =	sld [smem:$0x3FFD];
	_ =	sdelay $0x3  }
0x98: {  	_ =	strace s5  }
0x99: {  	_ =	strace $0x8FFFFFFF  }
0x9a: {  	s19 =	sld [smem:$0x3FDB];
	_ =	sdelay $0x1  }
0x9b: {  	s6 =	simm.s32 $_scs_section_size  }
0x9c: {  	s7 =	simm.s32 $_size__tile_overlayer_lowered;
	s8 =	simm.s32 $_tile_overlayer_lowered  }
0x9d: {  	s22 =	simm.s32 $0x1BFF;
	s21 =	sshll.u32 s8, $0x1;
	s5 =	sadd.s32 s6, s19  }
0x9e: {  	s9 =	simm.s32 $0x0;
	s20 =	sshll.u32 s7, $0x1;
	s7 =	sadd.s32 s21, s5  }
0x9f: {  	[timem:s9], [sflag:s22] =	dma.local [hbm:s7], s20  }
0xa0: {  	_ =	swait.ge [sflag:s22], s20  }
0xa1: {  	s6 =	ssub.s32 $0x0, s20;
	[sflag:s22] =	ssyncset.done $0x0  }
0xa2: {  	[sflag:s22] =	ssyncadd.s32 s6;
	_ =	sdelay $0x1  }
0xa3: {  	s23 =	simm.s32 $0x1B8B  }
0xa4: {  	_ =	swait.ge [sflag:s23], $0x1  }
0xa5: {  	[sflag:s23] =	ssyncset.done $0x0  }
0xa6: {  	s25 =	simm.s32 $0x1B8E;
	s24 =	sld [smem:$0x3FFE];
	[sflag:s23] =	ssyncadd.s32 $0xFFFFFFFF  }
0xa7: {  	s26 =	simm.s32 $execute0_lowered;
	[smem:$0x3FD2] =	sst s25  }
0xa8: {  	s7 =	sshll.u32 s26, $0x1;
	_ =	strace $0x80000046;
	[dreg:$0x1] =	wrdreg $0xFFFFFFFF  }
0xa9: {  	s28 =	simm.s32 $_size_execute0_lowered;
	s5 =	sadd.s32 s5, s7;
	[dreg:$0x0] =	wrdreg $0x0  }
0xaa: {  	s7 =	sshll.u32 s28, $0x1;
	[dreg:$0x2] =	wrdreg s5  }
0xab: {  	[dreg:$0x3] =	wrdreg s7  }
0xac: {  	[dreg:$0x4] =	wrdreg $0xC0  }
0xad: {  	_ =	task [dreg:s9], $0x5FFFF  }
0xae: {  	[dreg:$0x1] =	wrdreg $0xFFFFFFFF  }
0xaf: {  	[dreg:$0x0] =	wrdreg $0x60  }
0xb0: {  	[dreg:$0x2] =	wrdreg s2  }
0xb1: {  	[dreg:$0x3] =	wrdreg s18  }
0xb2: {  	[dreg:$0x4] =	wrdreg s4  }
0xb3: {  	[dreg:$0x5] =	wrdreg s24  }
0xb4: {  	[dreg:$0x6] =	wrdreg $0xA  }
0xb5: {  	_ =	task.clear_ibuf [dreg:s9], $0x7FFFF;
	_ =	strace $0x90000046  }
0xb6: {  	s29 =	simm.s32 $0xA;
	_ =	strace $0x80000048  }
0xb7: {  	_ =	swait.ge [sflag:s29], $0x1  }
0xb8: {  	[sflag:s29] =	ssyncadd.s32 $0xFFFFFFFF  }
0xb9: {  	_ =	strace $0x90000048  }
0xba: {  	_ =	sfence  }
0xbb: {  	s30 =	sld [smem:$0x0];
	_ =	sdelay $0x2  }
0xbc: {  	s31 =	sshll.u32 s1, $0xD;
	s1 =	sshrl.u32 s1, $0x2  }
0xbd: {  	s3 =	sand.u32 $0x4000, s31;
	s1 =	sadd.s32 s1, s30  }
0xbe: {  	s0 =	sor.u32 s3, s0;
	s1 =	sshll.u32 s1, $0x11  }
0xbf: {  	s0 =	sor.u32 s1, s0  }
0xc0: {  	s0 =	sadd.s32 $0x8F2B, s0  }
0xc1: {  	[sflag:s0] =	ssyncadd.remote.s32 $0x1  }
0xc2: {  	_ =	sfence.sel $0xFFFF  }
0xc3: {  	[dreg:$0x0] =	wrdreg $0xFFFFFFFF;
	(pc) =	sbr.abs _section_cstart, $3  }
0xc4: {  	[dreg:$0x1] =	wrdreg $0xFFFFFFFF  }
0xc5: {  	_ =	task.clear_ibuf [dreg:s9], $0x2FFFF;
	_ =	strace $0x9FFFFFFF  }
0xc6: {  	(tm) =	ssettm $0x7FFFFFFF  }
0xc7: {  	_ =	shalt  }
tec
execute0_lowered:
.L_overlay_start_1:
0x0: {  	(tag) =	ssettag $0x1  }
0x1: {  	s1 =	rddreg [dreg:$0x0]  }
0x2: {  	s2 =	rddreg [dreg:$0x1]  }
0x3: {  	s3 =	rddreg [dreg:$0x2]  }
0x4: {  	s6 =	rddreg [dreg:$0x3];
	s5 =	simm.s32 $0x0  }
0x5: {  	s12 =	simm.s32 $0x10880;
	[smem:$0x7FF] =	sst s5  }
0x6: {  	s13 =	simm.s32 $0x11080;
	_ =	strace $0x80000047;
	[dreg:$0xa] =	wrdreg s12  }
0x7: {  	s14 =	simm.s32 $0x11880;
	[dreg:$0xb] =	wrdreg s13  }
0x8: {  	s15 =	simm.s32 $0x12080;
	[dreg:$0xc] =	wrdreg s14  }
0x9: {  	s0 =	srdreg.scid;
	s16 =	simm.s32 $0x12880;
	[dreg:$0xd] =	wrdreg s15  }
0xa: {  	s4 =	stileid.u32;
	s17 =	simm.s32 $0x13080;
	[dreg:$0xe] =	wrdreg s16  }
0xb: {  	s18 =	simm.s32 $0x13880;
	s19 =	simm.s32 $0x14880;
	[dreg:$0xf] =	wrdreg s17  }
0xc: {  	s20 =	simm.s32 $0x15080;
	s21 =	simm.s32 $0x15880;
	[dreg:$0x10] =	wrdreg s18  }
0xd: {  	s22 =	simm.s32 $0x16080;
	s23 =	simm.s32 $0x16880;
	[dreg:$0x11] =	wrdreg s19  }
0xe: {  	s28 =	simm.s32 $0x4;
	s29 =	simm.s32 $0x5;
	[dreg:$0x12] =	wrdreg s20  }
0xf: {  	s30 =	simm.s32 $0x6;
	s31 =	simm.s32 $0x7;
	[dreg:$0x13] =	wrdreg s21  }
0x10: {  	s7 =	sshll.u32 s4, $0x6;
	s8 =	sshll.u32 s4, $0x2;
	[dreg:$0x14] =	wrdreg s22  }
0x11: {  	s7 =	sor.u32 s8, s7;
	[dreg:$0x15] =	wrdreg s23;
	s8 =	simm.s32 $0x2080  }
0x12: {  	s0 =	sand.u32 $0x1, s0;
	s12 =	simm.s32 $0x4080;
	[dreg:$0x1b] =	wrdreg s8  }
0x13: {  	s10 =	sshll.u32 s4, $0x1;
	s13 =	simm.s32 $0x4880;
	[dreg:$0x1f] =	wrdreg s12  }
0x14: {  	s9 =	sshll.u32 s0, $0x3;
	s14 =	simm.s32 $0x5080;
	[smem:$0x7F1] =	sst s13  }
0x15: {  	s25 =	sor.u32 s0, s10;
	s16 =	simm.s32 $0x5880;
	[smem:$0x7F2] =	sst s14  }
0x16: {  	s0 =	ssub.s32 $0x2, s0;
	s17 =	simm.s32 $0x6080;
	[smem:$0x7F3] =	sst s16  }
0x17: {  	s18 =	simm.s32 $0x6880;
	s19 =	simm.s32 $0x7080;
	[smem:$0x7F4] =	sst s17  }
0x18: {  	s20 =	simm.s32 $0x7880;
	s21 =	simm.s32 $0x8880;
	[smem:$0x7F5] =	sst s18  }
0x19: {  	s22 =	simm.s32 $0x9080;
	s23 =	simm.s32 $0x9880;
	[smem:$0x7F6] =	sst s19  }
0x1a: {  	s24 =	sadd.s32 s9, s6;
	s7 =	sand.u32 $0xF0, s7;
	[smem:$0x7F7] =	sst s20  }
0x1b: {  	s10 =	sshll.u32 s25, $0xD;
	s9 =	sshll.u32 s25, $0xB;
	[smem:$0x7F8] =	sst s21  }
0x1c: {  	s25 =	simm.s32 $0x17880;
	s15 =	sshrl.u32 s0, $0x1;
	[smem:$0x7F9] =	sst s22  }
0x1d: {  	s8 =	sadd.s32 $0x300, s1;
	s12 =	simm.s32 $0x14080;
	[smem:$0x7FA] =	sst s23  }
0x1e: {  	s13 =	simm.s32 $0x80;
	s14 =	simm.s32 $0x8080;
	s16 =	simm.s32 $0xC080  }
0x1f: {  	s17 =	simm.s32 $0xC880;
	s18 =	simm.s32 $0xD080;
	s7 =	sadd.s32 s7, s24  }
0x20: {  	s26 =	sadd.s32 s10, s6;
	s24 =	simm.s32 $0x17080;
	[dreg:$0x17] =	wrdreg s25  }
0x21: {  	s6 =	sadd.s32 s9, s6;
	s9 =	simm.s32 $0x2880;
	[dreg:$0x16] =	wrdreg s24  }
0x22: {  	s19 =	simm.s32 $0xD880;
	s25 =	simm.s32 $0xA880;
	[dreg:$0x1c] =	wrdreg s9  }
0x23: {  	s20 =	simm.s32 $0xE080;
	s7 =	sadd.s32 $0x3800, s7;
	[smem:$0x7FC] =	sst s25  }
0x24: {  	s21 =	simm.s32 $0xE880;
	s4 =	sadd.s32 $0x23C00, s26;
	[dreg:$0x5] =	wrdreg s7  }
0x25: {  	s22 =	simm.s32 $0xF080;
	s10 =	sadd.s32 $0x24C00, s26;
	[dreg:$0x6] =	wrdreg s4  }
0x26: {  	s23 =	simm.s32 $0xF880;
	s11 =	sadd.s32 $0x3C00, s6;
	[dreg:$0x7] =	wrdreg s10  }
0x27: {  	s0 =	ssub.s32 s0, s15;
	s6 =	sadd.s32 $0x13C00, s6;
	[dreg:$0x8] =	wrdreg s11  }
0x28: {  	s26 =	simm.s32 $0x880;
	s9 =	smax.u32 s0, $0x1;
	[dreg:$0x9] =	wrdreg s6  }
0x29: {  	s24 =	simm.s32 $0xA080;
	s25 =	simm.s32 $0x2;
	[dreg:$0x18] =	wrdreg s26  }
0x2a: {  	s0 =	simm.s32 $0x8;
	s4 =	simm.s32 $0x1080;
	[smem:$0x7FB] =	sst s24  }
0x2b: {  	s7 =	simm.s32 $0x1880;
	s10 =	simm.s32 $0x3080;
	[dreg:$0x19] =	wrdreg s4  }
0x2c: {  	s11 =	simm.s32 $0x3880;
	s6 =	sadd.s32 $0x100, s1;
	[dreg:$0x1a] =	wrdreg s7  }
0x2d: {  	v2 =	vlaneseq.u32;
	s26 =	simm.s32 $0xB080;
	s24 =	simm.s32 $0x1;
	[dreg:$0x1d] =	wrdreg s10  }
0x2e: {  	vm0 =	vmmov $0xffff;
	v1 =	vshrl.u32 v2, $0x3;
	[dreg:$0x1e] =	wrdreg s11;
	s7 =	sadd.s32 $0x200, s1;
	s10 =	simm.s32 $0x9  }
0x2f: {  	v0 =	vand.u32 $0x7, v2;
	v2 =	vor.u32 $0x8, v2;
	v1 =	vmul.u32 $0x8, v1;
	s11 =	simm.s32 $0x10080;
	[smem:$0x7FD] =	sst s26;
	s26 =	simm.s32 $0x3  }
.LBB2_1:
0x30: {  	s4 =	rddreg [dreg:$0x5]  }
0x31: {  	[tilespmem:s5], [sflag:$0x9] =	stream.linear.gather [hbm4b:s4+s5], $0x40, $0x38;
	[tilespmem:$0x18080] =	vst v63  }
0x32: {  	_ =	swait.ge [sflag:s10], $0x40  }
0x33: {  	[sflag:s10] =	ssyncset.done $0x0  }
0x34: {  	[sflag:s10] =	ssyncadd.s32 $0xFFFFFFC0  }
0x35: {  	v3 =	vld [tilespmem:$0x0];
	_ =	sdelay $0x4  }
0x36: {  	v4 =	vshll.u32 v3, $0x1  }
0x37: {  	v3 =	vand.u32 $0x7, v3;
	v4 =	vand.u32 $0xFFFFFFF0, v4  }
0x38: {  	v3 =	vor.u32 v3, v4  }
0x39: {  	v4 =	vperm.xlane v3, v0;
	_ =	sdelay $0x1  }
0x3a: {  	v3 =	vperm.xlane v3, v2;
	v4 =	vadd.s32 v1, v4;
	_ =	sdelay $0x1  }
0x3b: {  	v3 =	vadd.s32 v1, v3;
	_ =	sdelay $0x2  }
0x3c: {  	[tilespmem:s11], [sflag:$0x3] =	stream.indirect_vreg.gather [hbm4b:s2+s5], $0x80, v4, vm0, $0xb8;
	[tilespmem:$0x18080] =	vst v63  }
0x3d: {  	s15 =	rddreg [dreg:$0xa]  }
0x3e: {  	[tilespmem:s15], [sflag:$0x3] =	stream.indirect_vreg.gather [hbm4b:s2+s5], $0x80, v3, vm0, $0xb8;
	[tilespmem:$0x18080] =	vst v63  }
0x3f: {  	v3 =	vld [tilespmem:$0x10];
	_ =	sdelay $0x4  }
0x40: {  	v53 =	vshll.u32 v3, $0x1  }
0x41: {  	v3 =	vand.u32 $0x7, v3;
	v4 =	vand.u32 $0xFFFFFFF0, v53  }
0x42: {  	v3 =	vor.u32 v3, v4  }
0x43: {  	v4 =	vperm.xlane v3, v0;
	_ =	sdelay $0x1  }
0x44: {  	v3 =	vperm.xlane v3, v2;
	v4 =	vadd.s32 v1, v4;
	_ =	sdelay $0x1  }
0x45: {  	v3 =	vadd.s32 v1, v3;
	_ =	sdelay $0x1  }
0x46: {  	s4 =	rddreg [dreg:$0xb]  }
0x47: {  	[tilespmem:s4], [sflag:$0x3] =	stream.indirect_vreg.gather [hbm4b:s2+s5], $0x80, v4, vm0, $0xb8;
	[tilespmem:$0x18080] =	vst v63  }
0x48: {  	s15 =	rddreg [dreg:$0xc]  }
0x49: {  	[tilespmem:s15], [sflag:$0x3] =	stream.indirect_vreg.gather [hbm4b:s2+s5], $0x80, v3, vm0, $0xb8;
	[tilespmem:$0x18080] =	vst v63  }
0x4a: {  	v3 =	vld [tilespmem:$0x20];
	_ =	sdelay $0x4  }
0x4b: {  	v54 =	vshll.u32 v3, $0x1  }
0x4c: {  	v3 =	vand.u32 $0x7, v3;
	v4 =	vand.u32 $0xFFFFFFF0, v54  }
0x4d: {  	v3 =	vor.u32 v3, v4  }
0x4e: {  	v4 =	vperm.xlane v3, v0;
	_ =	sdelay $0x1  }
0x4f: {  	v3 =	vperm.xlane v3, v2;
	v4 =	vadd.s32 v1, v4;
	_ =	sdelay $0x1  }
0x50: {  	v3 =	vadd.s32 v1, v3;
	_ =	sdelay $0x1  }
0x51: {  	s4 =	rddreg [dreg:$0xd]  }
0x52: {  	[tilespmem:s4], [sflag:$0x3] =	stream.indirect_vreg.gather [hbm4b:s2+s5], $0x80, v4, vm0, $0xb8;
	[tilespmem:$0x18080] =	vst v63  }
0x53: {  	s15 =	rddreg [dreg:$0xe]  }
0x54: {  	[tilespmem:s15], [sflag:$0x3] =	stream.indirect_vreg.gather [hbm4b:s2+s5], $0x80, v3, vm0, $0xb8;
	[tilespmem:$0x18080] =	vst v63  }
0x55: {  	v3 =	vld [tilespmem:$0x30];
	_ =	sdelay $0x4  }
0x56: {  	v55 =	vshll.u32 v3, $0x1  }
0x57: {  	v3 =	vand.u32 $0x7, v3;
	v4 =	vand.u32 $0xFFFFFFF0, v55  }
0x58: {  	v3 =	vor.u32 v3, v4  }
0x59: {  	v4 =	vperm.xlane v3, v0;
	_ =	sdelay $0x1  }
0x5a: {  	v3 =	vperm.xlane v3, v2;
	v4 =	vadd.s32 v1, v4;
	_ =	sdelay $0x1  }
0x5b: {  	v3 =	vadd.s32 v1, v3;
	_ =	sdelay $0x1  }
0x5c: {  	s4 =	rddreg [dreg:$0xf]  }
0x5d: {  	[tilespmem:s4], [sflag:$0x3] =	stream.indirect_vreg.gather [hbm4b:s2+s5], $0x80, v4, vm0, $0xb8;
	[tilespmem:$0x18080] =	vst v63  }
0x5e: {  	s15 =	rddreg [dreg:$0x10]  }
0x5f: {  	[tilespmem:s15], [sflag:$0x3] =	stream.indirect_vreg.gather [hbm4b:s2+s5], $0x80, v3, vm0, $0xb8;
	[tilespmem:$0x18080] =	vst v63  }
0x60: {  	v3 =	vld [tilespmem:$0x0];
	_ =	sdelay $0x4  }
0x61: {  	v56 =	vshll.u32 v3, $0x1  }
0x62: {  	v3 =	vand.u32 $0x7, v3;
	v4 =	vand.u32 $0xFFFFFFF0, v56  }
0x63: {  	v3 =	vor.u32 v3, v4  }
0x64: {  	v4 =	vperm.xlane v3, v0;
	_ =	sdelay $0x1  }
0x65: {  	v3 =	vperm.xlane v3, v2;
	v4 =	vadd.s32 v1, v4;
	_ =	sdelay $0x1  }
0x66: {  	v3 =	vadd.s32 v1, v3;
	_ =	sdelay $0x2  }
0x67: {  	[tilespmem:s12], [sflag:$0x4] =	stream.indirect_vreg.gather [hbm4b:s3+s5], $0x80, v4, vm0, $0xb8;
	[tilespmem:$0x18080] =	vst v63  }
0x68: {  	s15 =	rddreg [dreg:$0x11]  }
0x69: {  	[tilespmem:s15], [sflag:$0x4] =	stream.indirect_vreg.gather [hbm4b:s3+s5], $0x80, v3, vm0, $0xb8;
	[tilespmem:$0x18080] =	vst v63  }
0x6a: {  	v3 =	vld [tilespmem:$0x10];
	_ =	sdelay $0x4  }
0x6b: {  	v57 =	vshll.u32 v3, $0x1  }
0x6c: {  	v3 =	vand.u32 $0x7, v3;
	v4 =	vand.u32 $0xFFFFFFF0, v57  }
0x6d: {  	v3 =	vor.u32 v3, v4  }
0x6e: {  	v4 =	vperm.xlane v3, v0;
	_ =	sdelay $0x1  }
0x6f: {  	v3 =	vperm.xlane v3, v2;
	v4 =	vadd.s32 v1, v4;
	_ =	sdelay $0x1  }
0x70: {  	v3 =	vadd.s32 v1, v3;
	_ =	sdelay $0x1  }
0x71: {  	s4 =	rddreg [dreg:$0x12]  }
0x72: {  	[tilespmem:s4], [sflag:$0x4] =	stream.indirect_vreg.gather [hbm4b:s3+s5], $0x80, v4, vm0, $0xb8;
	[tilespmem:$0x18080] =	vst v63  }
0x73: {  	s15 =	rddreg [dreg:$0x13]  }
0x74: {  	[tilespmem:s15], [sflag:$0x4] =	stream.indirect_vreg.gather [hbm4b:s3+s5], $0x80, v3, vm0, $0xb8;
	[tilespmem:$0x18080] =	vst v63  }
0x75: {  	v3 =	vld [tilespmem:$0x20];
	_ =	sdelay $0x4  }
0x76: {  	v58 =	vshll.u32 v3, $0x1  }
0x77: {  	v3 =	vand.u32 $0x7, v3;
	v4 =	vand.u32 $0xFFFFFFF0, v58  }
0x78: {  	v3 =	vor.u32 v3, v4  }
0x79: {  	v4 =	vperm.xlane v3, v0;
	_ =	sdelay $0x1  }
0x7a: {  	v3 =	vperm.xlane v3, v2;
	v4 =	vadd.s32 v1, v4;
	_ =	sdelay $0x1  }
0x7b: {  	v3 =	vadd.s32 v1, v3;
	_ =	sdelay $0x1  }
0x7c: {  	s4 =	rddreg [dreg:$0x14]  }
0x7d: {  	[tilespmem:s4], [sflag:$0x4] =	stream.indirect_vreg.gather [hbm4b:s3+s5], $0x80, v4, vm0, $0xb8;
	[tilespmem:$0x18080] =	vst v63  }
0x7e: {  	s15 =	rddreg [dreg:$0x15]  }
0x7f: {  	[tilespmem:s15], [sflag:$0x4] =	stream.indirect_vreg.gather [hbm4b:s3+s5], $0x80, v3, vm0, $0xb8;
	[tilespmem:$0x18080] =	vst v63  }
0x80: {  	v3 =	vld [tilespmem:$0x30];
	_ =	sdelay $0x4  }
0x81: {  	v59 =	vshll.u32 v3, $0x1  }
0x82: {  	v3 =	vand.u32 $0x7, v3;
	v4 =	vand.u32 $0xFFFFFFF0, v59  }
0x83: {  	v3 =	vor.u32 v3, v4  }
0x84: {  	v4 =	vperm.xlane v3, v0;
	_ =	sdelay $0x1  }
0x85: {  	v3 =	vperm.xlane v3, v2;
	v4 =	vadd.s32 v1, v4;
	_ =	sdelay $0x1  }
0x86: {  	v3 =	vadd.s32 v1, v3;
	_ =	sdelay $0x1  }
0x87: {  	s4 =	rddreg [dreg:$0x16]  }
0x88: {  	[tilespmem:s4], [sflag:$0x4] =	stream.indirect_vreg.gather [hbm4b:s3+s5], $0x80, v4, vm0, $0xb8;
	[tilespmem:$0x18080] =	vst v63  }
0x89: {  	s15 =	rddreg [dreg:$0x17]  }
0x8a: {  	[tilespmem:s15], [sflag:$0x4] =	stream.indirect_vreg.gather [hbm4b:s3+s5], $0x80, v3, vm0, $0xb8;
	[tilespmem:$0x18080] =	vst v63  }
0x8b: {  	v3 =	vld [tilespmem:$0x0];
	_ =	sdelay $0x4  }
0x8c: {  	v60 =	vshll.u32 v3, $0x3  }
0x8d: {  	v3 =	vand.u32 $0x7, v3;
	v4 =	vand.u32 $0xFFFFFFC0, v60  }
0x8e: {  	v3 =	vor.u32 v3, v4  }
0x8f: {  	v4 =	vperm.xlane v3, v0;
	_ =	sdelay $0x1  }
0x90: {  	v4 =	vadd.s32 v1, v4;
	_ =	sdelay $0x4  }
0x91: {  	[tilespmem:s13], [sflag:$0x1] =	stream.indirect_vreg.gather [hbm4b:s1+s5], $0x80, v4, vm0, $0xb8;
	[tilespmem:$0x18080] =	vst v63  }
0x92: {  	s4 =	rddreg [dreg:$0x18];
	v3 =	vperm.xlane v3, v2  }
0x93: {  	[tilespmem:s4], [sflag:$0x1] =	stream.indirect_vreg.gather [hbm4b:s6+s5], $0x80, v4, vm0, $0xb8;
	[tilespmem:$0x18080] =	vst v63  }
0x94: {  	s15 =	rddreg [dreg:$0x19];
	v3 =	vadd.s32 v1, v3  }
0x95: {  	[tilespmem:s15], [sflag:$0x1] =	stream.indirect_vreg.gather [hbm4b:s7+s5], $0x80, v4, vm0, $0xb8;
	[tilespmem:$0x18080] =	vst v63  }
0x96: {  	s4 =	rddreg [dreg:$0x1a]  }
0x97: {  	[tilespmem:s4], [sflag:$0x1] =	stream.indirect_vreg.gather [hbm4b:s8+s5], $0x80, v4, vm0, $0xb8;
	[tilespmem:$0x18080] =	vst v63  }
0x98: {  	s15 =	rddreg [dreg:$0x1b]  }
0x99: {  	[tilespmem:s15], [sflag:$0x1] =	stream.indirect_vreg.gather [hbm4b:s1+s5], $0x80, v3, vm0, $0xb8;
	[tilespmem:$0x18080] =	vst v63  }
0x9a: {  	s4 =	rddreg [dreg:$0x1c]  }
0x9b: {  	[tilespmem:s4], [sflag:$0x1] =	stream.indirect_vreg.gather [hbm4b:s6+s5], $0x80, v3, vm0, $0xb8;
	[tilespmem:$0x18080] =	vst v63  }
0x9c: {  	s15 =	rddreg [dreg:$0x1d]  }
0x9d: {  	[tilespmem:s15], [sflag:$0x1] =	stream.indirect_vreg.gather [hbm4b:s7+s5], $0x80, v3, vm0, $0xb8;
	[tilespmem:$0x18080] =	vst v63  }
0x9e: {  	s4 =	rddreg [dreg:$0x1e]  }
0x9f: {  	[tilespmem:s4], [sflag:$0x1] =	stream.indirect_vreg.gather [hbm4b:s8+s5], $0x80, v3, vm0, $0xb8;
	[tilespmem:$0x18080] =	vst v63  }
0xa0: {  	v3 =	vld [tilespmem:$0x10];
	_ =	sdelay $0x4  }
0xa1: {  	v61 =	vshll.u32 v3, $0x3  }
0xa2: {  	v3 =	vand.u32 $0x7, v3;
	v4 =	vand.u32 $0xFFFFFFC0, v61  }
0xa3: {  	v3 =	vor.u32 v3, v4  }
0xa4: {  	v4 =	vperm.xlane v3, v0;
	_ =	sdelay $0x1  }
0xa5: {  	v4 =	vadd.s32 v1, v4;
	_ =	sdelay $0x2  }
0xa6: {  	s15 =	sld [smem:$0x7F1]  }
0xa7: {  	s4 =	rddreg [dreg:$0x1f]  }
0xa8: {  	[tilespmem:s4], [sflag:$0x1] =	stream.indirect_vreg.gather [hbm4b:s1+s5], $0x80, v4, vm0, $0xb8;
	[tilespmem:$0x18080] =	vst v63  }
0xa9: {  	v3 =	vperm.xlane v3, v2;
	s4 =	sld [smem:$0x7F2]  }
0xaa: {  	[tilespmem:s15], [sflag:$0x1] =	stream.indirect_vreg.gather [hbm4b:s6+s5], $0x80, v4, vm0, $0xb8;
	[tilespmem:$0x18080] =	vst v63  }
0xab: {  	v3 =	vadd.s32 v1, v3;
	s15 =	sld [smem:$0x7F3]  }
0xac: {  	[tilespmem:s4], [sflag:$0x1] =	stream.indirect_vreg.gather [hbm4b:s7+s5], $0x80, v4, vm0, $0xb8;
	[tilespmem:$0x18080] =	vst v63  }
0xad: {  	s4 =	sld [smem:$0x7F4]  }
0xae: {  	[tilespmem:s15], [sflag:$0x1] =	stream.indirect_vreg.gather [hbm4b:s8+s5], $0x80, v4, vm0, $0xb8;
	[tilespmem:$0x18080] =	vst v63  }
0xaf: {  	s15 =	sld [smem:$0x7F5]  }
0xb0: {  	[tilespmem:s4], [sflag:$0x1] =	stream.indirect_vreg.gather [hbm4b:s1+s5], $0x80, v3, vm0, $0xb8;
	[tilespmem:$0x18080] =	vst v63  }
0xb1: {  	s4 =	sld [smem:$0x7F6]  }
0xb2: {  	[tilespmem:s15], [sflag:$0x1] =	stream.indirect_vreg.gather [hbm4b:s6+s5], $0x80, v3, vm0, $0xb8;
	[tilespmem:$0x18080] =	vst v63  }
0xb3: {  	s15 =	sld [smem:$0x7F7]  }
0xb4: {  	[tilespmem:s4], [sflag:$0x1] =	stream.indirect_vreg.gather [hbm4b:s7+s5], $0x80, v3, vm0, $0xb8;
	[tilespmem:$0x18080] =	vst v63  }
0xb5: {  	_ = 	snop  }
0xb6: {  	[tilespmem:s15], [sflag:$0x1] =	stream.indirect_vreg.gather [hbm4b:s8+s5], $0x80, v3, vm0, $0xb8;
	[tilespmem:$0x18080] =	vst v63  }
0xb7: {  	v3 =	vld [tilespmem:$0x20];
	_ =	sdelay $0x4  }
0xb8: {  	v62 =	vshll.u32 v3, $0x3  }
0xb9: {  	v3 =	vand.u32 $0x7, v3;
	v4 =	vand.u32 $0xFFFFFFC0, v62  }
0xba: {  	v3 =	vor.u32 v3, v4  }
0xbb: {  	v4 =	vperm.xlane v3, v0;
	_ =	sdelay $0x1  }
0xbc: {  	v4 =	vadd.s32 v1, v4;
	_ =	sdelay $0x3  }
0xbd: {  	s4 =	sld [smem:$0x7F8]  }
0xbe: {  	[tilespmem:s14], [sflag:$0x2] =	stream.indirect_vreg.gather [hbm4b:s1+s5], $0x80, v4, vm0, $0xb8;
	[tilespmem:$0x18080] =	vst v63  }
0xbf: {  	s15 =	sld [smem:$0x7F9];
	v3 =	vperm.xlane v3, v2  }
0xc0: {  	[tilespmem:s4], [sflag:$0x2] =	stream.indirect_vreg.gather [hbm4b:s6+s5], $0x80, v4, vm0, $0xb8;
	[tilespmem:$0x18080] =	vst v63  }
0xc1: {  	v3 =	vadd.s32 v1, v3;
	s4 =	sld [smem:$0x7FA]  }
0xc2: {  	[tilespmem:s15], [sflag:$0x2] =	stream.indirect_vreg.gather [hbm4b:s7+s5], $0x80, v4, vm0, $0xb8;
	[tilespmem:$0x18080] =	vst v63  }
0xc3: {  	s15 =	sld [smem:$0x7FB]  }
0xc4: {  	[tilespmem:s4], [sflag:$0x2] =	stream.indirect_vreg.gather [hbm4b:s8+s5], $0x80, v4, vm0, $0xb8;
	[tilespmem:$0x18080] =	vst v63  }
0xc5: {  	s4 =	sld [smem:$0x7FC]  }
0xc6: {  	[tilespmem:s15], [sflag:$0x2] =	stream.indirect_vreg.gather [hbm4b:s1+s5], $0x80, v3, vm0, $0xb8;
	[tilespmem:$0x18080] =	vst v63  }
0xc7: {  	s15 =	sld [smem:$0x7FD]  }
0xc8: {  	[tilespmem:s4], [sflag:$0x2] =	stream.indirect_vreg.gather [hbm4b:s6+s5], $0x80, v3, vm0, $0xb8;
	[tilespmem:$0x18080] =	vst v63  }
0xc9: {  	_ = 	snop  }
0xca: {  	[tilespmem:s15], [sflag:$0x2] =	stream.indirect_vreg.gather [hbm4b:s7+s5], $0x80, v3, vm0, $0xb8;
	[tilespmem:$0x18080] =	vst v63  }
0xcb: {  	s15 =	simm.s32 $0xB880  }
0xcc: {  	[tilespmem:s15], [sflag:$0x2] =	stream.indirect_vreg.gather [hbm4b:s8+s5], $0x80, v3, vm0, $0xb8;
	[tilespmem:$0x18080] =	vst v63  }
0xcd: {  	v3 =	vld [tilespmem:$0x30];
	_ =	sdelay $0x4  }
0xce: {  	v63 =	vshll.u32 v3, $0x3  }
0xcf: {  	v3 =	vand.u32 $0x7, v3;
	v4 =	vand.u32 $0xFFFFFFC0, v63  }
0xd0: {  	v3 =	vor.u32 v3, v4  }
0xd1: {  	v4 =	vperm.xlane v3, v0;
	_ =	sdelay $0x1  }
0xd2: {  	v4 =	vadd.s32 v1, v4;
	_ =	sdelay $0x4  }
0xd3: {  	[tilespmem:s16], [sflag:$0x2] =	stream.indirect_vreg.gather [hbm4b:s1+s5], $0x80, v4, vm0, $0xb8;
	[tilespmem:$0x18080] =	vst v63  }
0xd4: {  	v3 =	vperm.xlane v3, v2  }
0xd5: {  	[tilespmem:s17], [sflag:$0x2] =	stream.indirect_vreg.gather [hbm4b:s6+s5], $0x80, v4, vm0, $0xb8;
	[tilespmem:$0x18080] =	vst v63  }
0xd6: {  	v3 =	vadd.s32 v1, v3  }
0xd7: {  	[tilespmem:s18], [sflag:$0x2] =	stream.indirect_vreg.gather [hbm4b:s7+s5], $0x80, v4, vm0, $0xb8;
	[tilespmem:$0x18080] =	vst v63  }
0xd8: {  	_ = 	snop  }
0xd9: {  	[tilespmem:s19], [sflag:$0x2] =	stream.indirect_vreg.gather [hbm4b:s8+s5], $0x80, v4, vm0, $0xb8;
	[tilespmem:$0x18080] =	vst v63  }
0xda: {  	_ = 	snop  }
0xdb: {  	[tilespmem:s20], [sflag:$0x2] =	stream.indirect_vreg.gather [hbm4b:s1+s5], $0x80, v3, vm0, $0xb8;
	[tilespmem:$0x18080] =	vst v63  }
0xdc: {  	_ = 	snop  }
0xdd: {  	[tilespmem:s21], [sflag:$0x2] =	stream.indirect_vreg.gather [hbm4b:s6+s5], $0x80, v3, vm0, $0xb8;
	[tilespmem:$0x18080] =	vst v63  }
0xde: {  	_ = 	snop  }
0xdf: {  	[tilespmem:s22], [sflag:$0x2] =	stream.indirect_vreg.gather [hbm4b:s7+s5], $0x80, v3, vm0, $0xb8;
	[tilespmem:$0x18080] =	vst v63  }
0xe0: {  	_ = 	snop  }
0xe1: {  	[tilespmem:s23], [sflag:$0x2] =	stream.indirect_vreg.gather [hbm4b:s8+s5], $0x80, v3, vm0, $0xb8;
	[tilespmem:$0x18080] =	vst v63  }
0xe2: {  	_ =	swait.ge [sflag:s24], $0x8000  }
0xe3: {  	[sflag:s24] =	ssyncset.done $0x0  }
0xe4: {  	s15 =	rddreg [dreg:$0x6];
	[sflag:s24] =	ssyncadd.s32 $0xFFFF8000  }
0xe5: {  	[hbm4b:s15+s5] =	stream.linear.scatter [tilespmem:s13], [sflag:$0x5], $0x8000, $0x38;
	[tilespmem:$0x18080] =	vst v63  }
0xe6: {  	_ =	swait.ge [sflag:s25], $0x8000  }
0xe7: {  	[sflag:s25] =	ssyncset.done $0x0  }
0xe8: {  	s15 =	rddreg [dreg:$0x7];
	[sflag:s25] =	ssyncadd.s32 $0xFFFF8000  }
0xe9: {  	[hbm4b:s15+s5] =	stream.linear.scatter [tilespmem:s14], [sflag:$0x6], $0x8000, $0x38;
	[tilespmem:$0x18080] =	vst v63  }
0xea: {  	_ =	swait.ge [sflag:s26], $0x4000  }
0xeb: {  	[sflag:s26] =	ssyncset.done $0x0  }
0xec: {  	s15 =	rddreg [dreg:$0x8];
	[sflag:s26] =	ssyncadd.s32 $0xFFFFC000  }
0xed: {  	[hbm4b:s15+s5] =	stream.linear.scatter [tilespmem:s11], [sflag:$0x7], $0x4000, $0x38;
	[tilespmem:$0x18080] =	vst v63  }
0xee: {  	_ =	swait.ge [sflag:s28], $0x4000  }
0xef: {  	[sflag:s28] =	ssyncset.done $0x0  }
0xf0: {  	s15 =	rddreg [dreg:$0x9];
	[sflag:s28] =	ssyncadd.s32 $0xFFFFC000  }
0xf1: {  	[hbm4b:s15+s5] =	stream.linear.scatter [tilespmem:s12], [sflag:$0x8], $0x4000, $0x38;
	[tilespmem:$0x18080] =	vst v63  }
0xf2: {  	_ =	swait.ge [sflag:s29], $0x8000  }
0xf3: {  	[sflag:s29] =	ssyncset.done $0x0  }
0xf4: {  	[sflag:s29] =	ssyncadd.s32 $0xFFFF8000  }
0xf5: {  	_ =	swait.ge [sflag:s30], $0x8000  }
0xf6: {  	[sflag:s30] =	ssyncset.done $0x0  }
0xf7: {  	[sflag:s30] =	ssyncadd.s32 $0xFFFF8000  }
0xf8: {  	p0 =	sne.s32 s9, $0x1;
	_ =	swait.ge [sflag:s31], $0x4000  }
.Ltmp0:
0xf9: {  	[sflag:s31] =	ssyncset.done $0x0;
	(pc) =	sbr.rel @p0 .LBB2_1-.Ltmp0, $4  }
0xfa: {  	[sflag:s31] =	ssyncadd.s32 $0xFFFFC000  }
0xfb: {  	_ =	swait.ge [sflag:s0], $0x4000  }
0xfc: {  	[sflag:s0] =	ssyncset.done $0x0  }
0xfd: {  	s9 =	sadd.s32 $0xFFFFFFFF, s9;
	[sflag:s0] =	ssyncadd.s32 $0xFFFFC000  }
0xfe: {  	_ =	sfence.sel $0x180000  }
0xff: {  	[bflag:$0x0] =	sbarrier.arrive $0xFFFF  }
0x100: {  	_ =	strace $0x90000047  }
0x101: {  	s0 =	stileid.u32;
	[bflag:$0x2] =	sbarrier.arrive $0xFFFF  }
0x102: {  	p0 =	sne.s32 s0, $0x0;
	s0 =	rddreg [dreg:$0x4]  }
0x103: {  	s0 =	sadd.s32 @!p0 $0x100000, s0  }
0x104: {  	[sflag:s0] =	ssyncadd.tile.s32 @!p0 $0x1;
	_ =	shalt  }
.Lfunc_end2:
_tile_overlayer_lowered:
.L_overlay_start_2:
0x105: {  	(tag) =	ssettag $0x2  }
0x106: {  	s0 =	rddreg [dreg:$0x0];
	s2 =	stileid.u32  }
0x107: {  	s1 =	rddreg [dreg:$0x1];
	p0 =	sne.s32 s2, $0x0  }
0x108: {  	s3 =	rddreg [dreg:$0x2];
	[bflag:$0x3] =	sbarrier.arrive $0xFFFF;
	s2 =	simm.s32 @!p0 $0x1C09  }
0x109: {  	[timem:s3], [sflag:s2] =	dma.local @!p0 [hbm:s0], s1  }
0x10a: {  	s0 =	simm.s32 @!p0 $0x9  }
0x10b: {  	_ =	swait.ge @!p0 [sflag:s0], s1  }
0x10c: {  	s1 =	ssub.s32 @!p0 $0x0, s1;
	[sflag:s0] =	ssyncset.done @!p0 $0x0  }
0x10d: {  	[sflag:s0] =	ssyncadd.s32 @!p0 s1  }
0x10e: {  	[bflag:$0x3] =	sbarrier.arrive $0xFFFF  }
0x10f: {  	_ =	shalt  }

// kernel: kernel.13.cloned.1.call-start
scs
__scs_entry_jumppad:
0x0: {  	(pc) =	sbr.rel $0x88, $3  }
0x1: {  	(tag) =	ssettag $0x0;
	lr =	simm.s32 $0x1  }
0x2: {  	[smem:$0x3F95] =	sst lr;
	_ =	strace $0xD0000000  }
0x3: {  	_ = 	snop  }
0x4: {  	_ = 	snop  }
0x5: {  	_ = 	snop  }
0x6: {  	_ = 	snop  }
0x7: {  	_ = 	snop  }
__scs_overlays_trampoline_lowered:
0x8: {  	[smem:$0x3FA4] =	sst s0  }
0x9: {  	[smem:$0x3FA5] =	sst s1  }
0xa: {  	[smem:$0x3FA6] =	sst s2  }
0xb: {  	[smem:$0x3FA7] =	sst s3  }
0xc: {  	[smem:$0x3FA8] =	sst s4  }
0xd: {  	[smem:$0x3FA9] =	sst s5  }
0xe: {  	[smem:$0x3FAA] =	sst s6  }
0xf: {  	[smem:$0x3FAB] =	sst s7  }
0x10: {  	[smem:$0x3FAC] =	sst s8  }
0x11: {  	[smem:$0x3FAD] =	sst s9;
	s0 =	simm.s32 @!p0 $0x0  }
0x12: {  	s1 =	sld [smem:$0x3F93];
	s0 =	simm.s32 @p0 $0x1  }
0x13: {  	[smem:$0x3FAE] =	sst s0;
	s0 =	simm.s32 @!p1 $0x0  }
0x14: {  	s2 =	sld [smem:$0x3F92];
	s0 =	simm.s32 @p1 $0x1  }
0x15: {  	[smem:$0x3FAF] =	sst s0;
	s0 =	simm.s32 @!p2 $0x0  }
0x16: {  	s3 =	sld [smem:$0x3FDB];
	s0 =	simm.s32 @p2 $0x1  }
0x17: {  	s4 =	simm.s32 $0x1BF5;
	[smem:$0x3FB1] =	sst s0  }
0x18: {  	s0 =	sld [smem:$0x3F94];
	_ =	swait.ge [sflag:s4], $0x0  }
0x19: {  	s7 =	sld [smem:$0x3F95]  }
0x1a: {  	s8 =	sadd.s32 $0xFFFFE003, lr  }
0x1b: {  	s9 =	sadd.s32 $0xFFFFFEF7, lr;
	s5 =	simm.s32 $0xFFFFFFFF;
	p2 =	slt.u32 s8, $0xFFFFF086  }
0x1c: {  	p1 =	slt.u32 s9, $0xF7A;
	s5 =	simm.s32 @!p2 $0x0  }
0x1d: {  	s5 =	simm.s32 @p1 $0x1;
	p0 =	seq.s32 s7, s2  }
0x1e: {  	s7 =	smul.u32 @!p0 $0xF7A, s2;
	p2 =	seq.s32 @!p0 s5, $0x0  }
0x1f: {  	s9 =	smul.u32 $0xF7A, s1;
	s8 =	simm.s32 @!p0 $0x1BF5;
	p2 =	por !p2, p0  }
0x20: {  	[sflag:s8] =	ssyncset.s32 @!p0 $0xFFFFF086;
	s6 =	sadd.s32 @!p0 s3, s7;
	s7 =	simm.s32 @!p0 $0x108  }
0x21: {  	s3 =	sadd.s32 s3, s9;
	s6 =	sadd.s32 @!p0 $0x88, s6;
	s7 =	simm.s32 @p2 $0x1082  }
0x22: {  	[simem:s7], [sflag:s8] =	dma.local @!p0 [hbm:s6], $0xF7A  }
0x23: {  	s9 =	sor.u32 $0xD0000000, s2;
	s6 =	simm.s32 $0x108;
	_ =	swait.ge @!p0 [sflag:s8], $0x0  }
0x24: {  	s3 =	sadd.s32 $0x88, s3;
	s6 =	simm.s32 @!p1 $0x1082;
	[sflag:s4] =	ssyncset.s32 $0xFFFFF086  }
0x25: {  	[simem:s6], [sflag:s4] =	dma.local [hbm:s3], $0xF7A  }
0x26: {  	[smem:$0x3F95] =	sst s1;
	(tag) =	ssettag s2;
	_ =	strace s9  }
0x27: {  	s1 =	sld [smem:$0x3FA5]  }
0x28: {  	s2 =	sld [smem:$0x3FA6]  }
0x29: {  	s4 =	sld [smem:$0x3FA8]  }
0x2a: {  	p0 =	seq.s32 s5, $0x0;
	s5 =	sld [smem:$0x3FA9]  }
0x2b: {  	s6 =	sld [smem:$0x3FAA]  }
0x2c: {  	s7 =	sld [smem:$0x3FAB]  }
0x2d: {  	s3 =	simm.s32 $0x108;
	s8 =	sld [smem:$0x3FAC]  }
0x2e: {  	s3 =	simm.s32 @!p0 $0x1082;
	s9 =	sld [smem:$0x3FAD]  }
0x2f: {  	lr =	sadd.s32 s0, s3;
	s0 =	sld [smem:$0x3FA4]  }
0x30: {  	s3 =	sld [smem:$0x3FA7]  }
0x31: {  	[smem:$0x3FB0] =	sst s10  }
0x32: {  	s10 =	sld [smem:$0x3FAE];
	_ =	sdelay $0x3  }
0x33: {  	p0 =	seq.s32 s10, $0x1;
	s10 =	sld [smem:$0x3FB0];
	_ =	sdelay $0x3  }
0x34: {  	[smem:$0x3FB0] =	sst s10  }
0x35: {  	s10 =	sld [smem:$0x3FAF];
	_ =	sdelay $0x3  }
0x36: {  	p1 =	seq.s32 s10, $0x1;
	s10 =	sld [smem:$0x3FB0];
	_ =	sdelay $0x3  }
0x37: {  	[smem:$0x3FB0] =	sst s10  }
0x38: {  	s10 =	sld [smem:$0x3FB1]  }
0x39: {  	_ = 	snop;
	(pc) =	sbr.ind lr, $3  }
0x3a: {  	_ = 	snop  }
0x3b: {  	_ = 	snop  }
0x3c: {  	p2 =	seq.s32 s10, $0x1;
	s10 =	sld [smem:$0x3FB0]  }
0x3d: {  	_ =	shalt  }
0x3e: {  	_ =	shalt  }
0x3f: {  	_ =	shalt  }
0x40: {  	_ =	shalt  }
0x41: {  	_ =	shalt  }
0x42: {  	_ =	shalt  }
0x43: {  	_ =	shalt  }
0x44: {  	_ =	shalt  }
0x45: {  	_ =	shalt  }
0x46: {  	_ =	shalt  }
0x47: {  	_ =	shalt  }
0x48: {  	_ =	shalt  }
0x49: {  	_ =	shalt  }
0x4a: {  	_ =	shalt  }
0x4b: {  	_ =	shalt  }
0x4c: {  	_ =	shalt  }
0x4d: {  	_ =	shalt  }
0x4e: {  	_ =	shalt  }
0x4f: {  	_ =	shalt  }
0x50: {  	_ =	shalt  }
0x51: {  	_ =	shalt  }
0x52: {  	_ =	shalt  }
0x53: {  	_ =	shalt  }
0x54: {  	_ =	shalt  }
0x55: {  	_ =	shalt  }
0x56: {  	_ =	shalt  }
0x57: {  	_ =	shalt  }
0x58: {  	_ =	shalt  }
0x59: {  	_ =	shalt  }
0x5a: {  	_ =	shalt  }
0x5b: {  	_ =	shalt  }
0x5c: {  	_ =	shalt  }
0x5d: {  	_ =	shalt  }
0x5e: {  	_ =	shalt  }
0x5f: {  	_ =	shalt  }
0x60: {  	_ =	shalt  }
0x61: {  	_ =	shalt  }
0x62: {  	_ =	shalt  }
0x63: {  	_ =	shalt  }
0x64: {  	_ =	shalt  }
0x65: {  	_ =	shalt  }
0x66: {  	_ =	shalt  }
0x67: {  	_ =	shalt  }
0x68: {  	_ =	shalt  }
0x69: {  	_ =	shalt  }
0x6a: {  	_ =	shalt  }
0x6b: {  	_ =	shalt  }
0x6c: {  	_ =	shalt  }
0x6d: {  	_ =	shalt  }
0x6e: {  	_ =	shalt  }
0x6f: {  	_ =	shalt  }
0x70: {  	_ =	shalt  }
0x71: {  	_ =	shalt  }
0x72: {  	_ =	shalt  }
0x73: {  	_ =	shalt  }
0x74: {  	_ =	shalt  }
0x75: {  	_ =	shalt  }
0x76: {  	_ =	shalt  }
0x77: {  	_ =	shalt  }
0x78: {  	_ =	shalt  }
0x79: {  	_ =	shalt  }
0x7a: {  	_ =	shalt  }
0x7b: {  	_ =	shalt  }
0x7c: {  	_ =	shalt  }
0x7d: {  	_ =	shalt  }
0x7e: {  	_ =	shalt  }
0x7f: {  	_ =	shalt  }
0x80: {  	_ =	shalt  }
0x81: {  	_ =	shalt  }
0x82: {  	_ =	shalt  }
0x83: {  	_ =	shalt  }
0x84: {  	_ =	shalt  }
0x85: {  	_ =	shalt  }
0x86: {  	_ =	shalt  }
0x87: {  	_ =	shalt  }
.Lfunc_end0:
.L_simem_size_0:
called_computation.2_lowered:
.L_overlay_start_0:
0x88: {  	s2 =	sld [smem:$0x3FD9]  }
0x89: {  	s3 =	sld [smem:$0x3FFE];
	_ =	sdelay $0x1  }
0x8a: {  	s1 =	srdreg.scid  }
0x8b: {  	s0 =	sand.u32 $0x1, s1  }
0x8c: {  	s17 =	sshll.u32 s0, $0xA;
	s2 =	sadd.s32 s3, s2  }
0x8d: {  	s2 =	sadd.s32 s2, s17  }
0x8e: {  	[smem:$0x3FBC] =	sst s2  }
0x8f: {  	_ = 	snop  }
0x90: {  	s2 =	sld [smem:$0x3FC8]  }
0x91: {  	s18 =	sld [smem:$0x3FD0];
	(tm) =	ssettm $0x1  }
0x92: {  	s4 =	sld [smem:$0x3FFB];
	_ =	sdelay $0x3  }
0x93: {  	_ =	strace s4  }
0x94: {  	s4 =	sld [smem:$0x3FFC];
	_ =	sdelay $0x3  }
0x95: {  	_ =	strace s4  }
0x96: {  	s4 =	sld [smem:$0x3FFD];
	_ =	sdelay $0x3  }
0x97: {  	_ =	strace s4  }
0x98: {  	_ =	strace $0x8FFFFFFF  }
0x99: {  	s19 =	sld [smem:$0x3FDB];
	_ =	sdelay $0x1  }
0x9a: {  	s5 =	simm.s32 $_scs_section_size  }
0x9b: {  	s6 =	simm.s32 $_size__tile_overlayer_lowered;
	s7 =	simm.s32 $_tile_overlayer_lowered  }
0x9c: {  	s22 =	simm.s32 $0x1BFF;
	s21 =	sshll.u32 s7, $0x1;
	s4 =	sadd.s32 s5, s19  }
0x9d: {  	s8 =	simm.s32 $0x0;
	s20 =	sshll.u32 s6, $0x1;
	s6 =	sadd.s32 s21, s4  }
0x9e: {  	[timem:s8], [sflag:s22] =	dma.local [hbm:s6], s20  }
0x9f: {  	_ =	swait.ge [sflag:s22], s20  }
0xa0: {  	s5 =	ssub.s32 $0x0, s20;
	[sflag:s22] =	ssyncset.done $0x0  }
0xa1: {  	[sflag:s22] =	ssyncadd.s32 s5;
	_ =	sdelay $0x1  }
0xa2: {  	s23 =	simm.s32 $0x1B8B  }
0xa3: {  	_ =	swait.ge [sflag:s23], $0x1  }
0xa4: {  	[sflag:s23] =	ssyncset.done $0x0  }
0xa5: {  	s25 =	simm.s32 $0x1B8E;
	s24 =	sld [smem:$0x3FFE];
	[sflag:s23] =	ssyncadd.s32 $0xFFFFFFFF  }
0xa6: {  	s26 =	simm.s32 $execute0_lowered;
	[smem:$0x3FD2] =	sst s25  }
0xa7: {  	s6 =	sshll.u32 s26, $0x1;
	_ =	strace $0x8000004C;
	[dreg:$0x1] =	wrdreg $0xFFFFFFFF  }
0xa8: {  	s28 =	simm.s32 $_size_execute0_lowered;
	s4 =	sadd.s32 s4, s6;
	[dreg:$0x0] =	wrdreg $0x0  }
0xa9: {  	s6 =	sshll.u32 s28, $0x1;
	[dreg:$0x2] =	wrdreg s4  }
0xaa: {  	[dreg:$0x3] =	wrdreg s6  }
0xab: {  	[dreg:$0x4] =	wrdreg $0xC0  }
0xac: {  	_ =	task [dreg:s8], $0x5FFFF  }
0xad: {  	[dreg:$0x1] =	wrdreg $0xFFFFFFFF  }
0xae: {  	[dreg:$0x0] =	wrdreg $0x60  }
0xaf: {  	[dreg:$0x2] =	wrdreg s24  }
0xb0: {  	[dreg:$0x3] =	wrdreg s2  }
0xb1: {  	[dreg:$0x4] =	wrdreg s18  }
0xb2: {  	[dreg:$0x5] =	wrdreg $0x9  }
0xb3: {  	_ =	task.clear_ibuf [dreg:s8], $0x6FFFF;
	_ =	strace $0x9000004C  }
0xb4: {  	s29 =	simm.s32 $0x9;
	_ =	strace $0x8000004E  }
0xb5: {  	_ =	swait.ge [sflag:s29], $0x1  }
0xb6: {  	[sflag:s29] =	ssyncadd.s32 $0xFFFFFFFF  }
0xb7: {  	_ =	strace $0x9000004E  }
0xb8: {  	_ =	sfence  }
0xb9: {  	s30 =	sld [smem:$0x0];
	_ =	sdelay $0x2  }
0xba: {  	s31 =	sshll.u32 s1, $0xD;
	s1 =	sshrl.u32 s1, $0x2  }
0xbb: {  	s3 =	sand.u32 $0x4000, s31;
	s1 =	sadd.s32 s1, s30  }
0xbc: {  	s0 =	sor.u32 s3, s0;
	s1 =	sshll.u32 s1, $0x11  }
0xbd: {  	s0 =	sor.u32 s1, s0  }
0xbe: {  	s0 =	sadd.s32 $0x8F2B, s0  }
0xbf: {  	[sflag:s0] =	ssyncadd.remote.s32 $0x1  }
0xc0: {  	_ =	sfence.sel $0xFFFF  }
0xc1: {  	[dreg:$0x0] =	wrdreg $0xFFFFFFFF;
	(pc) =	sbr.abs _section_cstart, $3  }
0xc2: {  	[dreg:$0x1] =	wrdreg $0xFFFFFFFF  }
0xc3: {  	_ =	task.clear_ibuf [dreg:s8], $0x2FFFF;
	_ =	strace $0x9FFFFFFF  }
0xc4: {  	(tm) =	ssettm $0x7FFFFFFF  }
0xc5: {  	_ =	shalt  }
tec
execute0_lowered:
.L_overlay_start_1:
0x0: {  	(tag) =	ssettag $0x1  }
0x1: {  	s0 =	rddreg [dreg:$0x0]  }
0x2: {  	s2 =	rddreg [dreg:$0x1]  }
0x3: {  	s1 =	rddreg [dreg:$0x2];
	s3 =	simm.s32 $0x0  }
0x4: {  	s4 =	srdreg.scid;
	s7 =	stileid.u32;
	s13 =	simm.s32 $0x5  }
0x5: {  	s16 =	simm.s32 $0x100;
	s17 =	simm.s32 $0x8100;
	s18 =	simm.s32 $0x3  }
0x6: {  	s14 =	simm.s32 $0x4;
	s28 =	simm.s32 $0xD100;
	s29 =	simm.s32 $0xD900  }
0x7: {  	s30 =	simm.s32 $0xE100;
	s31 =	simm.s32 $0xE900;
	s12 =	simm.s32 $0x1  }
0x8: {  	s15 =	simm.s32 $0x2;
	s19 =	simm.s32 $0x0;
	[smem:$0x7FF] =	sst s3  }
0x9: {  	s4 =	sand.u32 $0x1, s4;
	s5 =	sshll.u32 s7, $0x2;
	s6 =	sshll.u32 s7, $0x7  }
0xa: {  	s7 =	sshll.u32 s7, $0xD;
	s10 =	sadd.s32 $0x100, s1;
	_ =	strace $0x8000004D  }
0xb: {  	s8 =	sshll.u32 s4, $0xC;
	s5 =	sor.u32 s6, s5;
	s23 =	sshll.u32 s4, $0x3  }
0xc: {  	s24 =	ssub.s32 $0x2, s4;
	s4 =	sadd.s32 $0x3A00, s0;
	s6 =	sadd.s32 $0x3800, s0  }
0xd: {  	s22 =	sor.u32 s8, s7;
	s5 =	sand.u32 $0x1B0, s5;
	s25 =	sshrl.u32 s24, $0x1  }
0xe: {  	s9 =	sadd.s32 s22, s0;
	s5 =	sor.u32 s23, s5;
	s26 =	ssub.s32 s24, s25  }
0xf: {  	v2 =	vlaneseq.u32;
	s25 =	simm.s32 $0xC100;
	s0 =	simm.s32 $0xF100;
	s5 =	sadd.s32 s2, s5  }
0x10: {  	vm0 =	vmmov $0xffff;
	v1 =	vshrl.u32 v2, $0x3;
	s8 =	sadd.s32 $0x23C00, s9;
	s9 =	sadd.s32 $0x3C00, s9;
	s11 =	smax.u32 s26, $0x1  }
0x11: {  	v0 =	vand.u32 $0x7, v2;
	v2 =	vor.u32 $0x8, v2;
	v1 =	vmul.u32 $0x8, v1;
	s26 =	simm.s32 $0xC900;
	s2 =	simm.s32 $0xF900;
	s7 =	sadd.s32 $0x40, s5  }
.LBB2_1:
0x12: {  	s20 =	simm.s32 $0x10100  }
0x13: {  	[tilespmem:s20], [sflag:$0x5] =	stream.linear.gather [hbm4b:s4+s3], $0x80, $0x38;
	[tilespmem:$0x10200] =	vst v63  }
0x14: {  	_ =	swait.ge [sflag:s13], $0x80  }
0x15: {  	[sflag:s13] =	ssyncset.done $0x0  }
0x16: {  	s22 =	simm.s32 $0x10180;
	[sflag:s13] =	ssyncadd.s32 $0xFFFFFF80  }
0x17: {  	[tilespmem:s22], [sflag:$0x5] =	stream.linear.gather [hbm4b:s6+s3], $0x80, $0x38;
	[tilespmem:$0x10200] =	vst v63  }
0x18: {  	_ =	swait.ge [sflag:s13], $0x80  }
0x19: {  	[sflag:s13] =	ssyncset.done $0x0  }
0x1a: {  	[sflag:s13] =	ssyncadd.s32 $0xFFFFFF80  }
0x1b: {  	v3 =	vld [tilespmem:$0x10100]  }
0x1c: {  	v4 =	vld [tilespmem:$0x10180];
	[tilespmem:s3], [sflag:$0x5] =	stream.linear.gather [hbm4b:s5+s3], $0x40, $0x38  }
0x1d: {  	_ =	swait.ge [sflag:s13], $0x40  }
0x1e: {  	[sflag:s13] =	ssyncset.done $0x0  }
0x1f: {  	s23 =	simm.s32 $0x80;
	[sflag:s13] =	ssyncadd.s32 $0xFFFFFFC0  }
0x20: {  	[tilespmem:s23], [sflag:$0x5] =	stream.linear.gather [hbm4b:s7+s3], $0x40, $0x38;
	[tilespmem:$0x10200] =	vst v63  }
0x21: {  	_ =	swait.ge [sflag:s13], $0x40  }
0x22: {  	[sflag:s13] =	ssyncset.done $0x0  }
0x23: {  	[sflag:s13] =	ssyncadd.s32 $0xFFFFFFC0  }
0x24: {  	[tilespmem:s16], [sflag:$0x3] =	stream.linear.gather [hbm4b:s8+s3], $0x8000, $0x38;
	[tilespmem:$0x10200] =	vst v63  }
0x25: {  	_ = 	snop  }
0x26: {  	[tilespmem:s17], [sflag:$0x4] =	stream.linear.gather [hbm4b:s9+s3], $0x8000, $0x38;
	[tilespmem:$0x10200] =	vst v63  }
0x27: {  	_ =	swait.ge [sflag:s18], $0x8000  }
0x28: {  	s24 =	sand.u32 $0x7000, s3;
	s21 =	sand.u32 $0x380, s3;
	[sflag:s18] =	ssyncset.done $0x0  }
0x29: {  	s20 =	sor.u32 s21, s24;
	[sflag:s18] =	ssyncadd.s32 $0xFFFF8000  }
0x2a: {  	v5 =	vld [tilespmem:s20+$0x100]  }
0x2b: {  	v6 =	vld [tilespmem:s20+$0x110]  }
0x2c: {  	v7 =	vld [tilespmem:s20+$0x120]  }
0x2d: {  	v3 =	vadd.f32 v4, v3;
	v4 =	vld [tilespmem:s20+$0x130]  }
0x2e: {  	v8 =	vld [tilespmem:s20+$0x140]  }
0x2f: {  	v9 =	vld [tilespmem:s20+$0x150]  }
0x30: {  	v10 =	vld [tilespmem:s20+$0x160];
	v5 =	vadd.f32 v5, v3  }
0x31: {  	v11 =	vld [tilespmem:s20+$0x960];
	v6 =	vadd.f32 v6, v3  }
0x32: {  	[tilespmem:s20+$0x100] =	vst v5;
	v5 =	vadd.f32 v7, v3;
	v7 =	vld [tilespmem:s20+$0x170]  }
0x33: {  	v4 =	vadd.f32 v4, v3;
	[tilespmem:s20+$0x110] =	vst v6;
	v6 =	vld [tilespmem:s20+$0x500]  }
0x34: {  	[tilespmem:s20+$0x120] =	vst v5;
	v5 =	vadd.f32 v8, v3;
	v8 =	vld [tilespmem:s20+$0x510]  }
0x35: {  	[tilespmem:s20+$0x130] =	vst v4;
	v4 =	vadd.f32 v9, v3;
	v9 =	vld [tilespmem:s20+$0x520]  }
0x36: {  	[tilespmem:s20+$0x140] =	vst v5;
	v5 =	vadd.f32 v10, v3;
	v10 =	vld [tilespmem:s20+$0x530]  }
0x37: {  	[tilespmem:s20+$0x150] =	vst v4;
	v4 =	vadd.f32 v7, v3;
	v7 =	vld [tilespmem:s20+$0x540]  }
0x38: {  	[tilespmem:s20+$0x160] =	vst v5;
	v5 =	vadd.f32 v6, v3;
	v6 =	vld [tilespmem:s20+$0x550]  }
0x39: {  	[tilespmem:s20+$0x170] =	vst v4;
	v4 =	vadd.f32 v8, v3;
	v8 =	vld [tilespmem:s20+$0x560]  }
0x3a: {  	[tilespmem:s20+$0x500] =	vst v5;
	v5 =	vadd.f32 v9, v3;
	v9 =	vld [tilespmem:s20+$0x570]  }
0x3b: {  	[tilespmem:s20+$0x510] =	vst v4;
	v4 =	vadd.f32 v10, v3;
	v10 =	vld [tilespmem:s20+$0x900]  }
0x3c: {  	[tilespmem:s20+$0x520] =	vst v5;
	v5 =	vadd.f32 v7, v3;
	v7 =	vld [tilespmem:s20+$0x910]  }
0x3d: {  	[tilespmem:s20+$0x530] =	vst v4;
	v4 =	vadd.f32 v6, v3;
	v6 =	vld [tilespmem:s20+$0x920]  }
0x3e: {  	[tilespmem:s20+$0x540] =	vst v5;
	v5 =	vadd.f32 v8, v3;
	v8 =	vld [tilespmem:s20+$0x930]  }
0x3f: {  	[tilespmem:s20+$0x550] =	vst v4;
	v4 =	vadd.f32 v9, v3  }
0x40: {  	v9 =	vld [tilespmem:s20+$0x940];
	[tilespmem:s20+$0x560] =	vst v5;
	v5 =	vadd.f32 v10, v3  }
0x41: {  	v10 =	vld [tilespmem:s20+$0x950];
	[tilespmem:s20+$0x570] =	vst v4;
	v4 =	vadd.f32 v7, v3  }
0x42: {  	v12 =	vld [tilespmem:s20+$0x970];
	v11 =	vadd.f32 v11, v3;
	[tilespmem:s20+$0x900] =	vst v5  }
0x43: {  	v5 =	vadd.f32 v6, v3;
	[tilespmem:s20+$0x910] =	vst v4;
	v4 =	vadd.f32 v8, v3;
	v8 =	vld [tilespmem:s20+$0xD00]  }
0x44: {  	[tilespmem:s20+$0x960] =	vst v11;
	v7 =	vld [tilespmem:s20+$0xD10]  }
0x45: {  	v6 =	vld [tilespmem:s20+$0xD20];
	[tilespmem:s20+$0x920] =	vst v5;
	v5 =	vadd.f32 v9, v3  }
0x46: {  	[tilespmem:s20+$0x930] =	vst v4;
	v9 =	vadd.f32 v10, v3;
	v4 =	vld [tilespmem:s20+$0xD30]  }
0x47: {  	v10 =	vadd.f32 v12, v3;
	[tilespmem:s20+$0x940] =	vst v5;
	v5 =	vld [tilespmem:s20+$0xD40]  }
0x48: {  	s21 =	simm.s32 $0x80;
	s22 =	simm.s32 $0x200;
	[tilespmem:s20+$0x950] =	vst v9;
	v9 =	vadd.f32 v8, v3;
	v8 =	vld [tilespmem:s20+$0xD50]  }
.LBB2_2:
0x49: {  	s23 =	sand.u32 $0x7000, s22;
	s24 =	sand.u32 $0x380, s21;
	p0 =	sne.s32 s22, $0x7E00;
	[tilespmem:s20+$0x970] =	vst v10;
	v7 =	vadd.f32 v7, v3;
	v10 =	vld [tilespmem:s20+$0xD60]  }
0x4a: {  	s23 =	sor.u32 s24, s23;
	[tilespmem:s20+$0xD00] =	vst v9;
	v6 =	vadd.f32 v6, v3;
	v9 =	vld [tilespmem:s20+$0xD70]  }
0x4b: {  	v11 =	vld [tilespmem:s23+$0x100];
	[tilespmem:s20+$0xD10] =	vst v7;
	v4 =	vadd.f32 v4, v3  }
0x4c: {  	v7 =	vld [tilespmem:s23+$0x110];
	[tilespmem:s20+$0xD20] =	vst v6;
	v5 =	vadd.f32 v5, v3  }
0x4d: {  	v6 =	vld [tilespmem:s23+$0x120];
	[tilespmem:s20+$0xD30] =	vst v4;
	v4 =	vadd.f32 v8, v3  }
0x4e: {  	v8 =	vld [tilespmem:s23+$0x130];
	[tilespmem:s20+$0xD40] =	vst v5;
	v5 =	vadd.f32 v10, v3  }
0x4f: {  	v10 =	vld [tilespmem:s23+$0x140];
	[tilespmem:s20+$0xD50] =	vst v4;
	v4 =	vadd.f32 v9, v3  }
0x50: {  	v9 =	vadd.f32 v11, v3;
	v11 =	vld [tilespmem:s23+$0x150];
	[tilespmem:s20+$0xD60] =	vst v5  }
0x51: {  	v5 =	vadd.f32 v7, v3;
	v7 =	vld [tilespmem:s23+$0x160];
	[tilespmem:s20+$0xD70] =	vst v4;
	s20 =	smov.u32 s23  }
0x52: {  	[tilespmem:s20+$0x100] =	vst v9;
	v4 =	vadd.f32 v6, v3;
	v6 =	vld [tilespmem:s20+$0x170]  }
0x53: {  	[tilespmem:s20+$0x110] =	vst v5;
	v5 =	vadd.f32 v8, v3;
	v8 =	vld [tilespmem:s20+$0x500]  }
0x54: {  	[tilespmem:s20+$0x120] =	vst v4;
	v4 =	vadd.f32 v10, v3;
	v9 =	vld [tilespmem:s20+$0x510]  }
0x55: {  	[tilespmem:s20+$0x130] =	vst v5;
	v5 =	vadd.f32 v11, v3;
	v10 =	vld [tilespmem:s20+$0x520]  }
0x56: {  	[tilespmem:s20+$0x140] =	vst v4;
	v4 =	vadd.f32 v7, v3;
	v7 =	vld [tilespmem:s20+$0x530]  }
0x57: {  	[tilespmem:s20+$0x150] =	vst v5;
	v5 =	vadd.f32 v6, v3;
	v6 =	vld [tilespmem:s20+$0x540]  }
0x58: {  	[tilespmem:s20+$0x160] =	vst v4;
	v4 =	vadd.f32 v8, v3;
	v8 =	vld [tilespmem:s20+$0x550]  }
0x59: {  	[tilespmem:s20+$0x170] =	vst v5;
	v5 =	vadd.f32 v9, v3;
	v9 =	vld [tilespmem:s20+$0x560]  }
0x5a: {  	[tilespmem:s20+$0x500] =	vst v4;
	v4 =	vadd.f32 v10, v3;
	v10 =	vld [tilespmem:s20+$0x570]  }
0x5b: {  	[tilespmem:s20+$0x510] =	vst v5;
	v5 =	vadd.f32 v7, v3;
	v7 =	vld [tilespmem:s20+$0x900]  }
0x5c: {  	[tilespmem:s20+$0x520] =	vst v4;
	v4 =	vadd.f32 v6, v3;
	v6 =	vld [tilespmem:s20+$0x910]  }
0x5d: {  	[tilespmem:s20+$0x530] =	vst v5;
	v5 =	vadd.f32 v8, v3;
	v8 =	vld [tilespmem:s20+$0x920]  }
0x5e: {  	[tilespmem:s20+$0x540] =	vst v4;
	v4 =	vadd.f32 v9, v3;
	v9 =	vld [tilespmem:s20+$0x930]  }
0x5f: {  	[tilespmem:s20+$0x550] =	vst v5;
	v5 =	vadd.f32 v10, v3;
	v10 =	vld [tilespmem:s20+$0x940]  }
0x60: {  	[tilespmem:s20+$0x560] =	vst v4;
	v4 =	vadd.f32 v7, v3;
	v11 =	vld [tilespmem:s20+$0x950]  }
0x61: {  	[tilespmem:s20+$0x570] =	vst v5;
	v5 =	vadd.f32 v6, v3;
	v12 =	vld [tilespmem:s20+$0x960]  }
0x62: {  	[tilespmem:s20+$0x900] =	vst v4;
	v4 =	vadd.f32 v8, v3;
	v8 =	vld [tilespmem:s20+$0x970]  }
0x63: {  	[tilespmem:s20+$0x910] =	vst v5;
	v5 =	vadd.f32 v9, v3;
	v9 =	vld [tilespmem:s20+$0xD00]  }
.Ltmp0:
0x64: {  	[tilespmem:s20+$0x920] =	vst v4;
	v4 =	vadd.f32 v10, v3;
	v7 =	vld [tilespmem:s20+$0xD10];
	(pc) =	sbr.rel @p0 .LBB2_2-.Ltmp0, $4  }
0x65: {  	[tilespmem:s20+$0x930] =	vst v5;
	v5 =	vadd.f32 v11, v3;
	v6 =	vld [tilespmem:s20+$0xD20]  }
0x66: {  	[tilespmem:s20+$0x940] =	vst v4;
	v11 =	vadd.f32 v12, v3;
	v4 =	vld [tilespmem:s20+$0xD30]  }
0x67: {  	[tilespmem:s20+$0x950] =	vst v5;
	v10 =	vadd.f32 v8, v3;
	v5 =	vld [tilespmem:s20+$0xD40]  }
0x68: {  	s21 =	sadd.s32 $0x80, s21;
	s22 =	sadd.s32 $0x200, s22;
	[tilespmem:s20+$0x960] =	vst v11;
	v9 =	vadd.f32 v9, v3;
	v8 =	vld [tilespmem:s20+$0xD50]  }
0x69: {  	[tilespmem:s20+$0x970] =	vst v10;
	v7 =	vadd.f32 v7, v3;
	v10 =	vld [tilespmem:s20+$0xD60]  }
0x6a: {  	[tilespmem:s20+$0xD00] =	vst v9;
	v6 =	vadd.f32 v6, v3;
	v9 =	vld [tilespmem:s20+$0xD70]  }
0x6b: {  	[tilespmem:s20+$0xD10] =	vst v7;
	v4 =	vadd.f32 v4, v3  }
0x6c: {  	[tilespmem:s20+$0xD20] =	vst v6;
	v5 =	vadd.f32 v5, v3  }
0x6d: {  	[tilespmem:s20+$0xD30] =	vst v4;
	v4 =	vadd.f32 v8, v3  }
0x6e: {  	[tilespmem:s20+$0xD40] =	vst v5;
	v5 =	vadd.f32 v10, v3  }
0x6f: {  	[tilespmem:s20+$0xD50] =	vst v4;
	v4 =	vadd.f32 v9, v3  }
0x70: {  	[tilespmem:s20+$0xD60] =	vst v5  }
0x71: {  	[tilespmem:s20+$0xD70] =	vst v4  }
0x72: {  	v4 =	vld [tilespmem:$0x0];
	_ =	sdelay $0x4  }
0x73: {  	v5 =	vshll.u32 v4, $0x2  }
0x74: {  	v4 =	vand.u32 $0x7, v4;
	v5 =	vand.u32 $0xFFFFFFE0, v5  }
0x75: {  	v4 =	vor.u32 v4, v5  }
0x76: {  	v5 =	vperm.xlane v4, v0;
	_ =	sdelay $0x1  }
0x77: {  	v5 =	vadd.s32 v1, v5;
	_ =	sdelay $0x1  }
0x78: {  	v4 =	vperm.xlane v4, v2;
	_ =	sdelay $0x1  }
0x79: {  	s20 =	simm.s32 $0x0;
	v4 =	vadd.s32 v1, v4  }
0x7a: {  	[hbm4b:s1+s20] =	stream.indirect_vreg.scatter [tilespmem:s16], [sflag:$0x1], $0x80, v5, vm0, $0xb8;
	[tilespmem:$0x10200] =	vst v63  }
0x7b: {  	s21 =	simm.s32 $0x900  }
0x7c: {  	[hbm4b:s10+s20] =	stream.indirect_vreg.scatter [tilespmem:s21], [sflag:$0x1], $0x80, v5, vm0, $0xb8;
	[tilespmem:$0x10200] =	vst v63  }
0x7d: {  	s22 =	simm.s32 $0x1100  }
0x7e: {  	[hbm4b:s1+s20] =	stream.indirect_vreg.scatter [tilespmem:s22], [sflag:$0x1], $0x80, v4, vm0, $0xb8;
	[tilespmem:$0x10200] =	vst v63  }
0x7f: {  	s23 =	simm.s32 $0x1900  }
0x80: {  	[hbm4b:s10+s20] =	stream.indirect_vreg.scatter [tilespmem:s23], [sflag:$0x1], $0x80, v4, vm0, $0xb8;
	[tilespmem:$0x10200] =	vst v63  }
0x81: {  	v4 =	vld [tilespmem:$0x10];
	_ =	sdelay $0x4  }
0x82: {  	v5 =	vshll.u32 v4, $0x2  }
0x83: {  	v4 =	vand.u32 $0x7, v4;
	v5 =	vand.u32 $0xFFFFFFE0, v5  }
0x84: {  	v4 =	vor.u32 v4, v5  }
0x85: {  	v5 =	vperm.xlane v4, v0;
	_ =	sdelay $0x1  }
0x86: {  	v5 =	vadd.s32 v1, v5;
	_ =	sdelay $0x1  }
0x87: {  	v4 =	vperm.xlane v4, v2;
	_ =	sdelay $0x1  }
0x88: {  	s24 =	simm.s32 $0x2100;
	v4 =	vadd.s32 v1, v4  }
0x89: {  	[hbm4b:s1+s20] =	stream.indirect_vreg.scatter [tilespmem:s24], [sflag:$0x1], $0x80, v5, vm0, $0xb8;
	[tilespmem:$0x10200] =	vst v63  }
0x8a: {  	s22 =	simm.s32 $0x2900  }
0x8b: {  	[hbm4b:s10+s20] =	stream.indirect_vreg.scatter [tilespmem:s22], [sflag:$0x1], $0x80, v5, vm0, $0xb8;
	[tilespmem:$0x10200] =	vst v63  }
0x8c: {  	s23 =	simm.s32 $0x3100  }
0x8d: {  	[hbm4b:s1+s20] =	stream.indirect_vreg.scatter [tilespmem:s23], [sflag:$0x1], $0x80, v4, vm0, $0xb8;
	[tilespmem:$0x10200] =	vst v63  }
0x8e: {  	s24 =	simm.s32 $0x3900  }
0x8f: {  	[hbm4b:s10+s20] =	stream.indirect_vreg.scatter [tilespmem:s24], [sflag:$0x1], $0x80, v4, vm0, $0xb8;
	[tilespmem:$0x10200] =	vst v63  }
0x90: {  	v4 =	vld [tilespmem:$0x20];
	_ =	sdelay $0x4  }
0x91: {  	v5 =	vshll.u32 v4, $0x2  }
0x92: {  	v4 =	vand.u32 $0x7, v4;
	v5 =	vand.u32 $0xFFFFFFE0, v5  }
0x93: {  	v4 =	vor.u32 v4, v5  }
0x94: {  	v5 =	vperm.xlane v4, v0;
	_ =	sdelay $0x1  }
0x95: {  	v5 =	vadd.s32 v1, v5;
	_ =	sdelay $0x1  }
0x96: {  	v4 =	vperm.xlane v4, v2;
	_ =	sdelay $0x1  }
0x97: {  	s22 =	simm.s32 $0x4100;
	v4 =	vadd.s32 v1, v4  }
0x98: {  	[hbm4b:s1+s20] =	stream.indirect_vreg.scatter [tilespmem:s22], [sflag:$0x1], $0x80, v5, vm0, $0xb8;
	[tilespmem:$0x10200] =	vst v63  }
0x99: {  	s23 =	simm.s32 $0x4900  }
0x9a: {  	[hbm4b:s10+s20] =	stream.indirect_vreg.scatter [tilespmem:s23], [sflag:$0x1], $0x80, v5, vm0, $0xb8;
	[tilespmem:$0x10200] =	vst v63  }
0x9b: {  	s24 =	simm.s32 $0x5100  }
0x9c: {  	[hbm4b:s1+s20] =	stream.indirect_vreg.scatter [tilespmem:s24], [sflag:$0x1], $0x80, v4, vm0, $0xb8;
	[tilespmem:$0x10200] =	vst v63  }
0x9d: {  	s22 =	simm.s32 $0x5900  }
0x9e: {  	[hbm4b:s10+s20] =	stream.indirect_vreg.scatter [tilespmem:s22], [sflag:$0x1], $0x80, v4, vm0, $0xb8;
	[tilespmem:$0x10200] =	vst v63  }
0x9f: {  	v4 =	vld [tilespmem:$0x30];
	_ =	sdelay $0x4  }
0xa0: {  	v5 =	vshll.u32 v4, $0x2  }
0xa1: {  	v4 =	vand.u32 $0x7, v4;
	v5 =	vand.u32 $0xFFFFFFE0, v5  }
0xa2: {  	v4 =	vor.u32 v4, v5  }
0xa3: {  	v5 =	vperm.xlane v4, v0;
	_ =	sdelay $0x1  }
0xa4: {  	v5 =	vadd.s32 v1, v5;
	_ =	sdelay $0x1  }
0xa5: {  	v4 =	vperm.xlane v4, v2;
	_ =	sdelay $0x1  }
0xa6: {  	s23 =	simm.s32 $0x6100;
	v4 =	vadd.s32 v1, v4  }
0xa7: {  	[hbm4b:s1+s20] =	stream.indirect_vreg.scatter [tilespmem:s23], [sflag:$0x1], $0x80, v5, vm0, $0xb8;
	[tilespmem:$0x10200] =	vst v63  }
0xa8: {  	s24 =	simm.s32 $0x6900  }
0xa9: {  	[hbm4b:s10+s20] =	stream.indirect_vreg.scatter [tilespmem:s24], [sflag:$0x1], $0x80, v5, vm0, $0xb8;
	[tilespmem:$0x10200] =	vst v63  }
0xaa: {  	s22 =	simm.s32 $0x7100  }
0xab: {  	[hbm4b:s1+s20] =	stream.indirect_vreg.scatter [tilespmem:s22], [sflag:$0x1], $0x80, v4, vm0, $0xb8;
	[tilespmem:$0x10200] =	vst v63  }
0xac: {  	s23 =	simm.s32 $0x7900  }
0xad: {  	[hbm4b:s10+s20] =	stream.indirect_vreg.scatter [tilespmem:s23], [sflag:$0x1], $0x80, v4, vm0, $0xb8;
	[tilespmem:$0x10200] =	vst v63  }
0xae: {  	_ =	swait.ge [sflag:s14], $0x8000  }
0xaf: {  	s24 =	sand.u32 $0x7000, s20;
	s20 =	sand.u32 $0x380, s20;
	[sflag:s14] =	ssyncset.done $0x0  }
0xb0: {  	s20 =	sor.u32 s20, s24;
	[sflag:s14] =	ssyncadd.s32 $0xFFFF8000  }
0xb1: {  	v4 =	vld [tilespmem:s20+$0x8100]  }
0xb2: {  	v5 =	vld [tilespmem:s20+$0x8110]  }
0xb3: {  	v6 =	vld [tilespmem:s20+$0x8120]  }
0xb4: {  	v7 =	vld [tilespmem:s20+$0x8130]  }
0xb5: {  	v8 =	vld [tilespmem:s20+$0x8140]  }
0xb6: {  	v9 =	vld [tilespmem:s20+$0x8150];
	v4 =	vadd.f32 v4, v3  }
0xb7: {  	v10 =	vld [tilespmem:s20+$0x8160];
	v5 =	vadd.f32 v5, v3  }
0xb8: {  	[tilespmem:s20+$0x8100] =	vst v4;
	v4 =	vadd.f32 v6, v3;
	v6 =	vld [tilespmem:s20+$0x8170]  }
0xb9: {  	[tilespmem:s20+$0x8110] =	vst v5;
	v5 =	vadd.f32 v7, v3;
	v7 =	vld [tilespmem:s20+$0x8500]  }
0xba: {  	[tilespmem:s20+$0x8120] =	vst v4;
	v4 =	vadd.f32 v8, v3;
	v8 =	vld [tilespmem:s20+$0x8510]  }
0xbb: {  	[tilespmem:s20+$0x8130] =	vst v5;
	v5 =	vadd.f32 v9, v3;
	v9 =	vld [tilespmem:s20+$0x8520]  }
0xbc: {  	[tilespmem:s20+$0x8140] =	vst v4;
	v4 =	vadd.f32 v10, v3;
	v10 =	vld [tilespmem:s20+$0x8530]  }
0xbd: {  	[tilespmem:s20+$0x8150] =	vst v5;
	v5 =	vadd.f32 v6, v3;
	v6 =	vld [tilespmem:s20+$0x8540]  }
0xbe: {  	[tilespmem:s20+$0x8160] =	vst v4;
	v4 =	vadd.f32 v7, v3;
	v7 =	vld [tilespmem:s20+$0x8550]  }
0xbf: {  	[tilespmem:s20+$0x8170] =	vst v5;
	v5 =	vadd.f32 v8, v3;
	v8 =	vld [tilespmem:s20+$0x8560]  }
0xc0: {  	[tilespmem:s20+$0x8500] =	vst v4;
	v4 =	vadd.f32 v9, v3;
	v9 =	vld [tilespmem:s20+$0x8570]  }
0xc1: {  	[tilespmem:s20+$0x8510] =	vst v5;
	v5 =	vadd.f32 v10, v3;
	v10 =	vld [tilespmem:s20+$0x8900]  }
0xc2: {  	[tilespmem:s20+$0x8520] =	vst v4;
	v4 =	vadd.f32 v6, v3;
	v6 =	vld [tilespmem:s20+$0x8910]  }
0xc3: {  	[tilespmem:s20+$0x8530] =	vst v5;
	v5 =	vadd.f32 v7, v3;
	v7 =	vld [tilespmem:s20+$0x8920]  }
0xc4: {  	[tilespmem:s20+$0x8540] =	vst v4;
	v4 =	vadd.f32 v8, v3;
	v8 =	vld [tilespmem:s20+$0x8930]  }
0xc5: {  	[tilespmem:s20+$0x8550] =	vst v5;
	v5 =	vadd.f32 v9, v3;
	v9 =	vld [tilespmem:s20+$0x8940]  }
0xc6: {  	[tilespmem:s20+$0x8560] =	vst v4;
	v4 =	vadd.f32 v10, v3;
	v10 =	vld [tilespmem:s20+$0x8950]  }
0xc7: {  	v11 =	vld [tilespmem:s20+$0x8960];
	[tilespmem:s20+$0x8570] =	vst v5;
	v5 =	vadd.f32 v6, v3  }
0xc8: {  	v12 =	vld [tilespmem:s20+$0x8970];
	[tilespmem:s20+$0x8900] =	vst v4;
	v4 =	vadd.f32 v7, v3  }
0xc9: {  	[tilespmem:s20+$0x8910] =	vst v5;
	v5 =	vadd.f32 v8, v3;
	v8 =	vld [tilespmem:s20+$0x8D00]  }
0xca: {  	v7 =	vld [tilespmem:s20+$0x8D10];
	[tilespmem:s20+$0x8920] =	vst v4;
	v4 =	vadd.f32 v9, v3  }
0xcb: {  	v6 =	vld [tilespmem:s20+$0x8D20];
	[tilespmem:s20+$0x8930] =	vst v5;
	v5 =	vadd.f32 v10, v3  }
0xcc: {  	v9 =	vadd.f32 v11, v3;
	[tilespmem:s20+$0x8940] =	vst v4;
	v4 =	vld [tilespmem:s20+$0x8D30]  }
0xcd: {  	v10 =	vadd.f32 v12, v3;
	[tilespmem:s20+$0x8950] =	vst v5;
	v5 =	vld [tilespmem:s20+$0x8D40]  }
0xce: {  	s21 =	simm.s32 $0x80;
	s22 =	simm.s32 $0x200;
	[tilespmem:s20+$0x8960] =	vst v9;
	v9 =	vadd.f32 v8, v3;
	v8 =	vld [tilespmem:s20+$0x8D50]  }
.LBB2_4:
0xcf: {  	s23 =	sand.u32 $0x7000, s22;
	s24 =	sand.u32 $0x380, s21;
	p0 =	sne.s32 s22, $0x7E00;
	[tilespmem:s20+$0x8970] =	vst v10;
	v7 =	vadd.f32 v7, v3;
	v10 =	vld [tilespmem:s20+$0x8D60]  }
0xd0: {  	s23 =	sor.u32 s24, s23;
	[tilespmem:s20+$0x8D00] =	vst v9;
	v6 =	vadd.f32 v6, v3;
	v9 =	vld [tilespmem:s20+$0x8D70]  }
0xd1: {  	v11 =	vld [tilespmem:s23+$0x8100];
	[tilespmem:s20+$0x8D10] =	vst v7;
	v4 =	vadd.f32 v4, v3  }
0xd2: {  	v7 =	vld [tilespmem:s23+$0x8110];
	[tilespmem:s20+$0x8D20] =	vst v6;
	v5 =	vadd.f32 v5, v3  }
0xd3: {  	v6 =	vld [tilespmem:s23+$0x8120];
	[tilespmem:s20+$0x8D30] =	vst v4;
	v4 =	vadd.f32 v8, v3  }
0xd4: {  	v8 =	vld [tilespmem:s23+$0x8130];
	[tilespmem:s20+$0x8D40] =	vst v5;
	v5 =	vadd.f32 v10, v3  }
0xd5: {  	v10 =	vld [tilespmem:s23+$0x8140];
	[tilespmem:s20+$0x8D50] =	vst v4;
	v4 =	vadd.f32 v9, v3  }
0xd6: {  	v9 =	vadd.f32 v11, v3;
	v11 =	vld [tilespmem:s23+$0x8150];
	[tilespmem:s20+$0x8D60] =	vst v5  }
0xd7: {  	v5 =	vadd.f32 v7, v3;
	v7 =	vld [tilespmem:s23+$0x8160];
	[tilespmem:s20+$0x8D70] =	vst v4;
	s20 =	smov.u32 s23  }
0xd8: {  	[tilespmem:s20+$0x8100] =	vst v9;
	v4 =	vadd.f32 v6, v3;
	v6 =	vld [tilespmem:s20+$0x8170]  }
0xd9: {  	[tilespmem:s20+$0x8110] =	vst v5;
	v5 =	vadd.f32 v8, v3;
	v8 =	vld [tilespmem:s20+$0x8500]  }
0xda: {  	[tilespmem:s20+$0x8120] =	vst v4;
	v4 =	vadd.f32 v10, v3;
	v9 =	vld [tilespmem:s20+$0x8510]  }
0xdb: {  	[tilespmem:s20+$0x8130] =	vst v5;
	v5 =	vadd.f32 v11, v3;
	v10 =	vld [tilespmem:s20+$0x8520]  }
0xdc: {  	[tilespmem:s20+$0x8140] =	vst v4;
	v4 =	vadd.f32 v7, v3;
	v7 =	vld [tilespmem:s20+$0x8530]  }
0xdd: {  	[tilespmem:s20+$0x8150] =	vst v5;
	v5 =	vadd.f32 v6, v3;
	v6 =	vld [tilespmem:s20+$0x8540]  }
0xde: {  	[tilespmem:s20+$0x8160] =	vst v4;
	v4 =	vadd.f32 v8, v3;
	v8 =	vld [tilespmem:s20+$0x8550]  }
0xdf: {  	[tilespmem:s20+$0x8170] =	vst v5;
	v5 =	vadd.f32 v9, v3;
	v9 =	vld [tilespmem:s20+$0x8560]  }
0xe0: {  	[tilespmem:s20+$0x8500] =	vst v4;
	v4 =	vadd.f32 v10, v3;
	v10 =	vld [tilespmem:s20+$0x8570]  }
0xe1: {  	[tilespmem:s20+$0x8510] =	vst v5;
	v5 =	vadd.f32 v7, v3;
	v7 =	vld [tilespmem:s20+$0x8900]  }
0xe2: {  	[tilespmem:s20+$0x8520] =	vst v4;
	v4 =	vadd.f32 v6, v3;
	v6 =	vld [tilespmem:s20+$0x8910]  }
0xe3: {  	[tilespmem:s20+$0x8530] =	vst v5;
	v5 =	vadd.f32 v8, v3;
	v8 =	vld [tilespmem:s20+$0x8920]  }
0xe4: {  	[tilespmem:s20+$0x8540] =	vst v4;
	v4 =	vadd.f32 v9, v3;
	v9 =	vld [tilespmem:s20+$0x8930]  }
0xe5: {  	[tilespmem:s20+$0x8550] =	vst v5;
	v5 =	vadd.f32 v10, v3;
	v10 =	vld [tilespmem:s20+$0x8940]  }
0xe6: {  	[tilespmem:s20+$0x8560] =	vst v4;
	v4 =	vadd.f32 v7, v3;
	v11 =	vld [tilespmem:s20+$0x8950]  }
0xe7: {  	[tilespmem:s20+$0x8570] =	vst v5;
	v5 =	vadd.f32 v6, v3;
	v12 =	vld [tilespmem:s20+$0x8960]  }
0xe8: {  	[tilespmem:s20+$0x8900] =	vst v4;
	v4 =	vadd.f32 v8, v3;
	v8 =	vld [tilespmem:s20+$0x8970]  }
0xe9: {  	[tilespmem:s20+$0x8910] =	vst v5;
	v5 =	vadd.f32 v9, v3;
	v9 =	vld [tilespmem:s20+$0x8D00]  }
.Ltmp1:
0xea: {  	[tilespmem:s20+$0x8920] =	vst v4;
	v4 =	vadd.f32 v10, v3;
	v7 =	vld [tilespmem:s20+$0x8D10];
	(pc) =	sbr.rel @p0 .LBB2_4-.Ltmp1, $4  }
0xeb: {  	[tilespmem:s20+$0x8930] =	vst v5;
	v5 =	vadd.f32 v11, v3;
	v6 =	vld [tilespmem:s20+$0x8D20]  }
0xec: {  	[tilespmem:s20+$0x8940] =	vst v4;
	v11 =	vadd.f32 v12, v3;
	v4 =	vld [tilespmem:s20+$0x8D30]  }
0xed: {  	[tilespmem:s20+$0x8950] =	vst v5;
	v10 =	vadd.f32 v8, v3;
	v5 =	vld [tilespmem:s20+$0x8D40]  }
0xee: {  	s21 =	sadd.s32 $0x80, s21;
	s22 =	sadd.s32 $0x200, s22;
	[tilespmem:s20+$0x8960] =	vst v11;
	v9 =	vadd.f32 v9, v3;
	v8 =	vld [tilespmem:s20+$0x8D50]  }
0xef: {  	[tilespmem:s20+$0x8970] =	vst v10;
	v7 =	vadd.f32 v7, v3;
	v56 =	vld [tilespmem:s20+$0x8D60]  }
0xf0: {  	v57 =	vld [tilespmem:s20+$0x8D70];
	[tilespmem:s20+$0x8D00] =	vst v9;
	v6 =	vadd.f32 v6, v3  }
0xf1: {  	[tilespmem:s20+$0x8D10] =	vst v7;
	v4 =	vadd.f32 v4, v3  }
0xf2: {  	[tilespmem:s20+$0x8D20] =	vst v6;
	v5 =	vadd.f32 v5, v3  }
0xf3: {  	[tilespmem:s20+$0x8D30] =	vst v4;
	v58 =	vadd.f32 v8, v3  }
0xf4: {  	[tilespmem:s20+$0x8D40] =	vst v5;
	v59 =	vadd.f32 v56, v3  }
0xf5: {  	v3 =	vadd.f32 v57, v3;
	[tilespmem:s20+$0x8D50] =	vst v58  }
0xf6: {  	[tilespmem:s20+$0x8D60] =	vst v59  }
0xf7: {  	[tilespmem:s20+$0x8D70] =	vst v3  }
0xf8: {  	v3 =	vld [tilespmem:$0x80];
	_ =	sdelay $0x4  }
0xf9: {  	v60 =	vshll.u32 v3, $0x2  }
0xfa: {  	v3 =	vand.u32 $0x7, v3;
	v4 =	vand.u32 $0xFFFFFFE0, v60  }
0xfb: {  	v3 =	vor.u32 v3, v4  }
0xfc: {  	v4 =	vperm.xlane v3, v0;
	_ =	sdelay $0x1  }
0xfd: {  	v4 =	vadd.s32 v1, v4;
	_ =	sdelay $0x1  }
0xfe: {  	v3 =	vperm.xlane v3, v2;
	_ =	sdelay $0x1  }
0xff: {  	v3 =	vadd.s32 v1, v3  }
0x100: {  	[hbm4b:s1+s3] =	stream.indirect_vreg.scatter [tilespmem:s17], [sflag:$0x2], $0x80, v4, vm0, $0xb8;
	[tilespmem:$0x10200] =	vst v63  }
0x101: {  	s22 =	simm.s32 $0x8900  }
0x102: {  	[hbm4b:s10+s3] =	stream.indirect_vreg.scatter [tilespmem:s22], [sflag:$0x2], $0x80, v4, vm0, $0xb8;
	[tilespmem:$0x10200] =	vst v63  }
0x103: {  	s23 =	simm.s32 $0x9100  }
0x104: {  	[hbm4b:s1+s3] =	stream.indirect_vreg.scatter [tilespmem:s23], [sflag:$0x2], $0x80, v3, vm0, $0xb8;
	[tilespmem:$0x10200] =	vst v63  }
0x105: {  	s24 =	simm.s32 $0x9900  }
0x106: {  	[hbm4b:s10+s3] =	stream.indirect_vreg.scatter [tilespmem:s24], [sflag:$0x2], $0x80, v3, vm0, $0xb8;
	[tilespmem:$0x10200] =	vst v63  }
0x107: {  	v3 =	vld [tilespmem:$0x90];
	_ =	sdelay $0x4  }
0x108: {  	v61 =	vshll.u32 v3, $0x2  }
0x109: {  	v3 =	vand.u32 $0x7, v3;
	v4 =	vand.u32 $0xFFFFFFE0, v61  }
0x10a: {  	v3 =	vor.u32 v3, v4  }
0x10b: {  	v4 =	vperm.xlane v3, v0;
	_ =	sdelay $0x1  }
0x10c: {  	v4 =	vadd.s32 v1, v4;
	_ =	sdelay $0x1  }
0x10d: {  	v3 =	vperm.xlane v3, v2;
	_ =	sdelay $0x1  }
0x10e: {  	s21 =	simm.s32 $0xA100;
	v3 =	vadd.s32 v1, v3  }
0x10f: {  	[hbm4b:s1+s3] =	stream.indirect_vreg.scatter [tilespmem:s21], [sflag:$0x2], $0x80, v4, vm0, $0xb8;
	[tilespmem:$0x10200] =	vst v63  }
0x110: {  	s22 =	simm.s32 $0xA900  }
0x111: {  	[hbm4b:s10+s3] =	stream.indirect_vreg.scatter [tilespmem:s22], [sflag:$0x2], $0x80, v4, vm0, $0xb8;
	[tilespmem:$0x10200] =	vst v63  }
0x112: {  	s23 =	simm.s32 $0xB100  }
0x113: {  	[hbm4b:s1+s3] =	stream.indirect_vreg.scatter [tilespmem:s23], [sflag:$0x2], $0x80, v3, vm0, $0xb8;
	[tilespmem:$0x10200] =	vst v63  }
0x114: {  	s24 =	simm.s32 $0xB900  }
0x115: {  	[hbm4b:s10+s3] =	stream.indirect_vreg.scatter [tilespmem:s24], [sflag:$0x2], $0x80, v3, vm0, $0xb8;
	[tilespmem:$0x10200] =	vst v63  }
0x116: {  	v3 =	vld [tilespmem:$0xA0];
	_ =	sdelay $0x4  }
0x117: {  	v62 =	vshll.u32 v3, $0x2  }
0x118: {  	v3 =	vand.u32 $0x7, v3;
	v4 =	vand.u32 $0xFFFFFFE0, v62  }
0x119: {  	v3 =	vor.u32 v3, v4  }
0x11a: {  	v4 =	vperm.xlane v3, v0;
	_ =	sdelay $0x1  }
0x11b: {  	v4 =	vadd.s32 v1, v4;
	_ =	sdelay $0x1  }
0x11c: {  	v3 =	vperm.xlane v3, v2;
	_ =	sdelay $0x1  }
0x11d: {  	v3 =	vadd.s32 v1, v3  }
0x11e: {  	[hbm4b:s1+s3] =	stream.indirect_vreg.scatter [tilespmem:s25], [sflag:$0x2], $0x80, v4, vm0, $0xb8;
	[tilespmem:$0x10200] =	vst v63  }
0x11f: {  	_ = 	snop  }
0x120: {  	[hbm4b:s10+s3] =	stream.indirect_vreg.scatter [tilespmem:s26], [sflag:$0x2], $0x80, v4, vm0, $0xb8;
	[tilespmem:$0x10200] =	vst v63  }
0x121: {  	_ = 	snop  }
0x122: {  	[hbm4b:s1+s3] =	stream.indirect_vreg.scatter [tilespmem:s28], [sflag:$0x2], $0x80, v3, vm0, $0xb8;
	[tilespmem:$0x10200] =	vst v63  }
0x123: {  	_ = 	snop  }
0x124: {  	[hbm4b:s10+s3] =	stream.indirect_vreg.scatter [tilespmem:s29], [sflag:$0x2], $0x80, v3, vm0, $0xb8;
	[tilespmem:$0x10200] =	vst v63  }
0x125: {  	v3 =	vld [tilespmem:$0xB0];
	_ =	sdelay $0x4  }
0x126: {  	v63 =	vshll.u32 v3, $0x2  }
0x127: {  	v3 =	vand.u32 $0x7, v3;
	v4 =	vand.u32 $0xFFFFFFE0, v63  }
0x128: {  	v3 =	vor.u32 v3, v4  }
0x129: {  	v4 =	vperm.xlane v3, v0;
	_ =	sdelay $0x1  }
0x12a: {  	v4 =	vadd.s32 v1, v4;
	_ =	sdelay $0x1  }
0x12b: {  	v3 =	vperm.xlane v3, v2;
	_ =	sdelay $0x1  }
0x12c: {  	v3 =	vadd.s32 v1, v3  }
0x12d: {  	[hbm4b:s1+s3] =	stream.indirect_vreg.scatter [tilespmem:s30], [sflag:$0x2], $0x80, v4, vm0, $0xb8;
	[tilespmem:$0x10200] =	vst v63  }
0x12e: {  	_ = 	snop  }
0x12f: {  	[hbm4b:s10+s3] =	stream.indirect_vreg.scatter [tilespmem:s31], [sflag:$0x2], $0x80, v4, vm0, $0xb8;
	[tilespmem:$0x10200] =	vst v63  }
0x130: {  	_ = 	snop  }
0x131: {  	[hbm4b:s1+s3] =	stream.indirect_vreg.scatter [tilespmem:s0], [sflag:$0x2], $0x80, v3, vm0, $0xb8;
	[tilespmem:$0x10200] =	vst v63  }
0x132: {  	s19 =	sadd.s32 $0x1, s19  }
0x133: {  	[hbm4b:s10+s3] =	stream.indirect_vreg.scatter [tilespmem:s2], [sflag:$0x2], $0x80, v3, vm0, $0xb8;
	[tilespmem:$0x10200] =	vst v63  }
0x134: {  	p0 =	sne.s32 s19, s11;
	_ =	swait.ge [sflag:s12], $0x8000  }
.Ltmp2:
0x135: {  	[sflag:s12] =	ssyncset.done $0x0;
	(pc) =	sbr.rel @p0 .LBB2_1-.Ltmp2, $4  }
0x136: {  	[sflag:s12] =	ssyncadd.s32 $0xFFFF8000  }
0x137: {  	_ =	swait.ge [sflag:s15], $0x8000  }
0x138: {  	[sflag:s15] =	ssyncset.done $0x0  }
0x139: {  	[sflag:s15] =	ssyncadd.s32 $0xFFFF8000  }
0x13a: {  	_ =	sfence.sel $0x180000  }
0x13b: {  	[bflag:$0x0] =	sbarrier.arrive $0xFFFF  }
0x13c: {  	_ =	strace $0x9000004D  }
0x13d: {  	s0 =	stileid.u32;
	[bflag:$0x2] =	sbarrier.arrive $0xFFFF  }
0x13e: {  	p0 =	sne.s32 s0, $0x0;
	s0 =	rddreg [dreg:$0x3]  }
0x13f: {  	s0 =	sadd.s32 @!p0 $0x100000, s0  }
0x140: {  	[sflag:s0] =	ssyncadd.tile.s32 @!p0 $0x1;
	_ =	shalt  }
.Lfunc_end2:
_tile_overlayer_lowered:
.L_overlay_start_2:
0x141: {  	(tag) =	ssettag $0x2  }
0x142: {  	s0 =	rddreg [dreg:$0x0];
	s2 =	stileid.u32  }
0x143: {  	s1 =	rddreg [dreg:$0x1];
	p0 =	sne.s32 s2, $0x0  }
0x144: {  	s3 =	rddreg [dreg:$0x2];
	[bflag:$0x3] =	sbarrier.arrive $0xFFFF;
	s2 =	simm.s32 @!p0 $0x1C05  }
0x145: {  	[timem:s3], [sflag:s2] =	dma.local @!p0 [hbm:s0], s1  }
0x146: {  	s0 =	simm.s32 @!p0 $0x5  }
0x147: {  	_ =	swait.ge @!p0 [sflag:s0], s1  }
0x148: {  	s1 =	ssub.s32 @!p0 $0x0, s1;
	[sflag:s0] =	ssyncset.done @!p0 $0x0  }
0x149: {  	[sflag:s0] =	ssyncadd.s32 @!p0 s1  }
0x14a: {  	[bflag:$0x3] =	sbarrier.arrive $0xFFFF  }
0x14b: {  	_ =	shalt  }

// kernel: kernel.7.cloned.1.call-start
scs
__scs_entry_jumppad:
0x0: {  	(pc) =	sbr.rel $0x88, $3  }
0x1: {  	(tag) =	ssettag $0x0;
	lr =	simm.s32 $0x1  }
0x2: {  	[smem:$0x3F95] =	sst lr;
	_ =	strace $0xD0000000  }
0x3: {  	_ = 	snop  }
0x4: {  	_ = 	snop  }
0x5: {  	_ = 	snop  }
0x6: {  	_ = 	snop  }
0x7: {  	_ = 	snop  }
__scs_overlays_trampoline_lowered:
0x8: {  	[smem:$0x3FA4] =	sst s0  }
0x9: {  	[smem:$0x3FA5] =	sst s1  }
0xa: {  	[smem:$0x3FA6] =	sst s2  }
0xb: {  	[smem:$0x3FA7] =	sst s3  }
0xc: {  	[smem:$0x3FA8] =	sst s4  }
0xd: {  	[smem:$0x3FA9] =	sst s5  }
0xe: {  	[smem:$0x3FAA] =	sst s6  }
0xf: {  	[smem:$0x3FAB] =	sst s7  }
0x10: {  	[smem:$0x3FAC] =	sst s8  }
0x11: {  	[smem:$0x3FAD] =	sst s9;
	s0 =	simm.s32 @!p0 $0x0  }
0x12: {  	s1 =	sld [smem:$0x3F93];
	s0 =	simm.s32 @p0 $0x1  }
0x13: {  	[smem:$0x3FAE] =	sst s0;
	s0 =	simm.s32 @!p1 $0x0  }
0x14: {  	s2 =	sld [smem:$0x3F92];
	s0 =	simm.s32 @p1 $0x1  }
0x15: {  	[smem:$0x3FAF] =	sst s0;
	s0 =	simm.s32 @!p2 $0x0  }
0x16: {  	s3 =	sld [smem:$0x3FDB];
	s0 =	simm.s32 @p2 $0x1  }
0x17: {  	s4 =	simm.s32 $0x1BF5;
	[smem:$0x3FB1] =	sst s0  }
0x18: {  	s0 =	sld [smem:$0x3F94];
	_ =	swait.ge [sflag:s4], $0x0  }
0x19: {  	s7 =	sld [smem:$0x3F95]  }
0x1a: {  	s8 =	sadd.s32 $0xFFFFE003, lr  }
0x1b: {  	s9 =	sadd.s32 $0xFFFFFEF7, lr;
	s5 =	simm.s32 $0xFFFFFFFF;
	p2 =	slt.u32 s8, $0xFFFFF086  }
0x1c: {  	p1 =	slt.u32 s9, $0xF7A;
	s5 =	simm.s32 @!p2 $0x0  }
0x1d: {  	s5 =	simm.s32 @p1 $0x1;
	p0 =	seq.s32 s7, s2  }
0x1e: {  	s7 =	smul.u32 @!p0 $0xF7A, s2;
	p2 =	seq.s32 @!p0 s5, $0x0  }
0x1f: {  	s9 =	smul.u32 $0xF7A, s1;
	s8 =	simm.s32 @!p0 $0x1BF5;
	p2 =	por !p2, p0  }
0x20: {  	[sflag:s8] =	ssyncset.s32 @!p0 $0xFFFFF086;
	s6 =	sadd.s32 @!p0 s3, s7;
	s7 =	simm.s32 @!p0 $0x108  }
0x21: {  	s3 =	sadd.s32 s3, s9;
	s6 =	sadd.s32 @!p0 $0x88, s6;
	s7 =	simm.s32 @p2 $0x1082  }
0x22: {  	[simem:s7], [sflag:s8] =	dma.local @!p0 [hbm:s6], $0xF7A  }
0x23: {  	s9 =	sor.u32 $0xD0000000, s2;
	s6 =	simm.s32 $0x108;
	_ =	swait.ge @!p0 [sflag:s8], $0x0  }
0x24: {  	s3 =	sadd.s32 $0x88, s3;
	s6 =	simm.s32 @!p1 $0x1082;
	[sflag:s4] =	ssyncset.s32 $0xFFFFF086  }
0x25: {  	[simem:s6], [sflag:s4] =	dma.local [hbm:s3], $0xF7A  }
0x26: {  	[smem:$0x3F95] =	sst s1;
	(tag) =	ssettag s2;
	_ =	strace s9  }
0x27: {  	s1 =	sld [smem:$0x3FA5]  }
0x28: {  	s2 =	sld [smem:$0x3FA6]  }
0x29: {  	s4 =	sld [smem:$0x3FA8]  }
0x2a: {  	p0 =	seq.s32 s5, $0x0;
	s5 =	sld [smem:$0x3FA9]  }
0x2b: {  	s6 =	sld [smem:$0x3FAA]  }
0x2c: {  	s7 =	sld [smem:$0x3FAB]  }
0x2d: {  	s3 =	simm.s32 $0x108;
	s8 =	sld [smem:$0x3FAC]  }
0x2e: {  	s3 =	simm.s32 @!p0 $0x1082;
	s9 =	sld [smem:$0x3FAD]  }
0x2f: {  	lr =	sadd.s32 s0, s3;
	s0 =	sld [smem:$0x3FA4]  }
0x30: {  	s3 =	sld [smem:$0x3FA7]  }
0x31: {  	[smem:$0x3FB0] =	sst s10  }
0x32: {  	s10 =	sld [smem:$0x3FAE];
	_ =	sdelay $0x3  }
0x33: {  	p0 =	seq.s32 s10, $0x1;
	s10 =	sld [smem:$0x3FB0];
	_ =	sdelay $0x3  }
0x34: {  	[smem:$0x3FB0] =	sst s10  }
0x35: {  	s10 =	sld [smem:$0x3FAF];
	_ =	sdelay $0x3  }
0x36: {  	p1 =	seq.s32 s10, $0x1;
	s10 =	sld [smem:$0x3FB0];
	_ =	sdelay $0x3  }
0x37: {  	[smem:$0x3FB0] =	sst s10  }
0x38: {  	s10 =	sld [smem:$0x3FB1]  }
0x39: {  	_ = 	snop;
	(pc) =	sbr.ind lr, $3  }
0x3a: {  	_ = 	snop  }
0x3b: {  	_ = 	snop  }
0x3c: {  	p2 =	seq.s32 s10, $0x1;
	s10 =	sld [smem:$0x3FB0]  }
0x3d: {  	_ =	shalt  }
0x3e: {  	_ =	shalt  }
0x3f: {  	_ =	shalt  }
0x40: {  	_ =	shalt  }
0x41: {  	_ =	shalt  }
0x42: {  	_ =	shalt  }
0x43: {  	_ =	shalt  }
0x44: {  	_ =	shalt  }
0x45: {  	_ =	shalt  }
0x46: {  	_ =	shalt  }
0x47: {  	_ =	shalt  }
0x48: {  	_ =	shalt  }
0x49: {  	_ =	shalt  }
0x4a: {  	_ =	shalt  }
0x4b: {  	_ =	shalt  }
0x4c: {  	_ =	shalt  }
0x4d: {  	_ =	shalt  }
0x4e: {  	_ =	shalt  }
0x4f: {  	_ =	shalt  }
0x50: {  	_ =	shalt  }
0x51: {  	_ =	shalt  }
0x52: {  	_ =	shalt  }
0x53: {  	_ =	shalt  }
0x54: {  	_ =	shalt  }
0x55: {  	_ =	shalt  }
0x56: {  	_ =	shalt  }
0x57: {  	_ =	shalt  }
0x58: {  	_ =	shalt  }
0x59: {  	_ =	shalt  }
0x5a: {  	_ =	shalt  }
0x5b: {  	_ =	shalt  }
0x5c: {  	_ =	shalt  }
0x5d: {  	_ =	shalt  }
0x5e: {  	_ =	shalt  }
0x5f: {  	_ =	shalt  }
0x60: {  	_ =	shalt  }
0x61: {  	_ =	shalt  }
0x62: {  	_ =	shalt  }
0x63: {  	_ =	shalt  }
0x64: {  	_ =	shalt  }
0x65: {  	_ =	shalt  }
0x66: {  	_ =	shalt  }
0x67: {  	_ =	shalt  }
0x68: {  	_ =	shalt  }
0x69: {  	_ =	shalt  }
0x6a: {  	_ =	shalt  }
0x6b: {  	_ =	shalt  }
0x6c: {  	_ =	shalt  }
0x6d: {  	_ =	shalt  }
0x6e: {  	_ =	shalt  }
0x6f: {  	_ =	shalt  }
0x70: {  	_ =	shalt  }
0x71: {  	_ =	shalt  }
0x72: {  	_ =	shalt  }
0x73: {  	_ =	shalt  }
0x74: {  	_ =	shalt  }
0x75: {  	_ =	shalt  }
0x76: {  	_ =	shalt  }
0x77: {  	_ =	shalt  }
0x78: {  	_ =	shalt  }
0x79: {  	_ =	shalt  }
0x7a: {  	_ =	shalt  }
0x7b: {  	_ =	shalt  }
0x7c: {  	_ =	shalt  }
0x7d: {  	_ =	shalt  }
0x7e: {  	_ =	shalt  }
0x7f: {  	_ =	shalt  }
0x80: {  	_ =	shalt  }
0x81: {  	_ =	shalt  }
0x82: {  	_ =	shalt  }
0x83: {  	_ =	shalt  }
0x84: {  	_ =	shalt  }
0x85: {  	_ =	shalt  }
0x86: {  	_ =	shalt  }
0x87: {  	_ =	shalt  }
.Lfunc_end0:
.L_simem_size_0:
called_computation_lowered:
.L_overlay_start_0:
0x88: {  	s2 =	sld [smem:$0x3FD9]  }
0x89: {  	s3 =	sld [smem:$0x3FFE];
	_ =	sdelay $0x1  }
0x8a: {  	s1 =	srdreg.scid  }
0x8b: {  	s0 =	sand.u32 $0x1, s1  }
0x8c: {  	s17 =	sshll.u32 s0, $0xA;
	s2 =	sadd.s32 s3, s2  }
0x8d: {  	s2 =	sadd.s32 s2, s17  }
0x8e: {  	[smem:$0x3FBC] =	sst s2  }
0x8f: {  	_ = 	snop  }
0x90: {  	s4 =	sld [smem:$0x3FC9]  }
0x91: {  	s5 =	sld [smem:$0x3FBF]  }
0x92: {  	s6 =	sld [smem:$0x3FBE]  }
0x93: {  	s18 =	sld [smem:$0x3FD0];
	(tm) =	ssettm $0x1  }
0x94: {  	s19 =	sld [smem:$0x3FFB];
	_ =	sdelay $0x3  }
0x95: {  	_ =	strace s19  }
0x96: {  	s2 =	sld [smem:$0x3FFC];
	_ =	sdelay $0x3  }
0x97: {  	_ =	strace s2  }
0x98: {  	s2 =	sld [smem:$0x3FFD];
	_ =	sdelay $0x3  }
0x99: {  	_ =	strace s2  }
0x9a: {  	_ =	strace $0x8FFFFFFF  }
0x9b: {  	s20 =	sld [smem:$0x3FDB];
	_ =	sdelay $0x1  }
0x9c: {  	s7 =	simm.s32 $_scs_section_size  }
0x9d: {  	s8 =	simm.s32 $_size__tile_overlayer_lowered;
	s9 =	simm.s32 $_tile_overlayer_lowered  }
0x9e: {  	s10 =	simm.s32 $0x1BFF;
	s21 =	sshll.u32 s9, $0x1;
	s7 =	sadd.s32 s7, s20  }
0x9f: {  	s22 =	simm.s32 $0x0;
	s8 =	sshll.u32 s8, $0x1;
	s9 =	sadd.s32 s21, s7  }
0xa0: {  	[timem:s22], [sflag:s10] =	dma.local [hbm:s9], s8  }
0xa1: {  	_ =	swait.ge [sflag:s10], s8  }
0xa2: {  	s8 =	ssub.s32 $0x0, s8;
	[sflag:s10] =	ssyncset.done $0x0  }
0xa3: {  	[sflag:s10] =	ssyncadd.s32 s8;
	_ =	sdelay $0x1  }
0xa4: {  	s23 =	simm.s32 $0x1B8B  }
0xa5: {  	_ =	swait.ge [sflag:s23], $0x1  }
0xa6: {  	[sflag:s23] =	ssyncset.done $0x0  }
0xa7: {  	[sflag:s23] =	ssyncadd.s32 $0xFFFFFFFF  }
0xa8: {  	s8 =	sld [smem:$0x0]  }
0xa9: {  	s9 =	sand.u32 $0xFFFFFFFE, s1  }
0xaa: {  	p0 =	sne.s32 s1, s9  }
0xab: {  	s9 =	sshll.u32 @p0 s9, $0xE  }
0xac: {  	s9 =	sadd.s32 @p0 $0x11B8D, s9;
	s10 =	sshll.u32 @p0 s8, $0x11  }
0xad: {  	s9 =	sor.u32 @p0 s10, s9  }
0xae: {  	[sflag:s9] =	ssyncadd.remote.s32 @p0 $0x1;
	_ =	sdelay $0x1  }
0xaf: {  	s9 =	simm.s32 @p0 $0x1B8D  }
0xb0: {  	_ =	swait.eq @p0 [sflag:s9], $0x1  }
0xb1: {  	[sflag:s9] =	ssyncadd.s32 @p0 $0xFFFFFFFF  }
0xb2: {  	s10 =	sshll.u32 @!p0 s1, $0xE  }
0xb3: {  	s10 =	sor.u32 @!p0 $0x4000, s10;
	s9 =	simm.s32 @!p0 $0x1B8D  }
0xb4: {  	s8 =	sshll.u32 @!p0 s8, $0x11;
	s10 =	sadd.s32 @!p0 $0x11B8D, s10;
	_ =	swait.eq @!p0 [sflag:s9], $0x1  }
0xb5: {  	s8 =	sor.u32 @!p0 s8, s10;
	[sflag:s9] =	ssyncadd.s32 @!p0 $0xFFFFFFFF  }
0xb6: {  	s25 =	simm.s32 $0x1B8E;
	s24 =	sld [smem:$0x3FFE];
	[sflag:s8] =	ssyncadd.remote.s32 @!p0 $0x1  }
0xb7: {  	s26 =	simm.s32 $execute0_lowered;
	[smem:$0x3FD2] =	sst s25  }
0xb8: {  	s9 =	sshll.u32 s26, $0x1;
	_ =	strace $0x80000049;
	[dreg:$0x1] =	wrdreg $0xFFFFFFFF  }
0xb9: {  	s28 =	simm.s32 $_size_execute0_lowered;
	s7 =	sadd.s32 s7, s9;
	[dreg:$0x0] =	wrdreg $0x0  }
0xba: {  	s9 =	sshll.u32 s28, $0x1;
	[dreg:$0x2] =	wrdreg s7  }
0xbb: {  	[dreg:$0x3] =	wrdreg s9  }
0xbc: {  	[dreg:$0x4] =	wrdreg $0xC0  }
0xbd: {  	_ =	task [dreg:s22], $0x5FFFF  }
0xbe: {  	[dreg:$0x1] =	wrdreg $0xFFFFFFFF  }
0xbf: {  	[dreg:$0x0] =	wrdreg $0x60  }
0xc0: {  	[dreg:$0x2] =	wrdreg s4  }
0xc1: {  	[dreg:$0x3] =	wrdreg s5  }
0xc2: {  	[dreg:$0x4] =	wrdreg s6  }
0xc3: {  	[dreg:$0x5] =	wrdreg s24  }
0xc4: {  	[dreg:$0x6] =	wrdreg s18  }
0xc5: {  	[dreg:$0x7] =	wrdreg $0x9  }
0xc6: {  	_ =	task.clear_ibuf [dreg:s22], $0x8FFFF;
	_ =	strace $0x90000049  }
0xc7: {  	s29 =	simm.s32 $0x9;
	_ =	strace $0x8000004B  }
0xc8: {  	_ =	swait.ge [sflag:s29], $0x1  }
0xc9: {  	[sflag:s29] =	ssyncadd.s32 $0xFFFFFFFF  }
0xca: {  	_ =	strace $0x9000004B  }
0xcb: {  	_ =	sfence  }
0xcc: {  	s30 =	sld [smem:$0x0];
	_ =	sdelay $0x2  }
0xcd: {  	s31 =	sshll.u32 s1, $0xD;
	s1 =	sshrl.u32 s1, $0x2  }
0xce: {  	s4 =	sand.u32 $0x4000, s31;
	s1 =	sadd.s32 s1, s30  }
0xcf: {  	s0 =	sor.u32 s4, s0;
	s1 =	sshll.u32 s1, $0x11  }
0xd0: {  	s0 =	sor.u32 s1, s0  }
0xd1: {  	s0 =	sadd.s32 $0x8F2B, s0  }
0xd2: {  	[sflag:s0] =	ssyncadd.remote.s32 $0x1  }
0xd3: {  	_ =	sfence.sel $0xFFFF  }
0xd4: {  	[dreg:$0x0] =	wrdreg $0xFFFFFFFF;
	(pc) =	sbr.abs _section_cstart, $3  }
0xd5: {  	[dreg:$0x1] =	wrdreg $0xFFFFFFFF  }
0xd6: {  	_ =	task.clear_ibuf [dreg:s22], $0x2FFFF;
	_ =	strace $0x9FFFFFFF  }
0xd7: {  	(tm) =	ssettm $0x7FFFFFFF  }
tec
execute0_lowered:
.L_overlay_start_1:
0x0: {  	(tag) =	ssettag $0x1  }
0x1: {  	s1 =	rddreg [dreg:$0x0]  }
0x2: {  	s2 =	rddreg [dreg:$0x1]  }
0x3: {  	s3 =	rddreg [dreg:$0x2]  }
0x4: {  	s7 =	rddreg [dreg:$0x3]  }
0x5: {  	s6 =	rddreg [dreg:$0x4];
	s5 =	simm.s32 $0x0  }
0x6: {  	s12 =	simm.s32 $0x11880;
	[smem:$0x7FF] =	sst s5  }
0x7: {  	s13 =	simm.s32 $0x12080;
	_ =	strace $0x8000004A;
	[dreg:$0xc] =	wrdreg s12  }
0x8: {  	s0 =	srdreg.scid;
	s14 =	simm.s32 $0x12880;
	[dreg:$0xd] =	wrdreg s13  }
0x9: {  	s4 =	stileid.u32;
	s15 =	simm.s32 $0x13080;
	[dreg:$0xe] =	wrdreg s14  }
0xa: {  	s16 =	simm.s32 $0x13880;
	s17 =	simm.s32 $0x14880;
	[dreg:$0xf] =	wrdreg s15  }
0xb: {  	s18 =	simm.s32 $0x15080;
	s19 =	simm.s32 $0x15880;
	[dreg:$0x10] =	wrdreg s16  }
0xc: {  	s20 =	simm.s32 $0x16080;
	s21 =	simm.s32 $0x16880;
	[dreg:$0x11] =	wrdreg s17  }
0xd: {  	s22 =	simm.s32 $0x17080;
	s23 =	simm.s32 $0x17880;
	[dreg:$0x12] =	wrdreg s18  }
0xe: {  	s28 =	simm.s32 $0x4;
	s29 =	simm.s32 $0x5;
	[dreg:$0x13] =	wrdreg s19  }
0xf: {  	s30 =	simm.s32 $0x6;
	s31 =	simm.s32 $0x7;
	[dreg:$0x14] =	wrdreg s20  }
0x10: {  	s0 =	sand.u32 $0x1, s0;
	s8 =	sshll.u32 s4, $0x6;
	[dreg:$0x15] =	wrdreg s21  }
0x11: {  	s9 =	sshll.u32 s4, $0x2;
	s11 =	sshll.u32 s4, $0x1;
	[dreg:$0x16] =	wrdreg s22  }
0x12: {  	s25 =	sor.u32 s0, s11;
	s11 =	simm.s32 $0x11080;
	[dreg:$0x17] =	wrdreg s23  }
0x13: {  	s10 =	sshll.u32 s0, $0x3;
	s12 =	simm.s32 $0x4880;
	[dreg:$0xb] =	wrdreg s11  }
0x14: {  	s8 =	sor.u32 s9, s8;
	s13 =	simm.s32 $0x5080;
	[smem:$0x7F0] =	sst s12  }
0x15: {  	s14 =	simm.s32 $0x5880;
	s0 =	ssub.s32 $0x2, s0;
	[smem:$0x7F1] =	sst s13  }
0x16: {  	s15 =	simm.s32 $0x6080;
	s17 =	simm.s32 $0x6880;
	[smem:$0x7F2] =	sst s14  }
0x17: {  	s18 =	simm.s32 $0x7080;
	s19 =	simm.s32 $0x7880;
	[smem:$0x7F3] =	sst s15  }
0x18: {  	s20 =	simm.s32 $0x8880;
	s21 =	simm.s32 $0x9080;
	[smem:$0x7F4] =	sst s17  }
0x19: {  	s22 =	simm.s32 $0x9880;
	s23 =	simm.s32 $0xA080;
	[smem:$0x7F5] =	sst s18  }
0x1a: {  	s24 =	sadd.s32 s10, s7;
	s8 =	sand.u32 $0xF0, s8;
	[smem:$0x7F6] =	sst s19  }
0x1b: {  	s26 =	sshll.u32 s25, $0xD;
	s10 =	sshll.u32 s25, $0xB;
	[smem:$0x7F7] =	sst s20  }
0x1c: {  	s25 =	simm.s32 $0x1080;
	s11 =	simm.s32 $0x4080;
	[smem:$0x7F8] =	sst s21  }
0x1d: {  	s16 =	sshrl.u32 s0, $0x1;
	[smem:$0x7F9] =	sst s22;
	s12 =	simm.s32 $0x10080  }
0x1e: {  	[smem:$0x7FA] =	sst s23;
	s13 =	simm.s32 $0x14080;
	s14 =	simm.s32 $0x80  }
0x1f: {  	s15 =	simm.s32 $0x8080;
	s17 =	simm.s32 $0xC880;
	s18 =	simm.s32 $0xD080  }
0x20: {  	s19 =	simm.s32 $0xD880;
	s20 =	simm.s32 $0xE080;
	[dreg:$0x19] =	wrdreg s25  }
0x21: {  	s7 =	sadd.s32 s10, s7;
	s10 =	simm.s32 $0x10880;
	[dreg:$0x1f] =	wrdreg s11  }
0x22: {  	s8 =	sadd.s32 s8, s24;
	s24 =	simm.s32 $0x880;
	[dreg:$0xa] =	wrdreg s10  }
0x23: {  	s6 =	sadd.s32 s6, s26;
	s26 =	simm.s32 $0x1880;
	[dreg:$0x18] =	wrdreg s24  }
0x24: {  	s21 =	simm.s32 $0xE880;
	s25 =	simm.s32 $0xB080;
	[dreg:$0x1a] =	wrdreg s26  }
0x25: {  	s22 =	simm.s32 $0xF080;
	s8 =	sadd.s32 $0x3A00, s8;
	[smem:$0x7FC] =	sst s25  }
0x26: {  	s23 =	simm.s32 $0xF880;
	s4 =	sadd.s32 $0x1000, s6;
	[dreg:$0x6] =	wrdreg s8  }
0x27: {  	s0 =	ssub.s32 s0, s16;
	s9 =	sadd.s32 $0x63C00, s7;
	[dreg:$0x7] =	wrdreg s4  }
0x28: {  	s11 =	simm.s32 $0x9;
	s7 =	sadd.s32 $0x73C00, s7;
	[dreg:$0x8] =	wrdreg s9  }
0x29: {  	s10 =	simm.s32 $0x3880;
	s24 =	simm.s32 $0xA880;
	[dreg:$0x9] =	wrdreg s7  }
0x2a: {  	s26 =	simm.s32 $0xB880;
	s25 =	simm.s32 $0x2;
	[dreg:$0x1e] =	wrdreg s10  }
0x2b: {  	s4 =	simm.s32 $0x2080;
	s8 =	simm.s32 $0x2880;
	[smem:$0x7FB] =	sst s24  }
0x2c: {  	s9 =	simm.s32 $0x3080;
	s7 =	sadd.s32 $0x100, s1;
	[smem:$0x7FD] =	sst s26  }
0x2d: {  	v2 =	vlaneseq.u32;
	s10 =	smax.u32 s0, $0x1;
	s24 =	simm.s32 $0x1;
	[dreg:$0x1b] =	wrdreg s4  }
0x2e: {  	vm0 =	vmmov $0xffff;
	v1 =	vshrl.u32 v2, $0x3;
	s26 =	simm.s32 $0x3;
	s0 =	simm.s32 $0x8;
	[dreg:$0x1c] =	wrdreg s8  }
0x2f: {  	v0 =	vand.u32 $0x7, v2;
	v2 =	vor.u32 $0x8, v2;
	v1 =	vmul.u32 $0x8, v1;
	[dreg:$0x1d] =	wrdreg s9;
	s8 =	sadd.s32 $0x200, s1;
	s9 =	sadd.s32 $0x300, s1  }
.LBB2_1:
0x30: {  	s4 =	rddreg [dreg:$0x6]  }
0x31: {  	[tilespmem:s5], [sflag:$0x9] =	stream.linear.gather [hbm4b:s4+s5], $0x40, $0x38;
	[tilespmem:$0x18080] =	vst v63  }
0x32: {  	_ =	swait.ge [sflag:s11], $0x40  }
0x33: {  	[sflag:s11] =	ssyncset.done $0x0  }
0x34: {  	[sflag:s11] =	ssyncadd.s32 $0xFFFFFFC0  }
0x35: {  	v3 =	vld [tilespmem:$0x0];
	_ =	sdelay $0x4  }
0x36: {  	v4 =	vshll.u32 v3, $0x1  }
0x37: {  	v3 =	vand.u32 $0x7, v3;
	v4 =	vand.u32 $0xFFFFFFF0, v4  }
0x38: {  	v3 =	vor.u32 v3, v4  }
0x39: {  	v4 =	vperm.xlane v3, v0;
	_ =	sdelay $0x1  }
0x3a: {  	v3 =	vperm.xlane v3, v2;
	v4 =	vadd.s32 v1, v4;
	_ =	sdelay $0x1  }
0x3b: {  	v3 =	vadd.s32 v1, v3;
	_ =	sdelay $0x2  }
0x3c: {  	[tilespmem:s12], [sflag:$0x3] =	stream.indirect_vreg.gather [hbm4b:s2+s5], $0x80, v4, vm0, $0xb8;
	[tilespmem:$0x18080] =	vst v63  }
0x3d: {  	s16 =	rddreg [dreg:$0xa]  }
0x3e: {  	[tilespmem:s16], [sflag:$0x3] =	stream.indirect_vreg.gather [hbm4b:s2+s5], $0x80, v3, vm0, $0xb8;
	[tilespmem:$0x18080] =	vst v63  }
0x3f: {  	v3 =	vld [tilespmem:$0x10];
	_ =	sdelay $0x4  }
0x40: {  	v53 =	vshll.u32 v3, $0x1  }
0x41: {  	v3 =	vand.u32 $0x7, v3;
	v4 =	vand.u32 $0xFFFFFFF0, v53  }
0x42: {  	v3 =	vor.u32 v3, v4  }
0x43: {  	v4 =	vperm.xlane v3, v0;
	_ =	sdelay $0x1  }
0x44: {  	v3 =	vperm.xlane v3, v2;
	v4 =	vadd.s32 v1, v4;
	_ =	sdelay $0x1  }
0x45: {  	v3 =	vadd.s32 v1, v3;
	_ =	sdelay $0x1  }
0x46: {  	s4 =	rddreg [dreg:$0xb]  }
0x47: {  	[tilespmem:s4], [sflag:$0x3] =	stream.indirect_vreg.gather [hbm4b:s2+s5], $0x80, v4, vm0, $0xb8;
	[tilespmem:$0x18080] =	vst v63  }
0x48: {  	s16 =	rddreg [dreg:$0xc]  }
0x49: {  	[tilespmem:s16], [sflag:$0x3] =	stream.indirect_vreg.gather [hbm4b:s2+s5], $0x80, v3, vm0, $0xb8;
	[tilespmem:$0x18080] =	vst v63  }
0x4a: {  	v3 =	vld [tilespmem:$0x20];
	_ =	sdelay $0x4  }
0x4b: {  	v54 =	vshll.u32 v3, $0x1  }
0x4c: {  	v3 =	vand.u32 $0x7, v3;
	v4 =	vand.u32 $0xFFFFFFF0, v54  }
0x4d: {  	v3 =	vor.u32 v3, v4  }
0x4e: {  	v4 =	vperm.xlane v3, v0;
	_ =	sdelay $0x1  }
0x4f: {  	v3 =	vperm.xlane v3, v2;
	v4 =	vadd.s32 v1, v4;
	_ =	sdelay $0x1  }
0x50: {  	v3 =	vadd.s32 v1, v3;
	_ =	sdelay $0x1  }
0x51: {  	s4 =	rddreg [dreg:$0xd]  }
0x52: {  	[tilespmem:s4], [sflag:$0x3] =	stream.indirect_vreg.gather [hbm4b:s2+s5], $0x80, v4, vm0, $0xb8;
	[tilespmem:$0x18080] =	vst v63  }
0x53: {  	s16 =	rddreg [dreg:$0xe]  }
0x54: {  	[tilespmem:s16], [sflag:$0x3] =	stream.indirect_vreg.gather [hbm4b:s2+s5], $0x80, v3, vm0, $0xb8;
	[tilespmem:$0x18080] =	vst v63  }
0x55: {  	v3 =	vld [tilespmem:$0x30];
	_ =	sdelay $0x4  }
0x56: {  	v55 =	vshll.u32 v3, $0x1  }
0x57: {  	v3 =	vand.u32 $0x7, v3;
	v4 =	vand.u32 $0xFFFFFFF0, v55  }
0x58: {  	v3 =	vor.u32 v3, v4  }
0x59: {  	v4 =	vperm.xlane v3, v0;
	_ =	sdelay $0x1  }
0x5a: {  	v3 =	vperm.xlane v3, v2;
	v4 =	vadd.s32 v1, v4;
	_ =	sdelay $0x1  }
0x5b: {  	v3 =	vadd.s32 v1, v3;
	_ =	sdelay $0x1  }
0x5c: {  	s4 =	rddreg [dreg:$0xf]  }
0x5d: {  	[tilespmem:s4], [sflag:$0x3] =	stream.indirect_vreg.gather [hbm4b:s2+s5], $0x80, v4, vm0, $0xb8;
	[tilespmem:$0x18080] =	vst v63  }
0x5e: {  	s16 =	rddreg [dreg:$0x10]  }
0x5f: {  	[tilespmem:s16], [sflag:$0x3] =	stream.indirect_vreg.gather [hbm4b:s2+s5], $0x80, v3, vm0, $0xb8;
	[tilespmem:$0x18080] =	vst v63  }
0x60: {  	v3 =	vld [tilespmem:$0x0];
	_ =	sdelay $0x4  }
0x61: {  	v56 =	vshll.u32 v3, $0x1  }
0x62: {  	v3 =	vand.u32 $0x7, v3;
	v4 =	vand.u32 $0xFFFFFFF0, v56  }
0x63: {  	v3 =	vor.u32 v3, v4  }
0x64: {  	v4 =	vperm.xlane v3, v0;
	_ =	sdelay $0x1  }
0x65: {  	v3 =	vperm.xlane v3, v2;
	v4 =	vadd.s32 v1, v4;
	_ =	sdelay $0x1  }
0x66: {  	v3 =	vadd.s32 v1, v3;
	_ =	sdelay $0x2  }
0x67: {  	[tilespmem:s13], [sflag:$0x4] =	stream.indirect_vreg.gather [hbm4b:s3+s5], $0x80, v4, vm0, $0xb8;
	[tilespmem:$0x18080] =	vst v63  }
0x68: {  	s16 =	rddreg [dreg:$0x11]  }
0x69: {  	[tilespmem:s16], [sflag:$0x4] =	stream.indirect_vreg.gather [hbm4b:s3+s5], $0x80, v3, vm0, $0xb8;
	[tilespmem:$0x18080] =	vst v63  }
0x6a: {  	v3 =	vld [tilespmem:$0x10];
	_ =	sdelay $0x4  }
0x6b: {  	v57 =	vshll.u32 v3, $0x1  }
0x6c: {  	v3 =	vand.u32 $0x7, v3;
	v4 =	vand.u32 $0xFFFFFFF0, v57  }
0x6d: {  	v3 =	vor.u32 v3, v4  }
0x6e: {  	v4 =	vperm.xlane v3, v0;
	_ =	sdelay $0x1  }
0x6f: {  	v3 =	vperm.xlane v3, v2;
	v4 =	vadd.s32 v1, v4;
	_ =	sdelay $0x1  }
0x70: {  	v3 =	vadd.s32 v1, v3;
	_ =	sdelay $0x1  }
0x71: {  	s4 =	rddreg [dreg:$0x12]  }
0x72: {  	[tilespmem:s4], [sflag:$0x4] =	stream.indirect_vreg.gather [hbm4b:s3+s5], $0x80, v4, vm0, $0xb8;
	[tilespmem:$0x18080] =	vst v63  }
0x73: {  	s16 =	rddreg [dreg:$0x13]  }
0x74: {  	[tilespmem:s16], [sflag:$0x4] =	stream.indirect_vreg.gather [hbm4b:s3+s5], $0x80, v3, vm0, $0xb8;
	[tilespmem:$0x18080] =	vst v63  }
0x75: {  	v3 =	vld [tilespmem:$0x20];
	_ =	sdelay $0x4  }
0x76: {  	v58 =	vshll.u32 v3, $0x1  }
0x77: {  	v3 =	vand.u32 $0x7, v3;
	v4 =	vand.u32 $0xFFFFFFF0, v58  }
0x78: {  	v3 =	vor.u32 v3, v4  }
0x79: {  	v4 =	vperm.xlane v3, v0;
	_ =	sdelay $0x1  }
0x7a: {  	v3 =	vperm.xlane v3, v2;
	v4 =	vadd.s32 v1, v4;
	_ =	sdelay $0x1  }
0x7b: {  	v3 =	vadd.s32 v1, v3;
	_ =	sdelay $0x1  }
0x7c: {  	s4 =	rddreg [dreg:$0x14]  }
0x7d: {  	[tilespmem:s4], [sflag:$0x4] =	stream.indirect_vreg.gather [hbm4b:s3+s5], $0x80, v4, vm0, $0xb8;
	[tilespmem:$0x18080] =	vst v63  }
0x7e: {  	s16 =	rddreg [dreg:$0x15]  }
0x7f: {  	[tilespmem:s16], [sflag:$0x4] =	stream.indirect_vreg.gather [hbm4b:s3+s5], $0x80, v3, vm0, $0xb8;
	[tilespmem:$0x18080] =	vst v63  }
0x80: {  	v3 =	vld [tilespmem:$0x30];
	_ =	sdelay $0x4  }
0x81: {  	v59 =	vshll.u32 v3, $0x1  }
0x82: {  	v3 =	vand.u32 $0x7, v3;
	v4 =	vand.u32 $0xFFFFFFF0, v59  }
0x83: {  	v3 =	vor.u32 v3, v4  }
0x84: {  	v4 =	vperm.xlane v3, v0;
	_ =	sdelay $0x1  }
0x85: {  	v3 =	vperm.xlane v3, v2;
	v4 =	vadd.s32 v1, v4;
	_ =	sdelay $0x1  }
0x86: {  	v3 =	vadd.s32 v1, v3;
	_ =	sdelay $0x1  }
0x87: {  	s4 =	rddreg [dreg:$0x16]  }
0x88: {  	[tilespmem:s4], [sflag:$0x4] =	stream.indirect_vreg.gather [hbm4b:s3+s5], $0x80, v4, vm0, $0xb8;
	[tilespmem:$0x18080] =	vst v63  }
0x89: {  	s16 =	rddreg [dreg:$0x17]  }
0x8a: {  	[tilespmem:s16], [sflag:$0x4] =	stream.indirect_vreg.gather [hbm4b:s3+s5], $0x80, v3, vm0, $0xb8;
	[tilespmem:$0x18080] =	vst v63  }
0x8b: {  	v3 =	vld [tilespmem:$0x0];
	_ =	sdelay $0x4  }
0x8c: {  	v60 =	vshll.u32 v3, $0x3  }
0x8d: {  	v3 =	vand.u32 $0x7, v3;
	v4 =	vand.u32 $0xFFFFFFC0, v60  }
0x8e: {  	v3 =	vor.u32 v3, v4  }
0x8f: {  	v4 =	vperm.xlane v3, v0;
	_ =	sdelay $0x1  }
0x90: {  	v4 =	vadd.s32 v1, v4;
	_ =	sdelay $0x4  }
0x91: {  	[tilespmem:s14], [sflag:$0x1] =	stream.indirect_vreg.gather [hbm4b:s1+s5], $0x80, v4, vm0, $0xb8;
	[tilespmem:$0x18080] =	vst v63  }
0x92: {  	s4 =	rddreg [dreg:$0x18];
	v3 =	vperm.xlane v3, v2  }
0x93: {  	[tilespmem:s4], [sflag:$0x1] =	stream.indirect_vreg.gather [hbm4b:s7+s5], $0x80, v4, vm0, $0xb8;
	[tilespmem:$0x18080] =	vst v63  }
0x94: {  	s16 =	rddreg [dreg:$0x19];
	v3 =	vadd.s32 v1, v3  }
0x95: {  	[tilespmem:s16], [sflag:$0x1] =	stream.indirect_vreg.gather [hbm4b:s8+s5], $0x80, v4, vm0, $0xb8;
	[tilespmem:$0x18080] =	vst v63  }
0x96: {  	s4 =	rddreg [dreg:$0x1a]  }
0x97: {  	[tilespmem:s4], [sflag:$0x1] =	stream.indirect_vreg.gather [hbm4b:s9+s5], $0x80, v4, vm0, $0xb8;
	[tilespmem:$0x18080] =	vst v63  }
0x98: {  	s16 =	rddreg [dreg:$0x1b]  }
0x99: {  	[tilespmem:s16], [sflag:$0x1] =	stream.indirect_vreg.gather [hbm4b:s1+s5], $0x80, v3, vm0, $0xb8;
	[tilespmem:$0x18080] =	vst v63  }
0x9a: {  	s4 =	rddreg [dreg:$0x1c]  }
0x9b: {  	[tilespmem:s4], [sflag:$0x1] =	stream.indirect_vreg.gather [hbm4b:s7+s5], $0x80, v3, vm0, $0xb8;
	[tilespmem:$0x18080] =	vst v63  }
0x9c: {  	s16 =	rddreg [dreg:$0x1d]  }
0x9d: {  	[tilespmem:s16], [sflag:$0x1] =	stream.indirect_vreg.gather [hbm4b:s8+s5], $0x80, v3, vm0, $0xb8;
	[tilespmem:$0x18080] =	vst v63  }
0x9e: {  	s4 =	rddreg [dreg:$0x1e]  }
0x9f: {  	[tilespmem:s4], [sflag:$0x1] =	stream.indirect_vreg.gather [hbm4b:s9+s5], $0x80, v3, vm0, $0xb8;
	[tilespmem:$0x18080] =	vst v63  }
0xa0: {  	v3 =	vld [tilespmem:$0x10];
	_ =	sdelay $0x4  }
0xa1: {  	v61 =	vshll.u32 v3, $0x3  }
0xa2: {  	v3 =	vand.u32 $0x7, v3;
	v4 =	vand.u32 $0xFFFFFFC0, v61  }
0xa3: {  	v3 =	vor.u32 v3, v4  }
0xa4: {  	v4 =	vperm.xlane v3, v0;
	_ =	sdelay $0x1  }
0xa5: {  	v4 =	vadd.s32 v1, v4;
	_ =	sdelay $0x2  }
0xa6: {  	s16 =	sld [smem:$0x7F0]  }
0xa7: {  	s4 =	rddreg [dreg:$0x1f]  }
0xa8: {  	[tilespmem:s4], [sflag:$0x1] =	stream.indirect_vreg.gather [hbm4b:s1+s5], $0x80, v4, vm0, $0xb8;
	[tilespmem:$0x18080] =	vst v63  }
0xa9: {  	v3 =	vperm.xlane v3, v2;
	s4 =	sld [smem:$0x7F1]  }
0xaa: {  	[tilespmem:s16], [sflag:$0x1] =	stream.indirect_vreg.gather [hbm4b:s7+s5], $0x80, v4, vm0, $0xb8;
	[tilespmem:$0x18080] =	vst v63  }
0xab: {  	v3 =	vadd.s32 v1, v3;
	s16 =	sld [smem:$0x7F2]  }
0xac: {  	[tilespmem:s4], [sflag:$0x1] =	stream.indirect_vreg.gather [hbm4b:s8+s5], $0x80, v4, vm0, $0xb8;
	[tilespmem:$0x18080] =	vst v63  }
0xad: {  	s4 =	sld [smem:$0x7F3]  }
0xae: {  	[tilespmem:s16], [sflag:$0x1] =	stream.indirect_vreg.gather [hbm4b:s9+s5], $0x80, v4, vm0, $0xb8;
	[tilespmem:$0x18080] =	vst v63  }
0xaf: {  	s16 =	sld [smem:$0x7F4]  }
0xb0: {  	[tilespmem:s4], [sflag:$0x1] =	stream.indirect_vreg.gather [hbm4b:s1+s5], $0x80, v3, vm0, $0xb8;
	[tilespmem:$0x18080] =	vst v63  }
0xb1: {  	s4 =	sld [smem:$0x7F5]  }
0xb2: {  	[tilespmem:s16], [sflag:$0x1] =	stream.indirect_vreg.gather [hbm4b:s7+s5], $0x80, v3, vm0, $0xb8;
	[tilespmem:$0x18080] =	vst v63  }
0xb3: {  	s16 =	sld [smem:$0x7F6]  }
0xb4: {  	[tilespmem:s4], [sflag:$0x1] =	stream.indirect_vreg.gather [hbm4b:s8+s5], $0x80, v3, vm0, $0xb8;
	[tilespmem:$0x18080] =	vst v63  }
0xb5: {  	_ = 	snop  }
0xb6: {  	[tilespmem:s16], [sflag:$0x1] =	stream.indirect_vreg.gather [hbm4b:s9+s5], $0x80, v3, vm0, $0xb8;
	[tilespmem:$0x18080] =	vst v63  }
0xb7: {  	v3 =	vld [tilespmem:$0x20];
	_ =	sdelay $0x4  }
0xb8: {  	v62 =	vshll.u32 v3, $0x3  }
0xb9: {  	v3 =	vand.u32 $0x7, v3;
	v4 =	vand.u32 $0xFFFFFFC0, v62  }
0xba: {  	v3 =	vor.u32 v3, v4  }
0xbb: {  	v4 =	vperm.xlane v3, v0;
	_ =	sdelay $0x1  }
0xbc: {  	v4 =	vadd.s32 v1, v4;
	_ =	sdelay $0x3  }
0xbd: {  	s4 =	sld [smem:$0x7F7]  }
0xbe: {  	[tilespmem:s15], [sflag:$0x2] =	stream.indirect_vreg.gather [hbm4b:s1+s5], $0x80, v4, vm0, $0xb8;
	[tilespmem:$0x18080] =	vst v63  }
0xbf: {  	s16 =	sld [smem:$0x7F8];
	v3 =	vperm.xlane v3, v2  }
0xc0: {  	[tilespmem:s4], [sflag:$0x2] =	stream.indirect_vreg.gather [hbm4b:s7+s5], $0x80, v4, vm0, $0xb8;
	[tilespmem:$0x18080] =	vst v63  }
0xc1: {  	v3 =	vadd.s32 v1, v3;
	s4 =	sld [smem:$0x7F9]  }
0xc2: {  	[tilespmem:s16], [sflag:$0x2] =	stream.indirect_vreg.gather [hbm4b:s8+s5], $0x80, v4, vm0, $0xb8;
	[tilespmem:$0x18080] =	vst v63  }
0xc3: {  	s16 =	sld [smem:$0x7FA]  }
0xc4: {  	[tilespmem:s4], [sflag:$0x2] =	stream.indirect_vreg.gather [hbm4b:s9+s5], $0x80, v4, vm0, $0xb8;
	[tilespmem:$0x18080] =	vst v63  }
0xc5: {  	s4 =	sld [smem:$0x7FB]  }
0xc6: {  	[tilespmem:s16], [sflag:$0x2] =	stream.indirect_vreg.gather [hbm4b:s1+s5], $0x80, v3, vm0, $0xb8;
	[tilespmem:$0x18080] =	vst v63  }
0xc7: {  	s16 =	sld [smem:$0x7FC]  }
0xc8: {  	[tilespmem:s4], [sflag:$0x2] =	stream.indirect_vreg.gather [hbm4b:s7+s5], $0x80, v3, vm0, $0xb8;
	[tilespmem:$0x18080] =	vst v63  }
0xc9: {  	s4 =	sld [smem:$0x7FD]  }
0xca: {  	[tilespmem:s16], [sflag:$0x2] =	stream.indirect_vreg.gather [hbm4b:s8+s5], $0x80, v3, vm0, $0xb8;
	[tilespmem:$0x18080] =	vst v63  }
0xcb: {  	_ = 	snop  }
0xcc: {  	[tilespmem:s4], [sflag:$0x2] =	stream.indirect_vreg.gather [hbm4b:s9+s5], $0x80, v3, vm0, $0xb8;
	[tilespmem:$0x18080] =	vst v63  }
0xcd: {  	v3 =	vld [tilespmem:$0x30];
	_ =	sdelay $0x4  }
0xce: {  	v63 =	vshll.u32 v3, $0x3  }
0xcf: {  	v3 =	vand.u32 $0x7, v3;
	v4 =	vand.u32 $0xFFFFFFC0, v63  }
0xd0: {  	v3 =	vor.u32 v3, v4  }
0xd1: {  	v4 =	vperm.xlane v3, v0;
	_ =	sdelay $0x1  }
0xd2: {  	v4 =	vadd.s32 v1, v4;
	_ =	sdelay $0x3  }
0xd3: {  	s16 =	simm.s32 $0xC080  }
0xd4: {  	[tilespmem:s16], [sflag:$0x2] =	stream.indirect_vreg.gather [hbm4b:s1+s5], $0x80, v4, vm0, $0xb8;
	[tilespmem:$0x18080] =	vst v63  }
0xd5: {  	v3 =	vperm.xlane v3, v2  }
0xd6: {  	[tilespmem:s17], [sflag:$0x2] =	stream.indirect_vreg.gather [hbm4b:s7+s5], $0x80, v4, vm0, $0xb8;
	[tilespmem:$0x18080] =	vst v63  }
0xd7: {  	v3 =	vadd.s32 v1, v3  }
0xd8: {  	[tilespmem:s18], [sflag:$0x2] =	stream.indirect_vreg.gather [hbm4b:s8+s5], $0x80, v4, vm0, $0xb8;
	[tilespmem:$0x18080] =	vst v63  }
0xd9: {  	_ = 	snop  }
0xda: {  	[tilespmem:s19], [sflag:$0x2] =	stream.indirect_vreg.gather [hbm4b:s9+s5], $0x80, v4, vm0, $0xb8;
	[tilespmem:$0x18080] =	vst v63  }
0xdb: {  	_ = 	snop  }
0xdc: {  	[tilespmem:s20], [sflag:$0x2] =	stream.indirect_vreg.gather [hbm4b:s1+s5], $0x80, v3, vm0, $0xb8;
	[tilespmem:$0x18080] =	vst v63  }
0xdd: {  	_ = 	snop  }
0xde: {  	[tilespmem:s21], [sflag:$0x2] =	stream.indirect_vreg.gather [hbm4b:s7+s5], $0x80, v3, vm0, $0xb8;
	[tilespmem:$0x18080] =	vst v63  }
0xdf: {  	_ = 	snop  }
0xe0: {  	[tilespmem:s22], [sflag:$0x2] =	stream.indirect_vreg.gather [hbm4b:s8+s5], $0x80, v3, vm0, $0xb8;
	[tilespmem:$0x18080] =	vst v63  }
0xe1: {  	_ = 	snop  }
0xe2: {  	[tilespmem:s23], [sflag:$0x2] =	stream.indirect_vreg.gather [hbm4b:s9+s5], $0x80, v3, vm0, $0xb8;
	[tilespmem:$0x18080] =	vst v63  }
0xe3: {  	_ =	swait.ge [sflag:s24], $0x8000  }
0xe4: {  	[sflag:s24] =	ssyncset.done $0x0  }
0xe5: {  	[sflag:s24] =	ssyncadd.s32 $0xFFFF8000  }
0xe6: {  	[hbm4b:s6+s5] =	stream.linear.scatter [tilespmem:s14], [sflag:$0x5], $0x8000, $0x38;
	[tilespmem:$0x18080] =	vst v63  }
0xe7: {  	_ =	swait.ge [sflag:s25], $0x8000  }
0xe8: {  	[sflag:s25] =	ssyncset.done $0x0  }
0xe9: {  	s16 =	rddreg [dreg:$0x7];
	[sflag:s25] =	ssyncadd.s32 $0xFFFF8000  }
0xea: {  	[hbm4b:s16+s5] =	stream.linear.scatter [tilespmem:s15], [sflag:$0x6], $0x8000, $0x38;
	[tilespmem:$0x18080] =	vst v63  }
0xeb: {  	_ =	swait.ge [sflag:s26], $0x4000  }
0xec: {  	[sflag:s26] =	ssyncset.done $0x0  }
0xed: {  	s16 =	rddreg [dreg:$0x8];
	[sflag:s26] =	ssyncadd.s32 $0xFFFFC000  }
0xee: {  	[hbm4b:s16+s5] =	stream.linear.scatter [tilespmem:s12], [sflag:$0x7], $0x4000, $0x38;
	[tilespmem:$0x18080] =	vst v63  }
0xef: {  	_ =	swait.ge [sflag:s28], $0x4000  }
0xf0: {  	[sflag:s28] =	ssyncset.done $0x0  }
0xf1: {  	s16 =	rddreg [dreg:$0x9];
	[sflag:s28] =	ssyncadd.s32 $0xFFFFC000  }
0xf2: {  	[hbm4b:s16+s5] =	stream.linear.scatter [tilespmem:s13], [sflag:$0x8], $0x4000, $0x38;
	[tilespmem:$0x18080] =	vst v63  }
0xf3: {  	_ =	swait.ge [sflag:s29], $0x8000  }
0xf4: {  	[sflag:s29] =	ssyncset.done $0x0  }
0xf5: {  	[sflag:s29] =	ssyncadd.s32 $0xFFFF8000  }
0xf6: {  	_ =	swait.ge [sflag:s30], $0x8000  }
0xf7: {  	[sflag:s30] =	ssyncset.done $0x0  }
0xf8: {  	[sflag:s30] =	ssyncadd.s32 $0xFFFF8000  }
0xf9: {  	p0 =	sne.s32 s10, $0x1;
	_ =	swait.ge [sflag:s31], $0x4000  }
.Ltmp0:
0xfa: {  	[sflag:s31] =	ssyncset.done $0x0;
	(pc) =	sbr.rel @p0 .LBB2_1-.Ltmp0, $4  }
0xfb: {  	[sflag:s31] =	ssyncadd.s32 $0xFFFFC000  }
0xfc: {  	_ =	swait.ge [sflag:s0], $0x4000  }
0xfd: {  	[sflag:s0] =	ssyncset.done $0x0  }
0xfe: {  	s10 =	sadd.s32 $0xFFFFFFFF, s10;
	[sflag:s0] =	ssyncadd.s32 $0xFFFFC000  }
0xff: {  	_ =	sfence.sel $0x180000  }
0x100: {  	[bflag:$0x0] =	sbarrier.arrive $0xFFFF  }
0x101: {  	_ =	strace $0x9000004A  }
0x102: {  	s0 =	stileid.u32;
	[bflag:$0x2] =	sbarrier.arrive $0xFFFF  }
0x103: {  	p0 =	sne.s32 s0, $0x0;
	s0 =	rddreg [dreg:$0x5]  }
0x104: {  	s0 =	sadd.s32 @!p0 $0x100000, s0  }
0x105: {  	[sflag:s0] =	ssyncadd.tile.s32 @!p0 $0x1;
	_ =	shalt  }
.Lfunc_end2:
_tile_overlayer_lowered:
.L_overlay_start_2:
0x106: {  	(tag) =	ssettag $0x2  }
0x107: {  	s0 =	rddreg [dreg:$0x0];
	s2 =	stileid.u32  }
0x108: {  	s1 =	rddreg [dreg:$0x1];
	p0 =	sne.s32 s2, $0x0  }
0x109: {  	s3 =	rddreg [dreg:$0x2];
	[bflag:$0x3] =	sbarrier.arrive $0xFFFF;
	s2 =	simm.s32 @!p0 $0x1C09  }
0x10a: {  	[timem:s3], [sflag:s2] =	dma.local @!p0 [hbm:s0], s1  }
0x10b: {  	s0 =	simm.s32 @!p0 $0x9  }
0x10c: {  	_ =	swait.ge @!p0 [sflag:s0], s1  }
0x10d: {  	s1 =	ssub.s32 @!p0 $0x0, s1;
	[sflag:s0] =	ssyncset.done @!p0 $0x0  }
0x10e: {  	[sflag:s0] =	ssyncadd.s32 @!p0 s1  }
0x10f: {  	[bflag:$0x3] =	sbarrier.arrive $0xFFFF  }
0x110: {  	_ =	shalt  }

</sc_bundles>
